<compile_context>
chip_gen: v7x
topology: tpu7x:2x2x1
jax: 0.10.2.dev20260603
libtpu: 0.0.44.dev20260713+nightly
codegen_flags: <defaults>
</compile_context>

<pallas_src>
import functools

import jax
import jax.numpy as jnp
from jax import lax
from jax.experimental import pallas as pl
from jax.experimental.pallas import tpu as pltpu
from jax.experimental.pallas import tpu_sc as plsc

_N = 10000
_E = 320000
_D = 128
_CB = 100
_NC = 2
_NS = 16
_NW = _NC * _NS
_ROWS_W = _E // (_CB * _NW)
_SBB = 10
_NSB = _ROWS_W // _SBB
_NPT = 624
_NTAIL = _N - _NS * _NPT


def _sc_mesh():
    return plsc.VectorSubcoreMesh(core_axis_name="c", subcore_axis_name="s")


def _copy_node_rows(src_ref, dst_ref, s):
    pltpu.sync_copy(src_ref.at[pl.ds(s * _NPT, _NPT)],
                    dst_ref.at[pl.ds(s * _NPT, _NPT)])

    @pl.when(s == _NS - 1)
    def _():
        pltpu.sync_copy(src_ref.at[pl.ds(_NS * _NPT, _NTAIL)],
                        dst_ref.at[pl.ds(_NS * _NPT, _NTAIL)])


@functools.partial(
    pl.kernel,
    out_type=jax.ShapeDtypeStruct((_NC, _N), jnp.float32),
    scratch_types=[
        pltpu.VMEM_SHARED((_N,), jnp.float32),
        pltpu.VMEM((_ROWS_W, _CB), jnp.int32),
        pltpu.VMEM((_CB,), jnp.float32),
        pltpu.SemaphoreType.DMA,
    ],
    mesh=_sc_mesh(),
)
def _deg_kernel(ones_hbm, dst_hbm, out_hbm, deg_sh, dst_blk, ones_v, dsem):
    c = lax.axis_index("c")
    s = lax.axis_index("s")
    w = c * _NS + s
    win = 8

    @pl.when(s == 0)
    def _():
        pltpu.sync_copy(ones_hbm, deg_sh)

    pltpu.sync_copy(dst_hbm.at[w], dst_blk)
    pltpu.sync_copy(ones_hbm.at[pl.ds(0, _CB)], ones_v)
    plsc.subcore_barrier()

    def _wait_one():
        pltpu.make_async_copy(ones_v, deg_sh.at[dst_blk.at[0]], dsem).wait()

    def body(j, carry):
        @pl.when(j >= win)
        def _():
            _wait_one()

        pltpu.async_copy(ones_v, deg_sh.at[dst_blk.at[j]], dsem, add=True)
        return carry

    lax.fori_loop(0, _ROWS_W, body, 0)
    for _ in range(win):
        _wait_one()
    plsc.subcore_barrier()

    @pl.when(s == 0)
    def _():
        pltpu.sync_copy(deg_sh, out_hbm.at[c])


@functools.partial(
    pl.kernel,
    out_type=jax.ShapeDtypeStruct((_NC, _N, _D), jnp.float32),
    scratch_types=[
        pltpu.VMEM_SHARED((_N, _D), jnp.float32),
        pltpu.VMEM((2, _SBB, _CB), jnp.int32),
        pltpu.VMEM((2, _SBB, _CB), jnp.int32),
        pltpu.VMEM((3, _CB, _D), jnp.float32),
        pltpu.SemaphoreType.DMA,
        pltpu.SemaphoreType.DMA,
        pltpu.SemaphoreType.DMA,
        pltpu.SemaphoreType.DMA,
    ],
    mesh=_sc_mesh(),
)
def _agg_kernel(g_hbm, src_hbm, dst_hbm, out_hbm, acc_sh, srcb, dstb,
                rows, gsem, ssem, isem, nsem):
    c = lax.axis_index("c")
    s = lax.axis_index("s")
    w = c * _NS + s
    src_w = src_hbm.at[w]
    dst_w = dst_hbm.at[w]
    nblk = _NSB * _SBB

    def _gather_start(q, r, m):
        pltpu.async_copy(g_hbm.at[srcb.at[q, r]], rows.at[m], gsem)

    def _scatter_start(q, r, m):
        pltpu.async_copy(rows.at[m], acc_sh.at[dstb.at[q, r]], ssem, add=True)

    def _wait_rows(sem):
        pltpu.make_async_copy(g_hbm.at[srcb.at[0, 0]], rows.at[0], sem).wait()

    pltpu.async_copy(g_hbm.at[pl.ds(s * _NPT, _NPT)],
                     acc_sh.at[pl.ds(s * _NPT, _NPT)], nsem)

    @pl.when(s == _NS - 1)
    def _():
        pltpu.async_copy(g_hbm.at[pl.ds(_NS * _NPT, _NTAIL)],
                         acc_sh.at[pl.ds(_NS * _NPT, _NTAIL)], nsem)

    pltpu.sync_copy(src_w.at[0], srcb.at[0])
    pltpu.sync_copy(dst_w.at[0], dstb.at[0])
    pltpu.async_copy(src_w.at[1], srcb.at[1], isem)
    pltpu.async_copy(dst_w.at[1], dstb.at[1], isem)

    _gather_start(0, 0, 0)
    _gather_start(0, 1, 1)

    pltpu.make_async_copy(g_hbm.at[pl.ds(s * _NPT, _NPT)],
                          acc_sh.at[pl.ds(s * _NPT, _NPT)], nsem).wait()

    @pl.when(s == _NS - 1)
    def _():
        pltpu.make_async_copy(g_hbm.at[pl.ds(_NS * _NPT, _NTAIL)],
                              acc_sh.at[pl.ds(_NS * _NPT, _NTAIL)], nsem).wait()

    plsc.subcore_barrier()

    def body(j, carry):
        sb = j // _SBB
        r = lax.rem(j, _SBB)
        q = lax.rem(sb, 2)
        m = lax.rem(j, 3)
        j2 = j + 2
        sb2 = j2 // _SBB
        r2 = lax.rem(j2, _SBB)
        q2 = lax.rem(sb2, 2)
        m2 = lax.rem(j2, 3)

        _wait_rows(gsem)
        _scatter_start(q, r, m)

        @pl.when(j >= 1)
        def _():
            _wait_rows(ssem)

        @pl.when(jnp.logical_and(r == 2, jnp.logical_and(sb >= 1, sb + 1 < _NSB)))
        def _():
            pltpu.async_copy(src_w.at[sb + 1], srcb.at[1 - q], isem)
            pltpu.async_copy(dst_w.at[sb + 1], dstb.at[1 - q], isem)

        @pl.when(jnp.logical_and(r == _SBB - 2, sb + 1 < _NSB))
        def _():
            pltpu.make_async_copy(src_w.at[0], srcb.at[0], isem).wait()
            pltpu.make_async_copy(dst_w.at[0], dstb.at[0], isem).wait()

        @pl.when(j2 < nblk)
        def _():
            _gather_start(q2, r2, m2)

        return carry

    lax.fori_loop(0, nblk, body, 0)
    _wait_rows(ssem)
    plsc.subcore_barrier()

    _copy_node_rows(acc_sh, out_hbm.at[c], s)


_BN = 2000


def _t1_body(d0, d1, x, w, o):
    dinv = lax.rsqrt(d0[...] + d1[...] - 1.0)
    o[...] = dinv * jnp.dot(x[...], w[...], preferred_element_type=jnp.float32)


def _t2_body(d0, d1, a0, a1, g, b, w, o):
    dinv = lax.rsqrt(d0[...] + d1[...] - 1.0)
    u = jnp.maximum(dinv * (a0[...] + a1[...] - g[...]) + b[...], 0.0)
    o[...] = dinv * jnp.dot(u, w[...], preferred_element_type=jnp.float32)


def _t3_body(d0, d1, a0, a1, g, b, o):
    dinv = lax.rsqrt(d0[...] + d1[...] - 1.0)
    o[...] = jnp.maximum(dinv * (a0[...] + a1[...] - g[...]) + b[...], 0.0)


_col = pl.BlockSpec((_BN, 1), lambda i: (i, 0))
_mat = pl.BlockSpec((_BN, _D), lambda i: (i, 0))
_wspec = pl.BlockSpec((_D, _D), lambda i: (0, 0))
_bspec = pl.BlockSpec((1, _D), lambda i: (0, 0))
_oshape = jax.ShapeDtypeStruct((_N, _D), jnp.float32)


def _t1(d0, d1, x, W):
    return pl.pallas_call(
        _t1_body,
        grid=(_N // _BN,),
        in_specs=[_col, _col, _mat, _wspec],
        out_specs=_mat,
        out_shape=_oshape,
    )(d0, d1, x, W)


def _t2(d0, d1, a0, a1, g, b, W):
    return pl.pallas_call(
        _t2_body,
        grid=(_N // _BN,),
        in_specs=[_col, _col, _mat, _mat, _mat, _bspec, _wspec],
        out_specs=_mat,
        out_shape=_oshape,
    )(d0, d1, a0, a1, g, b, W)


def _t3(d0, d1, a0, a1, g, b):
    return pl.pallas_call(
        _t3_body,
        grid=(_N // _BN,),
        in_specs=[_col, _col, _mat, _mat, _mat, _bspec],
        out_specs=_mat,
        out_shape=_oshape,
    )(d0, d1, a0, a1, g, b)


def kernel(x, edge_index, W1, b1, W2, b2):
    src4 = edge_index[0].reshape(_NW, _NSB, _SBB, _CB)
    dst4 = edge_index[1].reshape(_NW, _NSB, _SBB, _CB)
    dst2 = edge_index[1].reshape(_NW, _ROWS_W, _CB)
    ones1 = jnp.ones((_N,), jnp.float32)

    degp = _deg_kernel(ones1, dst2)
    d0 = degp[0].reshape(_N, 1)
    d1 = degp[1].reshape(_N, 1)

    g1 = _t1(d0, d1, x, W1)
    acc = _agg_kernel(g1, src4, dst4)
    g2 = _t2(d0, d1, acc[0], acc[1], g1, b1.reshape(1, _D), W2)
    acc2 = _agg_kernel(g2, src4, dst4)
    return _t3(d0, d1, acc2[0], acc2[1], g2, b2.reshape(1, _D))

# --- scband reference (transcript-rebuilt; emitter-appended) ---
"""Pipeline reference for scband-encoder-83425444758108 (READ-ONLY COPY).

The authoritative reference and input builder live on the scoring server;
editing this copy changes nothing except your own understanding.
"""

import jax, jax.numpy as jnp
import numpy as np

N_NODES = 10000
N_EDGES = 320000
D_IN = 128
D_HID = 128


def gcn_layer(x, src, dst, W, b, n_nodes):
    # GCNConv: h = D^{-1/2} (A + I) D^{-1/2} (x W) + b
    deg = jnp.zeros((n_nodes,), x.dtype).at[dst].add(1.0)
    dinv = jnp.where(deg > 0.0, 1.0 / jnp.sqrt(deg), 0.0)
    norm = dinv[src] * dinv[dst]
    h = x @ W
    msg = h[src] * norm[:, None]
    out = jnp.zeros((n_nodes, W.shape[1]), x.dtype).at[dst].add(msg)
    return out + b


def setup_inputs(seed: int = 0) -> dict:
    key = jax.random.key(seed)
    k1, k2, k3, k4 = jax.random.split(key, 4)
    x = jax.random.normal(k1, (N_NODES, D_IN), dtype=jnp.float32)
    edge_index = jax.random.randint(k2, (2, N_EDGES), 0, N_NODES, dtype=jnp.int32)
    W1 = jax.random.normal(k3, (D_IN, D_HID), dtype=jnp.float32) * 0.05
    b1 = jnp.zeros((D_HID,), dtype=jnp.float32)
    W2 = jax.random.normal(k4, (D_HID, D_HID), dtype=jnp.float32) * 0.05
    b2 = jnp.zeros((D_HID,), dtype=jnp.float32)
    return {"x": x, "edge_index": edge_index, "W1": W1, "b1": b1, "W2": W2, "b2": b2}


def reference(x, edge_index, W1, b1, W2, b2):
    n = x.shape[0]
    loops = jnp.arange(n, dtype=edge_index.dtype)
    src = jnp.concatenate([edge_index[0], loops])
    dst = jnp.concatenate([edge_index[1], loops])
    h = jax.nn.relu(gcn_layer(x, src, dst, W1, b1, n))
    h = jax.nn.relu(gcn_layer(h, src, dst, W2, b2, n))
    return h

if __name__ == "__main__":
    import jax
    _d = setup_inputs()
    print(jax.jit(kernel)(*tuple(_d.values())))

</pallas_src>

<mosaic_0001>
#map = affine_map<(d0, d1) -> (0)>
#map1 = affine_map<(d0, d1) -> (0, 0, 0)>
#map2 = affine_map<(d0, d1) -> (0, 0)>
module attributes {stable_mosaic.version = 14 : i64} {
  func.func @_deg_kernel(%arg0: i32, %arg1: i32, %arg2: memref<10000xf32, #tpu.memory_space<hbm>>, %arg3: memref<32x100x100xi32, #tpu.memory_space<hbm>>, %arg4: memref<2x10000xf32, #tpu.memory_space<hbm>>, %arg5: memref<10000xf32, #tpu.memory_space<vmem_shared>>, %arg6: memref<100x100xi32, #tpu.memory_space<vmem>>, %arg7: memref<100xf32, #tpu.memory_space<vmem>>, %arg8: memref<!tpu.dma_semaphore, #tpu.memory_space<semaphore_mem>>) attributes {dimension_semantics = [#tpu.dimension_semantics<core_parallel>, #tpu.dimension_semantics<subcore_parallel>], iteration_bounds = array<i64: 2, 16>, scalar_prefetch = 0 : i64, scratch_operands = 4 : i64, tpu.core_type = #tpu.core_type<sc_vector_subcore>, window_params = [{transform_indices = #map}, {transform_indices = #map1}, {transform_indices = #map2}]} {
    %mul3A = arith.constant 16 : i32
    %mul3A_0 = arith.muli %arg0, %mul3A : i32
    %add3A = arith.addi %mul3A_0, %arg1 : i32
    %eq3A = arith.constant 0 : i32
    %eq3A_1 = arith.cmpi eq, %arg1, %eq3A : i32
    %convert_element_type3A = arith.extui %eq3A_1 : i1 to i32
    %cond3A = arith.constant 0 : i32
    %cond3A_2 = arith.cmpi ne, %convert_element_type3A, %cond3A : i32
    scf.if %cond3A_2 {
      "tpu.region"() ({
        %run_scoped3A = tpu.sem_alloc : memref<!tpu.dma_semaphore, #tpu.memory_space<semaphore_mem>>
        tpu.enqueue_dma source(%arg2 : memref<10000xf32, #tpu.memory_space<hbm>>) target(%arg5 : memref<10000xf32, #tpu.memory_space<vmem_shared>>) target_semaphore(%run_scoped3A : memref<!tpu.dma_semaphore, #tpu.memory_space<semaphore_mem>>)
        tpu.wait_dma2 semaphore(%run_scoped3A : memref<!tpu.dma_semaphore, #tpu.memory_space<semaphore_mem>>) src(%arg2 : memref<10000xf32, #tpu.memory_space<hbm>>) dst(%arg5 : memref<10000xf32, #tpu.memory_space<vmem_shared>>)
        tpu.yield
      }) : () -> ()
    } else {
    }
    "tpu.region"() ({
      %run_scoped3A = tpu.sem_alloc : memref<!tpu.dma_semaphore, #tpu.memory_space<semaphore_mem>>
      %dma_start3A = arith.constant 0 : i32
      %dma_start3A_61 = arith.constant 0 : i32
      %dma_start3A_62 = tpu.memref_slice %arg3[%add3A, %dma_start3A, %dma_start3A_61] : memref<32x100x100xi32, #tpu.memory_space<hbm>> -> memref<1x100x100xi32, #tpu.memory_space<hbm>>
      %dma_start3A_63 = tpu.memref_squeeze %dma_start3A_62 : memref<1x100x100xi32, #tpu.memory_space<hbm>> -> memref<100x100xi32, #tpu.memory_space<hbm>>
      %dma_start3A_64 = arith.constant 0 : i32
      %dma_start3A_65 = arith.constant 0 : i32
      %dma_start3A_66 = tpu.memref_slice %arg3[%add3A, %dma_start3A_64, %dma_start3A_65] : memref<32x100x100xi32, #tpu.memory_space<hbm>> -> memref<1x100x100xi32, #tpu.memory_space<hbm>>
      %dma_start3A_67 = tpu.memref_squeeze %dma_start3A_66 : memref<1x100x100xi32, #tpu.memory_space<hbm>> -> memref<100x100xi32, #tpu.memory_space<hbm>>
      tpu.enqueue_dma source(%dma_start3A_67 : memref<100x100xi32, #tpu.memory_space<hbm>>) target(%arg6 : memref<100x100xi32, #tpu.memory_space<vmem>>) target_semaphore(%run_scoped3A : memref<!tpu.dma_semaphore, #tpu.memory_space<semaphore_mem>>)
      %dma_wait3A_68 = arith.constant 0 : i32
      %dma_wait3A_69 = arith.constant 0 : i32
      %dma_wait3A_70 = tpu.memref_slice %arg3[%add3A, %dma_wait3A_68, %dma_wait3A_69] : memref<32x100x100xi32, #tpu.memory_space<hbm>> -> memref<1x100x100xi32, #tpu.memory_space<hbm>>
      %dma_wait3A_71 = tpu.memref_squeeze %dma_wait3A_70 : memref<1x100x100xi32, #tpu.memory_space<hbm>> -> memref<100x100xi32, #tpu.memory_space<hbm>>
      %dma_wait3A_72 = arith.constant 0 : i32
      %dma_wait3A_73 = arith.constant 0 : i32
      %dma_wait3A_74 = tpu.memref_slice %arg3[%add3A, %dma_wait3A_72, %dma_wait3A_73] : memref<32x100x100xi32, #tpu.memory_space<hbm>> -> memref<1x100x100xi32, #tpu.memory_space<hbm>>
      %dma_wait3A_75 = tpu.memref_squeeze %dma_wait3A_74 : memref<1x100x100xi32, #tpu.memory_space<hbm>> -> memref<100x100xi32, #tpu.memory_space<hbm>>
      tpu.wait_dma2 semaphore(%run_scoped3A : memref<!tpu.dma_semaphore, #tpu.memory_space<semaphore_mem>>) src(%dma_wait3A_75 : memref<100x100xi32, #tpu.memory_space<hbm>>) dst(%arg6 : memref<100x100xi32, #tpu.memory_space<vmem>>)
      tpu.yield
    }) : () -> ()
    "tpu.region"() ({
      %run_scoped3A = tpu.sem_alloc : memref<!tpu.dma_semaphore, #tpu.memory_space<semaphore_mem>>
      %dma_start3A = arith.constant 0 : i32
      %dma_start3A_61 = tpu.memref_slice %arg2[%dma_start3A] : memref<10000xf32, #tpu.memory_space<hbm>> -> memref<100xf32, #tpu.memory_space<hbm>>
      %dma_start3A_62 = arith.constant 0 : i32
      %dma_start3A_63 = tpu.memref_slice %arg2[%dma_start3A_62] : memref<10000xf32, #tpu.memory_space<hbm>> -> memref<100xf32, #tpu.memory_space<hbm>>
      tpu.enqueue_dma source(%dma_start3A_63 : memref<100xf32, #tpu.memory_space<hbm>>) target(%arg7 : memref<100xf32, #tpu.memory_space<vmem>>) target_semaphore(%run_scoped3A : memref<!tpu.dma_semaphore, #tpu.memory_space<semaphore_mem>>)
      %dma_wait3A_64 = arith.constant 0 : i32
      %dma_wait3A_65 = tpu.memref_slice %arg2[%dma_wait3A_64] : memref<10000xf32, #tpu.memory_space<hbm>> -> memref<100xf32, #tpu.memory_space<hbm>>
      %dma_wait3A_66 = arith.constant 0 : i32
      %dma_wait3A_67 = tpu.memref_slice %arg2[%dma_wait3A_66] : memref<10000xf32, #tpu.memory_space<hbm>> -> memref<100xf32, #tpu.memory_space<hbm>>
      tpu.wait_dma2 semaphore(%run_scoped3A : memref<!tpu.dma_semaphore, #tpu.memory_space<semaphore_mem>>) src(%dma_wait3A_67 : memref<100xf32, #tpu.memory_space<hbm>>) dst(%arg7 : memref<100xf32, #tpu.memory_space<vmem>>)
      tpu.yield
    }) : () -> ()
    %barrier3A = arith.constant 0 : index
    tpu.barrier barrier_id(%barrier3A)
    %scan3A = arith.constant 0 : i32
    %scan3A_3 = arith.constant 0 : i32
    %scan3A_4 = arith.constant 100 : i32
    %scan3A_5 = arith.addi %scan3A_3, %scan3A_4 : i32
    %scan3A_6 = arith.constant 1 : i32
    scf.for %scan3A_61 = %scan3A_3 to %scan3A_5 step %scan3A_6  : i32 {
      %ge3A = arith.constant 8 : i32
      %ge3A_62 = arith.cmpi sge, %scan3A_61, %ge3A : i32
      %convert_element_type3A_63 = arith.extui %ge3A_62 : i1 to i32
      %cond3A_64 = arith.constant 0 : i32
      %cond3A_65 = arith.cmpi ne, %convert_element_type3A_63, %cond3A_64 : i32
      scf.if %cond3A_65 {
        %dma_wait3A_70 = arith.constant 0 : i32
        %dma_wait3A_71 = arith.constant 0 : i32
        %dma_wait3A_72 = tpu.memref_slice %arg6[%dma_wait3A_70, %dma_wait3A_71] : memref<100x100xi32, #tpu.memory_space<vmem>> -> memref<1x100xi32, #tpu.memory_space<vmem>>
        %dma_wait3A_73 = tpu.memref_squeeze %dma_wait3A_72 : memref<1x100xi32, #tpu.memory_space<vmem>> -> memref<100xi32, #tpu.memory_space<vmem>>
        %dma_wait3A_74 = arith.constant 0 : i32
        %dma_wait3A_75 = tpu.memref_slice %arg5[%dma_wait3A_74] : memref<10000xf32, #tpu.memory_space<vmem_shared>> -> memref<10000xf32, #tpu.memory_space<vmem_shared>>
        tpu.wait_indirect_dma semaphore(%arg8 : memref<!tpu.dma_semaphore, #tpu.memory_space<semaphore_mem>>) src(%arg7 : memref<100xf32, #tpu.memory_space<vmem>>) dst(%dma_wait3A_75 : memref<10000xf32, #tpu.memory_space<vmem_shared>>)
      } else {
      }
      %dma_start3A = arith.constant 0 : i32
      %dma_start3A_66 = tpu.memref_slice %arg6[%scan3A_61, %dma_start3A] : memref<100x100xi32, #tpu.memory_space<vmem>> -> memref<1x100xi32, #tpu.memory_space<vmem>>
      %dma_start3A_67 = tpu.memref_squeeze %dma_start3A_66 : memref<1x100xi32, #tpu.memory_space<vmem>> -> memref<100xi32, #tpu.memory_space<vmem>>
      %dma_start3A_68 = arith.constant 0 : i32
      %dma_start3A_69 = tpu.memref_slice %arg5[%dma_start3A_68] : memref<10000xf32, #tpu.memory_space<vmem_shared>> -> memref<10000xf32, #tpu.memory_space<vmem_shared>>
      tpu.enqueue_indirect_dma source(%arg7 : memref<100xf32, #tpu.memory_space<vmem>>) target(%dma_start3A_69 : memref<10000xf32, #tpu.memory_space<vmem_shared>>) offsets(%dma_start3A_67 : memref<100xi32, #tpu.memory_space<vmem>>) semaphore(%arg8 : memref<!tpu.dma_semaphore, #tpu.memory_space<semaphore_mem>>) {add = true}
    }
    %scan3A_7 = arith.constant 100 : i32
    %dma_wait3A = arith.constant 0 : i32
    %dma_wait3A_8 = arith.constant 0 : i32
    %dma_wait3A_9 = tpu.memref_slice %arg6[%dma_wait3A, %dma_wait3A_8] : memref<100x100xi32, #tpu.memory_space<vmem>> -> memref<1x100xi32, #tpu.memory_space<vmem>>
    %dma_wait3A_10 = tpu.memref_squeeze %dma_wait3A_9 : memref<1x100xi32, #tpu.memory_space<vmem>> -> memref<100xi32, #tpu.memory_space<vmem>>
    %dma_wait3A_11 = arith.constant 0 : i32
    %dma_wait3A_12 = tpu.memref_slice %arg5[%dma_wait3A_11] : memref<10000xf32, #tpu.memory_space<vmem_shared>> -> memref<10000xf32, #tpu.memory_space<vmem_shared>>
    tpu.wait_indirect_dma semaphore(%arg8 : memref<!tpu.dma_semaphore, #tpu.memory_space<semaphore_mem>>) src(%arg7 : memref<100xf32, #tpu.memory_space<vmem>>) dst(%dma_wait3A_12 : memref<10000xf32, #tpu.memory_space<vmem_shared>>)
    %dma_wait3A_13 = arith.constant 0 : i32
    %dma_wait3A_14 = arith.constant 0 : i32
    %dma_wait3A_15 = tpu.memref_slice %arg6[%dma_wait3A_13, %dma_wait3A_14] : memref<100x100xi32, #tpu.memory_space<vmem>> -> memref<1x100xi32, #tpu.memory_space<vmem>>
    %dma_wait3A_16 = tpu.memref_squeeze %dma_wait3A_15 : memref<1x100xi32, #tpu.memory_space<vmem>> -> memref<100xi32, #tpu.memory_space<vmem>>
    %dma_wait3A_17 = arith.constant 0 : i32
    %dma_wait3A_18 = tpu.memref_slice %arg5[%dma_wait3A_17] : memref<10000xf32, #tpu.memory_space<vmem_shared>> -> memref<10000xf32, #tpu.memory_space<vmem_shared>>
    tpu.wait_indirect_dma semaphore(%arg8 : memref<!tpu.dma_semaphore, #tpu.memory_space<semaphore_mem>>) src(%arg7 : memref<100xf32, #tpu.memory_space<vmem>>) dst(%dma_wait3A_18 : memref<10000xf32, #tpu.memory_space<vmem_shared>>)
    %dma_wait3A_19 = arith.constant 0 : i32
    %dma_wait3A_20 = arith.constant 0 : i32
    %dma_wait3A_21 = tpu.memref_slice %arg6[%dma_wait3A_19, %dma_wait3A_20] : memref<100x100xi32, #tpu.memory_space<vmem>> -> memref<1x100xi32, #tpu.memory_space<vmem>>
    %dma_wait3A_22 = tpu.memref_squeeze %dma_wait3A_21 : memref<1x100xi32, #tpu.memory_space<vmem>> -> memref<100xi32, #tpu.memory_space<vmem>>
    %dma_wait3A_23 = arith.constant 0 : i32
    %dma_wait3A_24 = tpu.memref_slice %arg5[%dma_wait3A_23] : memref<10000xf32, #tpu.memory_space<vmem_shared>> -> memref<10000xf32, #tpu.memory_space<vmem_shared>>
    tpu.wait_indirect_dma semaphore(%arg8 : memref<!tpu.dma_semaphore, #tpu.memory_space<semaphore_mem>>) src(%arg7 : memref<100xf32, #tpu.memory_space<vmem>>) dst(%dma_wait3A_24 : memref<10000xf32, #tpu.memory_space<vmem_shared>>)
    %dma_wait3A_25 = arith.constant 0 : i32
    %dma_wait3A_26 = arith.constant 0 : i32
    %dma_wait3A_27 = tpu.memref_slice %arg6[%dma_wait3A_25, %dma_wait3A_26] : memref<100x100xi32, #tpu.memory_space<vmem>> -> memref<1x100xi32, #tpu.memory_space<vmem>>
    %dma_wait3A_28 = tpu.memref_squeeze %dma_wait3A_27 : memref<1x100xi32, #tpu.memory_space<vmem>> -> memref<100xi32, #tpu.memory_space<vmem>>
    %dma_wait3A_29 = arith.constant 0 : i32
    %dma_wait3A_30 = tpu.memref_slice %arg5[%dma_wait3A_29] : memref<10000xf32, #tpu.memory_space<vmem_shared>> -> memref<10000xf32, #tpu.memory_space<vmem_shared>>
    tpu.wait_indirect_dma semaphore(%arg8 : memref<!tpu.dma_semaphore, #tpu.memory_space<semaphore_mem>>) src(%arg7 : memref<100xf32, #tpu.memory_space<vmem>>) dst(%dma_wait3A_30 : memref<10000xf32, #tpu.memory_space<vmem_shared>>)
    %dma_wait3A_31 = arith.constant 0 : i32
    %dma_wait3A_32 = arith.constant 0 : i32
    %dma_wait3A_33 = tpu.memref_slice %arg6[%dma_wait3A_31, %dma_wait3A_32] : memref<100x100xi32, #tpu.memory_space<vmem>> -> memref<1x100xi32, #tpu.memory_space<vmem>>
    %dma_wait3A_34 = tpu.memref_squeeze %dma_wait3A_33 : memref<1x100xi32, #tpu.memory_space<vmem>> -> memref<100xi32, #tpu.memory_space<vmem>>
    %dma_wait3A_35 = arith.constant 0 : i32
    %dma_wait3A_36 = tpu.memref_slice %arg5[%dma_wait3A_35] : memref<10000xf32, #tpu.memory_space<vmem_shared>> -> memref<10000xf32, #tpu.memory_space<vmem_shared>>
    tpu.wait_indirect_dma semaphore(%arg8 : memref<!tpu.dma_semaphore, #tpu.memory_space<semaphore_mem>>) src(%arg7 : memref<100xf32, #tpu.memory_space<vmem>>) dst(%dma_wait3A_36 : memref<10000xf32, #tpu.memory_space<vmem_shared>>)
    %dma_wait3A_37 = arith.constant 0 : i32
    %dma_wait3A_38 = arith.constant 0 : i32
    %dma_wait3A_39 = tpu.memref_slice %arg6[%dma_wait3A_37, %dma_wait3A_38] : memref<100x100xi32, #tpu.memory_space<vmem>> -> memref<1x100xi32, #tpu.memory_space<vmem>>
    %dma_wait3A_40 = tpu.memref_squeeze %dma_wait3A_39 : memref<1x100xi32, #tpu.memory_space<vmem>> -> memref<100xi32, #tpu.memory_space<vmem>>
    %dma_wait3A_41 = arith.constant 0 : i32
    %dma_wait3A_42 = tpu.memref_slice %arg5[%dma_wait3A_41] : memref<10000xf32, #tpu.memory_space<vmem_shared>> -> memref<10000xf32, #tpu.memory_space<vmem_shared>>
    tpu.wait_indirect_dma semaphore(%arg8 : memref<!tpu.dma_semaphore, #tpu.memory_space<semaphore_mem>>) src(%arg7 : memref<100xf32, #tpu.memory_space<vmem>>) dst(%dma_wait3A_42 : memref<10000xf32, #tpu.memory_space<vmem_shared>>)
    %dma_wait3A_43 = arith.constant 0 : i32
    %dma_wait3A_44 = arith.constant 0 : i32
    %dma_wait3A_45 = tpu.memref_slice %arg6[%dma_wait3A_43, %dma_wait3A_44] : memref<100x100xi32, #tpu.memory_space<vmem>> -> memref<1x100xi32, #tpu.memory_space<vmem>>
    %dma_wait3A_46 = tpu.memref_squeeze %dma_wait3A_45 : memref<1x100xi32, #tpu.memory_space<vmem>> -> memref<100xi32, #tpu.memory_space<vmem>>
    %dma_wait3A_47 = arith.constant 0 : i32
    %dma_wait3A_48 = tpu.memref_slice %arg5[%dma_wait3A_47] : memref<10000xf32, #tpu.memory_space<vmem_shared>> -> memref<10000xf32, #tpu.memory_space<vmem_shared>>
    tpu.wait_indirect_dma semaphore(%arg8 : memref<!tpu.dma_semaphore, #tpu.memory_space<semaphore_mem>>) src(%arg7 : memref<100xf32, #tpu.memory_space<vmem>>) dst(%dma_wait3A_48 : memref<10000xf32, #tpu.memory_space<vmem_shared>>)
    %dma_wait3A_49 = arith.constant 0 : i32
    %dma_wait3A_50 = arith.constant 0 : i32
    %dma_wait3A_51 = tpu.memref_slice %arg6[%dma_wait3A_49, %dma_wait3A_50] : memref<100x100xi32, #tpu.memory_space<vmem>> -> memref<1x100xi32, #tpu.memory_space<vmem>>
    %dma_wait3A_52 = tpu.memref_squeeze %dma_wait3A_51 : memref<1x100xi32, #tpu.memory_space<vmem>> -> memref<100xi32, #tpu.memory_space<vmem>>
    %dma_wait3A_53 = arith.constant 0 : i32
    %dma_wait3A_54 = tpu.memref_slice %arg5[%dma_wait3A_53] : memref<10000xf32, #tpu.memory_space<vmem_shared>> -> memref<10000xf32, #tpu.memory_space<vmem_shared>>
    tpu.wait_indirect_dma semaphore(%arg8 : memref<!tpu.dma_semaphore, #tpu.memory_space<semaphore_mem>>) src(%arg7 : memref<100xf32, #tpu.memory_space<vmem>>) dst(%dma_wait3A_54 : memref<10000xf32, #tpu.memory_space<vmem_shared>>)
    %barrier3A_55 = arith.constant 0 : index
    tpu.barrier barrier_id(%barrier3A_55)
    %eq3A_56 = arith.constant 0 : i32
    %eq3A_57 = arith.cmpi eq, %arg1, %eq3A_56 : i32
    %convert_element_type3A_58 = arith.extui %eq3A_57 : i1 to i32
    %cond3A_59 = arith.constant 0 : i32
    %cond3A_60 = arith.cmpi ne, %convert_element_type3A_58, %cond3A_59 : i32
    scf.if %cond3A_60 {
      "tpu.region"() ({
        %run_scoped3A = tpu.sem_alloc : memref<!tpu.dma_semaphore, #tpu.memory_space<semaphore_mem>>
        %dma_start3A = arith.constant 0 : i32
        %dma_start3A_61 = tpu.memref_slice %arg4[%arg0, %dma_start3A] : memref<2x10000xf32, #tpu.memory_space<hbm>> -> memref<1x10000xf32, #tpu.memory_space<hbm>>
        %dma_start3A_62 = tpu.memref_squeeze %dma_start3A_61 : memref<1x10000xf32, #tpu.memory_space<hbm>> -> memref<10000xf32, #tpu.memory_space<hbm>>
        tpu.enqueue_dma source(%arg5 : memref<10000xf32, #tpu.memory_space<vmem_shared>>) target(%dma_start3A_62 : memref<10000xf32, #tpu.memory_space<hbm>>) target_semaphore(%run_scoped3A : memref<!tpu.dma_semaphore, #tpu.memory_space<semaphore_mem>>)
        %dma_wait3A_63 = arith.constant 0 : i32
        %dma_wait3A_64 = tpu.memref_slice %arg4[%arg0, %dma_wait3A_63] : memref<2x10000xf32, #tpu.memory_space<hbm>> -> memref<1x10000xf32, #tpu.memory_space<hbm>>
        %dma_wait3A_65 = tpu.memref_squeeze %dma_wait3A_64 : memref<1x10000xf32, #tpu.memory_space<hbm>> -> memref<10000xf32, #tpu.memory_space<hbm>>
        tpu.wait_dma2 semaphore(%run_scoped3A : memref<!tpu.dma_semaphore, #tpu.memory_space<semaphore_mem>>) src(%arg5 : memref<10000xf32, #tpu.memory_space<vmem_shared>>) dst(%dma_wait3A_65 : memref<10000xf32, #tpu.memory_space<hbm>>)
        tpu.yield
      }) : () -> ()
    } else {
    }
    return
  }
}

#map = affine_map<(d0, d1) -> (0, 0)>
#map1 = affine_map<(d0, d1) -> (0, 0, 0, 0)>
#map2 = affine_map<(d0, d1) -> (0, 0, 0)>
module attributes {stable_mosaic.version = 14 : i64} {
  func.func @_agg_kernel(%arg0: i32, %arg1: i32, %arg2: memref<10000x128xf32, #tpu.memory_space<hbm>>, %arg3: memref<32x10x10x100xi32, #tpu.memory_space<hbm>>, %arg4: memref<32x10x10x100xi32, #tpu.memory_space<hbm>>, %arg5: memref<2x10000x128xf32, #tpu.memory_space<hbm>>, %arg6: memref<10000x128xf32, #tpu.memory_space<vmem_shared>>, %arg7: memref<2x10x100xi32, #tpu.memory_space<vmem>>, %arg8: memref<2x10x100xi32, #tpu.memory_space<vmem>>, %arg9: memref<3x100x128xf32, #tpu.memory_space<vmem>>, %arg10: memref<!tpu.dma_semaphore, #tpu.memory_space<semaphore_mem>>, %arg11: memref<!tpu.dma_semaphore, #tpu.memory_space<semaphore_mem>>, %arg12: memref<!tpu.dma_semaphore, #tpu.memory_space<semaphore_mem>>, %arg13: memref<!tpu.dma_semaphore, #tpu.memory_space<semaphore_mem>>) attributes {dimension_semantics = [#tpu.dimension_semantics<core_parallel>, #tpu.dimension_semantics<subcore_parallel>], iteration_bounds = array<i64: 2, 16>, scalar_prefetch = 0 : i64, scratch_operands = 8 : i64, tpu.core_type = #tpu.core_type<sc_vector_subcore>, window_params = [{transform_indices = #map}, {transform_indices = #map1}, {transform_indices = #map1}, {transform_indices = #map2}]} {
    %mul3A = arith.constant 16 : i32
    %mul3A_0 = arith.muli %arg0, %mul3A : i32
    %add3A = arith.addi %mul3A_0, %arg1 : i32
    %mul3A_1 = arith.constant 624 : i32
    %mul3A_2 = arith.muli %arg1, %mul3A_1 : i32
    %mul3A_3 = arith.constant 624 : i32
    %mul3A_4 = arith.muli %arg1, %mul3A_3 : i32
    %dma_start3A = arith.constant 0 : i32
    %dma_start3A_5 = tpu.memref_slice %arg6[%mul3A_4, %dma_start3A] : memref<10000x128xf32, #tpu.memory_space<vmem_shared>> -> memref<624x128xf32, #tpu.memory_space<vmem_shared>>
    %dma_start3A_6 = arith.constant 0 : i32
    %dma_start3A_7 = tpu.memref_slice %arg2[%mul3A_2, %dma_start3A_6] : memref<10000x128xf32, #tpu.memory_space<hbm>> -> memref<624x128xf32, #tpu.memory_space<hbm>>
    tpu.enqueue_dma source(%dma_start3A_7 : memref<624x128xf32, #tpu.memory_space<hbm>>) target(%dma_start3A_5 : memref<624x128xf32, #tpu.memory_space<vmem_shared>>) target_semaphore(%arg13 : memref<!tpu.dma_semaphore, #tpu.memory_space<semaphore_mem>>)
    %eq3A = arith.constant 15 : i32
    %eq3A_8 = arith.cmpi eq, %arg1, %eq3A : i32
    %convert_element_type3A = arith.extui %eq3A_8 : i1 to i32
    %cond3A = arith.constant 0 : i32
    %cond3A_9 = arith.cmpi ne, %convert_element_type3A, %cond3A : i32
    scf.if %cond3A_9 {
      %dma_start3A_135 = arith.constant 9984 : i32
      %dma_start3A_136 = arith.constant 0 : i32
      %dma_start3A_137 = tpu.memref_slice %arg6[%dma_start3A_135, %dma_start3A_136] : memref<10000x128xf32, #tpu.memory_space<vmem_shared>> -> memref<16x128xf32, #tpu.memory_space<vmem_shared>>
      %dma_start3A_138 = arith.constant 9984 : i32
      %dma_start3A_139 = arith.constant 0 : i32
      %dma_start3A_140 = tpu.memref_slice %arg2[%dma_start3A_138, %dma_start3A_139] : memref<10000x128xf32, #tpu.memory_space<hbm>> -> memref<16x128xf32, #tpu.memory_space<hbm>>
      tpu.enqueue_dma source(%dma_start3A_140 : memref<16x128xf32, #tpu.memory_space<hbm>>) target(%dma_start3A_137 : memref<16x128xf32, #tpu.memory_space<vmem_shared>>) target_semaphore(%arg13 : memref<!tpu.dma_semaphore, #tpu.memory_space<semaphore_mem>>)
    } else {
    }
    %run_scoped3A = arith.constant 0 : i32
    %run_scoped3A_10 = arith.constant 0 : i32
    "tpu.region"() ({
      %run_scoped3A_135 = tpu.sem_alloc : memref<!tpu.dma_semaphore, #tpu.memory_space<semaphore_mem>>
      %dma_start3A_136 = arith.constant 0 : i32
      %dma_start3A_137 = arith.constant 0 : i32
      %dma_start3A_138 = tpu.memref_slice %arg7[%run_scoped3A_10, %dma_start3A_136, %dma_start3A_137] : memref<2x10x100xi32, #tpu.memory_space<vmem>> -> memref<1x10x100xi32, #tpu.memory_space<vmem>>
      %dma_start3A_139 = tpu.memref_squeeze %dma_start3A_138 : memref<1x10x100xi32, #tpu.memory_space<vmem>> -> memref<10x100xi32, #tpu.memory_space<vmem>>
      %dma_start3A_140 = arith.constant 0 : i32
      %dma_start3A_141 = arith.constant 0 : i32
      %dma_start3A_142 = arith.constant 0 : i32
      %dma_start3A_143 = tpu.memref_slice %arg3[%add3A, %dma_start3A_140, %dma_start3A_141, %dma_start3A_142] : memref<32x10x10x100xi32, #tpu.memory_space<hbm>> -> memref<1x10x10x100xi32, #tpu.memory_space<hbm>>
      %dma_start3A_144 = tpu.memref_squeeze %dma_start3A_143 : memref<1x10x10x100xi32, #tpu.memory_space<hbm>> -> memref<10x10x100xi32, #tpu.memory_space<hbm>>
      %dma_start3A_145 = arith.constant 0 : i32
      %dma_start3A_146 = arith.constant 0 : i32
      %dma_start3A_147 = tpu.memref_slice %dma_start3A_144[%run_scoped3A, %dma_start3A_145, %dma_start3A_146] : memref<10x10x100xi32, #tpu.memory_space<hbm>> -> memref<1x10x100xi32, #tpu.memory_space<hbm>>
      %dma_start3A_148 = tpu.memref_squeeze %dma_start3A_147 : memref<1x10x100xi32, #tpu.memory_space<hbm>> -> memref<10x100xi32, #tpu.memory_space<hbm>>
      %dma_start3A_149 = arith.constant 0 : i32
      %dma_start3A_150 = arith.constant 0 : i32
      %dma_start3A_151 = tpu.memref_slice %arg7[%run_scoped3A_10, %dma_start3A_149, %dma_start3A_150] : memref<2x10x100xi32, #tpu.memory_space<vmem>> -> memref<1x10x100xi32, #tpu.memory_space<vmem>>
      %dma_start3A_152 = tpu.memref_squeeze %dma_start3A_151 : memref<1x10x100xi32, #tpu.memory_space<vmem>> -> memref<10x100xi32, #tpu.memory_space<vmem>>
      %dma_start3A_153 = arith.constant 0 : i32
      %dma_start3A_154 = arith.constant 0 : i32
      %dma_start3A_155 = arith.constant 0 : i32
      %dma_start3A_156 = tpu.memref_slice %arg3[%add3A, %dma_start3A_153, %dma_start3A_154, %dma_start3A_155] : memref<32x10x10x100xi32, #tpu.memory_space<hbm>> -> memref<1x10x10x100xi32, #tpu.memory_space<hbm>>
      %dma_start3A_157 = tpu.memref_squeeze %dma_start3A_156 : memref<1x10x10x100xi32, #tpu.memory_space<hbm>> -> memref<10x10x100xi32, #tpu.memory_space<hbm>>
      %dma_start3A_158 = arith.constant 0 : i32
      %dma_start3A_159 = arith.constant 0 : i32
      %dma_start3A_160 = tpu.memref_slice %dma_start3A_157[%run_scoped3A, %dma_start3A_158, %dma_start3A_159] : memref<10x10x100xi32, #tpu.memory_space<hbm>> -> memref<1x10x100xi32, #tpu.memory_space<hbm>>
      %dma_start3A_161 = tpu.memref_squeeze %dma_start3A_160 : memref<1x10x100xi32, #tpu.memory_space<hbm>> -> memref<10x100xi32, #tpu.memory_space<hbm>>
      tpu.enqueue_dma source(%dma_start3A_161 : memref<10x100xi32, #tpu.memory_space<hbm>>) target(%dma_start3A_152 : memref<10x100xi32, #tpu.memory_space<vmem>>) target_semaphore(%run_scoped3A_135 : memref<!tpu.dma_semaphore, #tpu.memory_space<semaphore_mem>>)
      %dma_wait3A_162 = arith.constant 0 : i32
      %dma_wait3A_163 = arith.constant 0 : i32
      %dma_wait3A_164 = tpu.memref_slice %arg7[%run_scoped3A_10, %dma_wait3A_162, %dma_wait3A_163] : memref<2x10x100xi32, #tpu.memory_space<vmem>> -> memref<1x10x100xi32, #tpu.memory_space<vmem>>
      %dma_wait3A_165 = tpu.memref_squeeze %dma_wait3A_164 : memref<1x10x100xi32, #tpu.memory_space<vmem>> -> memref<10x100xi32, #tpu.memory_space<vmem>>
      %dma_wait3A_166 = arith.constant 0 : i32
      %dma_wait3A_167 = arith.constant 0 : i32
      %dma_wait3A_168 = arith.constant 0 : i32
      %dma_wait3A_169 = tpu.memref_slice %arg3[%add3A, %dma_wait3A_166, %dma_wait3A_167, %dma_wait3A_168] : memref<32x10x10x100xi32, #tpu.memory_space<hbm>> -> memref<1x10x10x100xi32, #tpu.memory_space<hbm>>
      %dma_wait3A_170 = tpu.memref_squeeze %dma_wait3A_169 : memref<1x10x10x100xi32, #tpu.memory_space<hbm>> -> memref<10x10x100xi32, #tpu.memory_space<hbm>>
      %dma_wait3A_171 = arith.constant 0 : i32
      %dma_wait3A_172 = arith.constant 0 : i32
      %dma_wait3A_173 = tpu.memref_slice %dma_wait3A_170[%run_scoped3A, %dma_wait3A_171, %dma_wait3A_172] : memref<10x10x100xi32, #tpu.memory_space<hbm>> -> memref<1x10x100xi32, #tpu.memory_space<hbm>>
      %dma_wait3A_174 = tpu.memref_squeeze %dma_wait3A_173 : memref<1x10x100xi32, #tpu.memory_space<hbm>> -> memref<10x100xi32, #tpu.memory_space<hbm>>
      %dma_wait3A_175 = arith.constant 0 : i32
      %dma_wait3A_176 = arith.constant 0 : i32
      %dma_wait3A_177 = tpu.memref_slice %arg7[%run_scoped3A_10, %dma_wait3A_175, %dma_wait3A_176] : memref<2x10x100xi32, #tpu.memory_space<vmem>> -> memref<1x10x100xi32, #tpu.memory_space<vmem>>
      %dma_wait3A_178 = tpu.memref_squeeze %dma_wait3A_177 : memref<1x10x100xi32, #tpu.memory_space<vmem>> -> memref<10x100xi32, #tpu.memory_space<vmem>>
      %dma_wait3A_179 = arith.constant 0 : i32
      %dma_wait3A_180 = arith.constant 0 : i32
      %dma_wait3A_181 = arith.constant 0 : i32
      %dma_wait3A_182 = tpu.memref_slice %arg3[%add3A, %dma_wait3A_179, %dma_wait3A_180, %dma_wait3A_181] : memref<32x10x10x100xi32, #tpu.memory_space<hbm>> -> memref<1x10x10x100xi32, #tpu.memory_space<hbm>>
      %dma_wait3A_183 = tpu.memref_squeeze %dma_wait3A_182 : memref<1x10x10x100xi32, #tpu.memory_space<hbm>> -> memref<10x10x100xi32, #tpu.memory_space<hbm>>
      %dma_wait3A_184 = arith.constant 0 : i32
      %dma_wait3A_185 = arith.constant 0 : i32
      %dma_wait3A_186 = tpu.memref_slice %dma_wait3A_183[%run_scoped3A, %dma_wait3A_184, %dma_wait3A_185] : memref<10x10x100xi32, #tpu.memory_space<hbm>> -> memref<1x10x100xi32, #tpu.memory_space<hbm>>
      %dma_wait3A_187 = tpu.memref_squeeze %dma_wait3A_186 : memref<1x10x100xi32, #tpu.memory_space<hbm>> -> memref<10x100xi32, #tpu.memory_space<hbm>>
      tpu.wait_dma2 semaphore(%run_scoped3A_135 : memref<!tpu.dma_semaphore, #tpu.memory_space<semaphore_mem>>) src(%dma_wait3A_187 : memref<10x100xi32, #tpu.memory_space<hbm>>) dst(%dma_wait3A_178 : memref<10x100xi32, #tpu.memory_space<vmem>>)
      tpu.yield
    }) : () -> ()
    %run_scoped3A_11 = arith.constant 0 : i32
    %run_scoped3A_12 = arith.constant 0 : i32
    "tpu.region"() ({
      %run_scoped3A_135 = tpu.sem_alloc : memref<!tpu.dma_semaphore, #tpu.memory_space<semaphore_mem>>
      %dma_start3A_136 = arith.constant 0 : i32
      %dma_start3A_137 = arith.constant 0 : i32
      %dma_start3A_138 = tpu.memref_slice %arg8[%run_scoped3A_12, %dma_start3A_136, %dma_start3A_137] : memref<2x10x100xi32, #tpu.memory_space<vmem>> -> memref<1x10x100xi32, #tpu.memory_space<vmem>>
      %dma_start3A_139 = tpu.memref_squeeze %dma_start3A_138 : memref<1x10x100xi32, #tpu.memory_space<vmem>> -> memref<10x100xi32, #tpu.memory_space<vmem>>
      %dma_start3A_140 = arith.constant 0 : i32
      %dma_start3A_141 = arith.constant 0 : i32
      %dma_start3A_142 = arith.constant 0 : i32
      %dma_start3A_143 = tpu.memref_slice %arg4[%add3A, %dma_start3A_140, %dma_start3A_141, %dma_start3A_142] : memref<32x10x10x100xi32, #tpu.memory_space<hbm>> -> memref<1x10x10x100xi32, #tpu.memory_space<hbm>>
      %dma_start3A_144 = tpu.memref_squeeze %dma_start3A_143 : memref<1x10x10x100xi32, #tpu.memory_space<hbm>> -> memref<10x10x100xi32, #tpu.memory_space<hbm>>
      %dma_start3A_145 = arith.constant 0 : i32
      %dma_start3A_146 = arith.constant 0 : i32
      %dma_start3A_147 = tpu.memref_slice %dma_start3A_144[%run_scoped3A_11, %dma_start3A_145, %dma_start3A_146] : memref<10x10x100xi32, #tpu.memory_space<hbm>> -> memref<1x10x100xi32, #tpu.memory_space<hbm>>
      %dma_start3A_148 = tpu.memref_squeeze %dma_start3A_147 : memref<1x10x100xi32, #tpu.memory_space<hbm>> -> memref<10x100xi32, #tpu.memory_space<hbm>>
      %dma_start3A_149 = arith.constant 0 : i32
      %dma_start3A_150 = arith.constant 0 : i32
      %dma_start3A_151 = tpu.memref_slice %arg8[%run_scoped3A_12, %dma_start3A_149, %dma_start3A_150] : memref<2x10x100xi32, #tpu.memory_space<vmem>> -> memref<1x10x100xi32, #tpu.memory_space<vmem>>
      %dma_start3A_152 = tpu.memref_squeeze %dma_start3A_151 : memref<1x10x100xi32, #tpu.memory_space<vmem>> -> memref<10x100xi32, #tpu.memory_space<vmem>>
      %dma_start3A_153 = arith.constant 0 : i32
      %dma_start3A_154 = arith.constant 0 : i32
      %dma_start3A_155 = arith.constant 0 : i32
      %dma_start3A_156 = tpu.memref_slice %arg4[%add3A, %dma_start3A_153, %dma_start3A_154, %dma_start3A_155] : memref<32x10x10x100xi32, #tpu.memory_space<hbm>> -> memref<1x10x10x100xi32, #tpu.memory_space<hbm>>
      %dma_start3A_157 = tpu.memref_squeeze %dma_start3A_156 : memref<1x10x10x100xi32, #tpu.memory_space<hbm>> -> memref<10x10x100xi32, #tpu.memory_space<hbm>>
      %dma_start3A_158 = arith.constant 0 : i32
      %dma_start3A_159 = arith.constant 0 : i32
      %dma_start3A_160 = tpu.memref_slice %dma_start3A_157[%run_scoped3A_11, %dma_start3A_158, %dma_start3A_159] : memref<10x10x100xi32, #tpu.memory_space<hbm>> -> memref<1x10x100xi32, #tpu.memory_space<hbm>>
      %dma_start3A_161 = tpu.memref_squeeze %dma_start3A_160 : memref<1x10x100xi32, #tpu.memory_space<hbm>> -> memref<10x100xi32, #tpu.memory_space<hbm>>
      tpu.enqueue_dma source(%dma_start3A_161 : memref<10x100xi32, #tpu.memory_space<hbm>>) target(%dma_start3A_152 : memref<10x100xi32, #tpu.memory_space<vmem>>) target_semaphore(%run_scoped3A_135 : memref<!tpu.dma_semaphore, #tpu.memory_space<semaphore_mem>>)
      %dma_wait3A_162 = arith.constant 0 : i32
      %dma_wait3A_163 = arith.constant 0 : i32
      %dma_wait3A_164 = tpu.memref_slice %arg8[%run_scoped3A_12, %dma_wait3A_162, %dma_wait3A_163] : memref<2x10x100xi32, #tpu.memory_space<vmem>> -> memref<1x10x100xi32, #tpu.memory_space<vmem>>
      %dma_wait3A_165 = tpu.memref_squeeze %dma_wait3A_164 : memref<1x10x100xi32, #tpu.memory_space<vmem>> -> memref<10x100xi32, #tpu.memory_space<vmem>>
      %dma_wait3A_166 = arith.constant 0 : i32
      %dma_wait3A_167 = arith.constant 0 : i32
      %dma_wait3A_168 = arith.constant 0 : i32
      %dma_wait3A_169 = tpu.memref_slice %arg4[%add3A, %dma_wait3A_166, %dma_wait3A_167, %dma_wait3A_168] : memref<32x10x10x100xi32, #tpu.memory_space<hbm>> -> memref<1x10x10x100xi32, #tpu.memory_space<hbm>>
      %dma_wait3A_170 = tpu.memref_squeeze %dma_wait3A_169 : memref<1x10x10x100xi32, #tpu.memory_space<hbm>> -> memref<10x10x100xi32, #tpu.memory_space<hbm>>
      %dma_wait3A_171 = arith.constant 0 : i32
      %dma_wait3A_172 = arith.constant 0 : i32
      %dma_wait3A_173 = tpu.memref_slice %dma_wait3A_170[%run_scoped3A_11, %dma_wait3A_171, %dma_wait3A_172] : memref<10x10x100xi32, #tpu.memory_space<hbm>> -> memref<1x10x100xi32, #tpu.memory_space<hbm>>
      %dma_wait3A_174 = tpu.memref_squeeze %dma_wait3A_173 : memref<1x10x100xi32, #tpu.memory_space<hbm>> -> memref<10x100xi32, #tpu.memory_space<hbm>>
      %dma_wait3A_175 = arith.constant 0 : i32
      %dma_wait3A_176 = arith.constant 0 : i32
      %dma_wait3A_177 = tpu.memref_slice %arg8[%run_scoped3A_12, %dma_wait3A_175, %dma_wait3A_176] : memref<2x10x100xi32, #tpu.memory_space<vmem>> -> memref<1x10x100xi32, #tpu.memory_space<vmem>>
      %dma_wait3A_178 = tpu.memref_squeeze %dma_wait3A_177 : memref<1x10x100xi32, #tpu.memory_space<vmem>> -> memref<10x100xi32, #tpu.memory_space<vmem>>
      %dma_wait3A_179 = arith.constant 0 : i32
      %dma_wait3A_180 = arith.constant 0 : i32
      %dma_wait3A_181 = arith.constant 0 : i32
      %dma_wait3A_182 = tpu.memref_slice %arg4[%add3A, %dma_wait3A_179, %dma_wait3A_180, %dma_wait3A_181] : memref<32x10x10x100xi32, #tpu.memory_space<hbm>> -> memref<1x10x10x100xi32, #tpu.memory_space<hbm>>
      %dma_wait3A_183 = tpu.memref_squeeze %dma_wait3A_182 : memref<1x10x10x100xi32, #tpu.memory_space<hbm>> -> memref<10x10x100xi32, #tpu.memory_space<hbm>>
      %dma_wait3A_184 = arith.constant 0 : i32
      %dma_wait3A_185 = arith.constant 0 : i32
      %dma_wait3A_186 = tpu.memref_slice %dma_wait3A_183[%run_scoped3A_11, %dma_wait3A_184, %dma_wait3A_185] : memref<10x10x100xi32, #tpu.memory_space<hbm>> -> memref<1x10x100xi32, #tpu.memory_space<hbm>>
      %dma_wait3A_187 = tpu.memref_squeeze %dma_wait3A_186 : memref<1x10x100xi32, #tpu.memory_space<hbm>> -> memref<10x100xi32, #tpu.memory_space<hbm>>
      tpu.wait_dma2 semaphore(%run_scoped3A_135 : memref<!tpu.dma_semaphore, #tpu.memory_space<semaphore_mem>>) src(%dma_wait3A_187 : memref<10x100xi32, #tpu.memory_space<hbm>>) dst(%dma_wait3A_178 : memref<10x100xi32, #tpu.memory_space<vmem>>)
      tpu.yield
    }) : () -> ()
    %dma_start3A_13 = arith.constant 1 : i32
    %dma_start3A_14 = arith.constant 1 : i32
    %dma_start3A_15 = arith.constant 0 : i32
    %dma_start3A_16 = arith.constant 0 : i32
    %dma_start3A_17 = tpu.memref_slice %arg7[%dma_start3A_14, %dma_start3A_15, %dma_start3A_16] : memref<2x10x100xi32, #tpu.memory_space<vmem>> -> memref<1x10x100xi32, #tpu.memory_space<vmem>>
    %dma_start3A_18 = tpu.memref_squeeze %dma_start3A_17 : memref<1x10x100xi32, #tpu.memory_space<vmem>> -> memref<10x100xi32, #tpu.memory_space<vmem>>
    %dma_start3A_19 = arith.constant 0 : i32
    %dma_start3A_20 = arith.constant 0 : i32
    %dma_start3A_21 = arith.constant 0 : i32
    %dma_start3A_22 = tpu.memref_slice %arg3[%add3A, %dma_start3A_19, %dma_start3A_20, %dma_start3A_21] : memref<32x10x10x100xi32, #tpu.memory_space<hbm>> -> memref<1x10x10x100xi32, #tpu.memory_space<hbm>>
    %dma_start3A_23 = tpu.memref_squeeze %dma_start3A_22 : memref<1x10x10x100xi32, #tpu.memory_space<hbm>> -> memref<10x10x100xi32, #tpu.memory_space<hbm>>
    %dma_start3A_24 = arith.constant 0 : i32
    %dma_start3A_25 = arith.constant 0 : i32
    %dma_start3A_26 = tpu.memref_slice %dma_start3A_23[%dma_start3A_13, %dma_start3A_24, %dma_start3A_25] : memref<10x10x100xi32, #tpu.memory_space<hbm>> -> memref<1x10x100xi32, #tpu.memory_space<hbm>>
    %dma_start3A_27 = tpu.memref_squeeze %dma_start3A_26 : memref<1x10x100xi32, #tpu.memory_space<hbm>> -> memref<10x100xi32, #tpu.memory_space<hbm>>
    %dma_start3A_28 = arith.constant 0 : i32
    %dma_start3A_29 = arith.constant 0 : i32
    %dma_start3A_30 = tpu.memref_slice %arg7[%dma_start3A_14, %dma_start3A_28, %dma_start3A_29] : memref<2x10x100xi32, #tpu.memory_space<vmem>> -> memref<1x10x100xi32, #tpu.memory_space<vmem>>
    %dma_start3A_31 = tpu.memref_squeeze %dma_start3A_30 : memref<1x10x100xi32, #tpu.memory_space<vmem>> -> memref<10x100xi32, #tpu.memory_space<vmem>>
    %dma_start3A_32 = arith.constant 0 : i32
    %dma_start3A_33 = arith.constant 0 : i32
    %dma_start3A_34 = arith.constant 0 : i32
    %dma_start3A_35 = tpu.memref_slice %arg3[%add3A, %dma_start3A_32, %dma_start3A_33, %dma_start3A_34] : memref<32x10x10x100xi32, #tpu.memory_space<hbm>> -> memref<1x10x10x100xi32, #tpu.memory_space<hbm>>
    %dma_start3A_36 = tpu.memref_squeeze %dma_start3A_35 : memref<1x10x10x100xi32, #tpu.memory_space<hbm>> -> memref<10x10x100xi32, #tpu.memory_space<hbm>>
    %dma_start3A_37 = arith.constant 0 : i32
    %dma_start3A_38 = arith.constant 0 : i32
    %dma_start3A_39 = tpu.memref_slice %dma_start3A_36[%dma_start3A_13, %dma_start3A_37, %dma_start3A_38] : memref<10x10x100xi32, #tpu.memory_space<hbm>> -> memref<1x10x100xi32, #tpu.memory_space<hbm>>
    %dma_start3A_40 = tpu.memref_squeeze %dma_start3A_39 : memref<1x10x100xi32, #tpu.memory_space<hbm>> -> memref<10x100xi32, #tpu.memory_space<hbm>>
    tpu.enqueue_dma source(%dma_start3A_40 : memref<10x100xi32, #tpu.memory_space<hbm>>) target(%dma_start3A_31 : memref<10x100xi32, #tpu.memory_space<vmem>>) target_semaphore(%arg12 : memref<!tpu.dma_semaphore, #tpu.memory_space<semaphore_mem>>)
    %dma_start3A_41 = arith.constant 1 : i32
    %dma_start3A_42 = arith.constant 1 : i32
    %dma_start3A_43 = arith.constant 0 : i32
    %dma_start3A_44 = arith.constant 0 : i32
    %dma_start3A_45 = tpu.memref_slice %arg8[%dma_start3A_42, %dma_start3A_43, %dma_start3A_44] : memref<2x10x100xi32, #tpu.memory_space<vmem>> -> memref<1x10x100xi32, #tpu.memory_space<vmem>>
    %dma_start3A_46 = tpu.memref_squeeze %dma_start3A_45 : memref<1x10x100xi32, #tpu.memory_space<vmem>> -> memref<10x100xi32, #tpu.memory_space<vmem>>
    %dma_start3A_47 = arith.constant 0 : i32
    %dma_start3A_48 = arith.constant 0 : i32
    %dma_start3A_49 = arith.constant 0 : i32
    %dma_start3A_50 = tpu.memref_slice %arg4[%add3A, %dma_start3A_47, %dma_start3A_48, %dma_start3A_49] : memref<32x10x10x100xi32, #tpu.memory_space<hbm>> -> memref<1x10x10x100xi32, #tpu.memory_space<hbm>>
    %dma_start3A_51 = tpu.memref_squeeze %dma_start3A_50 : memref<1x10x10x100xi32, #tpu.memory_space<hbm>> -> memref<10x10x100xi32, #tpu.memory_space<hbm>>
    %dma_start3A_52 = arith.constant 0 : i32
    %dma_start3A_53 = arith.constant 0 : i32
    %dma_start3A_54 = tpu.memref_slice %dma_start3A_51[%dma_start3A_41, %dma_start3A_52, %dma_start3A_53] : memref<10x10x100xi32, #tpu.memory_space<hbm>> -> memref<1x10x100xi32, #tpu.memory_space<hbm>>
    %dma_start3A_55 = tpu.memref_squeeze %dma_start3A_54 : memref<1x10x100xi32, #tpu.memory_space<hbm>> -> memref<10x100xi32, #tpu.memory_space<hbm>>
    %dma_start3A_56 = arith.constant 0 : i32
    %dma_start3A_57 = arith.constant 0 : i32
    %dma_start3A_58 = tpu.memref_slice %arg8[%dma_start3A_42, %dma_start3A_56, %dma_start3A_57] : memref<2x10x100xi32, #tpu.memory_space<vmem>> -> memref<1x10x100xi32, #tpu.memory_space<vmem>>
    %dma_start3A_59 = tpu.memref_squeeze %dma_start3A_58 : memref<1x10x100xi32, #tpu.memory_space<vmem>> -> memref<10x100xi32, #tpu.memory_space<vmem>>
    %dma_start3A_60 = arith.constant 0 : i32
    %dma_start3A_61 = arith.constant 0 : i32
    %dma_start3A_62 = arith.constant 0 : i32
    %dma_start3A_63 = tpu.memref_slice %arg4[%add3A, %dma_start3A_60, %dma_start3A_61, %dma_start3A_62] : memref<32x10x10x100xi32, #tpu.memory_space<hbm>> -> memref<1x10x10x100xi32, #tpu.memory_space<hbm>>
    %dma_start3A_64 = tpu.memref_squeeze %dma_start3A_63 : memref<1x10x10x100xi32, #tpu.memory_space<hbm>> -> memref<10x10x100xi32, #tpu.memory_space<hbm>>
    %dma_start3A_65 = arith.constant 0 : i32
    %dma_start3A_66 = arith.constant 0 : i32
    %dma_start3A_67 = tpu.memref_slice %dma_start3A_64[%dma_start3A_41, %dma_start3A_65, %dma_start3A_66] : memref<10x10x100xi32, #tpu.memory_space<hbm>> -> memref<1x10x100xi32, #tpu.memory_space<hbm>>
    %dma_start3A_68 = tpu.memref_squeeze %dma_start3A_67 : memref<1x10x100xi32, #tpu.memory_space<hbm>> -> memref<10x100xi32, #tpu.memory_space<hbm>>
    tpu.enqueue_dma source(%dma_start3A_68 : memref<10x100xi32, #tpu.memory_space<hbm>>) target(%dma_start3A_59 : memref<10x100xi32, #tpu.memory_space<vmem>>) target_semaphore(%arg12 : memref<!tpu.dma_semaphore, #tpu.memory_space<semaphore_mem>>)
    %dma_start3A_69 = arith.constant 0 : i32
    %dma_start3A_70 = arith.constant 0 : i32
    %dma_start3A_71 = arith.constant 0 : i32
    %dma_start3A_72 = arith.constant 0 : i32
    %dma_start3A_73 = arith.constant 0 : i32
    %dma_start3A_74 = tpu.memref_slice %arg9[%dma_start3A_71, %dma_start3A_72, %dma_start3A_73] : memref<3x100x128xf32, #tpu.memory_space<vmem>> -> memref<1x100x128xf32, #tpu.memory_space<vmem>>
    %dma_start3A_75 = tpu.memref_squeeze %dma_start3A_74 : memref<1x100x128xf32, #tpu.memory_space<vmem>> -> memref<100x128xf32, #tpu.memory_space<vmem>>
    %dma_start3A_76 = arith.constant 0 : i32
    %dma_start3A_77 = tpu.memref_slice %arg7[%dma_start3A_69, %dma_start3A_70, %dma_start3A_76] : memref<2x10x100xi32, #tpu.memory_space<vmem>> -> memref<1x1x100xi32, #tpu.memory_space<vmem>>
    %dma_start3A_78 = tpu.memref_squeeze %dma_start3A_77 : memref<1x1x100xi32, #tpu.memory_space<vmem>> -> memref<100xi32, #tpu.memory_space<vmem>>
    %dma_start3A_79 = arith.constant 0 : i32
    %dma_start3A_80 = arith.constant 0 : i32
    %dma_start3A_81 = tpu.memref_slice %arg2[%dma_start3A_79, %dma_start3A_80] : memref<10000x128xf32, #tpu.memory_space<hbm>> -> memref<10000x128xf32, #tpu.memory_space<hbm>>
    tpu.enqueue_indirect_dma source(%dma_start3A_81 : memref<10000x128xf32, #tpu.memory_space<hbm>>) target(%dma_start3A_75 : memref<100x128xf32, #tpu.memory_space<vmem>>) offsets(%dma_start3A_78 : memref<100xi32, #tpu.memory_space<vmem>>) semaphore(%arg10 : memref<!tpu.dma_semaphore, #tpu.memory_space<semaphore_mem>>)
    %dma_start3A_82 = arith.constant 0 : i32
    %dma_start3A_83 = arith.constant 1 : i32
    %dma_start3A_84 = arith.constant 1 : i32
    %dma_start3A_85 = arith.constant 0 : i32
    %dma_start3A_86 = arith.constant 0 : i32
    %dma_start3A_87 = tpu.memref_slice %arg9[%dma_start3A_84, %dma_start3A_85, %dma_start3A_86] : memref<3x100x128xf32, #tpu.memory_space<vmem>> -> memref<1x100x128xf32, #tpu.memory_space<vmem>>
    %dma_start3A_88 = tpu.memref_squeeze %dma_start3A_87 : memref<1x100x128xf32, #tpu.memory_space<vmem>> -> memref<100x128xf32, #tpu.memory_space<vmem>>
    %dma_start3A_89 = arith.constant 0 : i32
    %dma_start3A_90 = tpu.memref_slice %arg7[%dma_start3A_82, %dma_start3A_83, %dma_start3A_89] : memref<2x10x100xi32, #tpu.memory_space<vmem>> -> memref<1x1x100xi32, #tpu.memory_space<vmem>>
    %dma_start3A_91 = tpu.memref_squeeze %dma_start3A_90 : memref<1x1x100xi32, #tpu.memory_space<vmem>> -> memref<100xi32, #tpu.memory_space<vmem>>
    %dma_start3A_92 = arith.constant 0 : i32
    %dma_start3A_93 = arith.constant 0 : i32
    %dma_start3A_94 = tpu.memref_slice %arg2[%dma_start3A_92, %dma_start3A_93] : memref<10000x128xf32, #tpu.memory_space<hbm>> -> memref<10000x128xf32, #tpu.memory_space<hbm>>
    tpu.enqueue_indirect_dma source(%dma_start3A_94 : memref<10000x128xf32, #tpu.memory_space<hbm>>) target(%dma_start3A_88 : memref<100x128xf32, #tpu.memory_space<vmem>>) offsets(%dma_start3A_91 : memref<100xi32, #tpu.memory_space<vmem>>) semaphore(%arg10 : memref<!tpu.dma_semaphore, #tpu.memory_space<semaphore_mem>>)
    %mul3A_95 = arith.constant 624 : i32
    %mul3A_96 = arith.muli %arg1, %mul3A_95 : i32
    %mul3A_97 = arith.constant 624 : i32
    %mul3A_98 = arith.muli %arg1, %mul3A_97 : i32
    %dma_wait3A = arith.constant 0 : i32
    %dma_wait3A_99 = tpu.memref_slice %arg6[%mul3A_98, %dma_wait3A] : memref<10000x128xf32, #tpu.memory_space<vmem_shared>> -> memref<624x128xf32, #tpu.memory_space<vmem_shared>>
    %dma_wait3A_100 = arith.constant 0 : i32
    %dma_wait3A_101 = tpu.memref_slice %arg2[%mul3A_96, %dma_wait3A_100] : memref<10000x128xf32, #tpu.memory_space<hbm>> -> memref<624x128xf32, #tpu.memory_space<hbm>>
    tpu.wait_dma2 semaphore(%arg13 : memref<!tpu.dma_semaphore, #tpu.memory_space<semaphore_mem>>) src(%dma_wait3A_101 : memref<624x128xf32, #tpu.memory_space<hbm>>) dst(%dma_wait3A_99 : memref<624x128xf32, #tpu.memory_space<vmem_shared>>)
    %eq3A_102 = arith.constant 15 : i32
    %eq3A_103 = arith.cmpi eq, %arg1, %eq3A_102 : i32
    %convert_element_type3A_104 = arith.extui %eq3A_103 : i1 to i32
    %cond3A_105 = arith.constant 0 : i32
    %cond3A_106 = arith.cmpi ne, %convert_element_type3A_104, %cond3A_105 : i32
    scf.if %cond3A_106 {
      %dma_wait3A_135 = arith.constant 9984 : i32
      %dma_wait3A_136 = arith.constant 0 : i32
      %dma_wait3A_137 = tpu.memref_slice %arg6[%dma_wait3A_135, %dma_wait3A_136] : memref<10000x128xf32, #tpu.memory_space<vmem_shared>> -> memref<16x128xf32, #tpu.memory_space<vmem_shared>>
      %dma_wait3A_138 = arith.constant 9984 : i32
      %dma_wait3A_139 = arith.constant 0 : i32
      %dma_wait3A_140 = tpu.memref_slice %arg2[%dma_wait3A_138, %dma_wait3A_139] : memref<10000x128xf32, #tpu.memory_space<hbm>> -> memref<16x128xf32, #tpu.memory_space<hbm>>
      tpu.wait_dma2 semaphore(%arg13 : memref<!tpu.dma_semaphore, #tpu.memory_space<semaphore_mem>>) src(%dma_wait3A_140 : memref<16x128xf32, #tpu.memory_space<hbm>>) dst(%dma_wait3A_137 : memref<16x128xf32, #tpu.memory_space<vmem_shared>>)
    } else {
    }
    %barrier3A = arith.constant 0 : index
    tpu.barrier barrier_id(%barrier3A)
    %scan3A = arith.constant 0 : i32
    %scan3A_107 = arith.constant 0 : i32
    %scan3A_108 = arith.constant 100 : i32
    %scan3A_109 = arith.addi %scan3A_107, %scan3A_108 : i32
    %scan3A_110 = arith.constant 1 : i32
    scf.for %scan3A_135 = %scan3A_107 to %scan3A_109 step %scan3A_110  : i32 {
      %jit3A = arith.constant 10 : i32
      %div3A = arith.divsi %scan3A_135, %jit3A : i32
      %sign3A = arith.constant 0 : i32
      %sign3A_136 = arith.cmpi sgt, %scan3A_135, %sign3A : i32
      %sign3A_137 = arith.extui %sign3A_136 : i1 to i32
      %sign3A_138 = arith.constant 0 : i32
      %sign3A_139 = arith.cmpi slt, %scan3A_135, %sign3A_138 : i32
      %sign3A_140 = arith.extui %sign3A_139 : i1 to i32
      %sign3A_141 = arith.subi %sign3A_137, %sign3A_140 : i32
      %sign3A_142 = arith.constant 0 : i32
      %sign3A_143 = arith.cmpi sgt, %jit3A, %sign3A_142 : i32
      %sign3A_144 = arith.extui %sign3A_143 : i1 to i32
      %sign3A_145 = arith.constant 0 : i32
      %sign3A_146 = arith.cmpi slt, %jit3A, %sign3A_145 : i32
      %sign3A_147 = arith.extui %sign3A_146 : i1 to i32
      %sign3A_148 = arith.subi %sign3A_144, %sign3A_147 : i32
      %ne3A = arith.cmpi ne, %sign3A_141, %sign3A_148 : i32
      %rem3A = arith.remsi %scan3A_135, %jit3A : i32
      %ne3A_149 = arith.constant 0 : i32
      %ne3A_150 = arith.cmpi ne, %rem3A, %ne3A_149 : i32
      %and3A = arith.andi %ne3A, %ne3A_150 : i1
      %sub3A = arith.constant 1 : i32
      %sub3A_151 = arith.subi %div3A, %sub3A : i32
      %select_n3A = arith.select %and3A, %sub3A_151, %div3A : i32
      %rem3A_152 = arith.constant 10 : i32
      %rem3A_153 = arith.remsi %scan3A_135, %rem3A_152 : i32
      %rem3A_154 = arith.constant 2 : i32
      %rem3A_155 = arith.remsi %select_n3A, %rem3A_154 : i32
      %rem3A_156 = arith.constant 3 : i32
      %rem3A_157 = arith.remsi %scan3A_135, %rem3A_156 : i32
      %add3A_158 = arith.constant 2 : i32
      %add3A_159 = arith.addi %scan3A_135, %add3A_158 : i32
      %jit3A_160 = arith.constant 10 : i32
      %div3A_161 = arith.divsi %add3A_159, %jit3A_160 : i32
      %sign3A_162 = arith.constant 0 : i32
      %sign3A_163 = arith.cmpi sgt, %add3A_159, %sign3A_162 : i32
      %sign3A_164 = arith.extui %sign3A_163 : i1 to i32
      %sign3A_165 = arith.constant 0 : i32
      %sign3A_166 = arith.cmpi slt, %add3A_159, %sign3A_165 : i32
      %sign3A_167 = arith.extui %sign3A_166 : i1 to i32
      %sign3A_168 = arith.subi %sign3A_164, %sign3A_167 : i32
      %sign3A_169 = arith.constant 0 : i32
      %sign3A_170 = arith.cmpi sgt, %jit3A_160, %sign3A_169 : i32
      %sign3A_171 = arith.extui %sign3A_170 : i1 to i32
      %sign3A_172 = arith.constant 0 : i32
      %sign3A_173 = arith.cmpi slt, %jit3A_160, %sign3A_172 : i32
      %sign3A_174 = arith.extui %sign3A_173 : i1 to i32
      %sign3A_175 = arith.subi %sign3A_171, %sign3A_174 : i32
      %ne3A_176 = arith.cmpi ne, %sign3A_168, %sign3A_175 : i32
      %rem3A_177 = arith.remsi %add3A_159, %jit3A_160 : i32
      %ne3A_178 = arith.constant 0 : i32
      %ne3A_179 = arith.cmpi ne, %rem3A_177, %ne3A_178 : i32
      %and3A_180 = arith.andi %ne3A_176, %ne3A_179 : i1
      %sub3A_181 = arith.constant 1 : i32
      %sub3A_182 = arith.subi %div3A_161, %sub3A_181 : i32
      %select_n3A_183 = arith.select %and3A_180, %sub3A_182, %div3A_161 : i32
      %rem3A_184 = arith.constant 10 : i32
      %rem3A_185 = arith.remsi %add3A_159, %rem3A_184 : i32
      %rem3A_186 = arith.constant 2 : i32
      %rem3A_187 = arith.remsi %select_n3A_183, %rem3A_186 : i32
      %rem3A_188 = arith.constant 3 : i32
      %rem3A_189 = arith.remsi %add3A_159, %rem3A_188 : i32
      %dma_wait3A_190 = arith.constant 0 : i32
      %dma_wait3A_191 = arith.constant 0 : i32
      %dma_wait3A_192 = arith.constant 0 : i32
      %dma_wait3A_193 = arith.constant 0 : i32
      %dma_wait3A_194 = arith.constant 0 : i32
      %dma_wait3A_195 = tpu.memref_slice %arg9[%dma_wait3A_192, %dma_wait3A_193, %dma_wait3A_194] : memref<3x100x128xf32, #tpu.memory_space<vmem>> -> memref<1x100x128xf32, #tpu.memory_space<vmem>>
      %dma_wait3A_196 = tpu.memref_squeeze %dma_wait3A_195 : memref<1x100x128xf32, #tpu.memory_space<vmem>> -> memref<100x128xf32, #tpu.memory_space<vmem>>
      %dma_wait3A_197 = arith.constant 0 : i32
      %dma_wait3A_198 = tpu.memref_slice %arg7[%dma_wait3A_190, %dma_wait3A_191, %dma_wait3A_197] : memref<2x10x100xi32, #tpu.memory_space<vmem>> -> memref<1x1x100xi32, #tpu.memory_space<vmem>>
      %dma_wait3A_199 = tpu.memref_squeeze %dma_wait3A_198 : memref<1x1x100xi32, #tpu.memory_space<vmem>> -> memref<100xi32, #tpu.memory_space<vmem>>
      %dma_wait3A_200 = arith.constant 0 : i32
      %dma_wait3A_201 = arith.constant 0 : i32
      %dma_wait3A_202 = tpu.memref_slice %arg2[%dma_wait3A_200, %dma_wait3A_201] : memref<10000x128xf32, #tpu.memory_space<hbm>> -> memref<10000x128xf32, #tpu.memory_space<hbm>>
      tpu.wait_indirect_dma semaphore(%arg10 : memref<!tpu.dma_semaphore, #tpu.memory_space<semaphore_mem>>) src(%dma_wait3A_202 : memref<10000x128xf32, #tpu.memory_space<hbm>>) dst(%dma_wait3A_196 : memref<100x128xf32, #tpu.memory_space<vmem>>)
      %dma_start3A_203 = arith.constant 0 : i32
      %dma_start3A_204 = arith.constant 0 : i32
      %dma_start3A_205 = tpu.memref_slice %arg9[%rem3A_157, %dma_start3A_203, %dma_start3A_204] : memref<3x100x128xf32, #tpu.memory_space<vmem>> -> memref<1x100x128xf32, #tpu.memory_space<vmem>>
      %dma_start3A_206 = tpu.memref_squeeze %dma_start3A_205 : memref<1x100x128xf32, #tpu.memory_space<vmem>> -> memref<100x128xf32, #tpu.memory_space<vmem>>
      %dma_start3A_207 = arith.constant 0 : i32
      %dma_start3A_208 = tpu.memref_slice %arg8[%rem3A_155, %rem3A_153, %dma_start3A_207] : memref<2x10x100xi32, #tpu.memory_space<vmem>> -> memref<1x1x100xi32, #tpu.memory_space<vmem>>
      %dma_start3A_209 = tpu.memref_squeeze %dma_start3A_208 : memref<1x1x100xi32, #tpu.memory_space<vmem>> -> memref<100xi32, #tpu.memory_space<vmem>>
      %dma_start3A_210 = arith.constant 0 : i32
      %dma_start3A_211 = arith.constant 0 : i32
      %dma_start3A_212 = tpu.memref_slice %arg6[%dma_start3A_210, %dma_start3A_211] : memref<10000x128xf32, #tpu.memory_space<vmem_shared>> -> memref<10000x128xf32, #tpu.memory_space<vmem_shared>>
      tpu.enqueue_indirect_dma source(%dma_start3A_206 : memref<100x128xf32, #tpu.memory_space<vmem>>) target(%dma_start3A_212 : memref<10000x128xf32, #tpu.memory_space<vmem_shared>>) offsets(%dma_start3A_209 : memref<100xi32, #tpu.memory_space<vmem>>) semaphore(%arg11 : memref<!tpu.dma_semaphore, #tpu.memory_space<semaphore_mem>>) {add = true}
      %ge3A = arith.constant 1 : i32
      %ge3A_213 = arith.cmpi sge, %scan3A_135, %ge3A : i32
      %convert_element_type3A_214 = arith.extui %ge3A_213 : i1 to i32
      %cond3A_215 = arith.constant 0 : i32
      %cond3A_216 = arith.cmpi ne, %convert_element_type3A_214, %cond3A_215 : i32
      scf.if %cond3A_216 {
        %dma_wait3A_244 = arith.constant 0 : i32
        %dma_wait3A_245 = arith.constant 0 : i32
        %dma_wait3A_246 = arith.constant 0 : i32
        %dma_wait3A_247 = arith.constant 0 : i32
        %dma_wait3A_248 = arith.constant 0 : i32
        %dma_wait3A_249 = tpu.memref_slice %arg9[%dma_wait3A_246, %dma_wait3A_247, %dma_wait3A_248] : memref<3x100x128xf32, #tpu.memory_space<vmem>> -> memref<1x100x128xf32, #tpu.memory_space<vmem>>
        %dma_wait3A_250 = tpu.memref_squeeze %dma_wait3A_249 : memref<1x100x128xf32, #tpu.memory_space<vmem>> -> memref<100x128xf32, #tpu.memory_space<vmem>>
        %dma_wait3A_251 = arith.constant 0 : i32
        %dma_wait3A_252 = tpu.memref_slice %arg7[%dma_wait3A_244, %dma_wait3A_245, %dma_wait3A_251] : memref<2x10x100xi32, #tpu.memory_space<vmem>> -> memref<1x1x100xi32, #tpu.memory_space<vmem>>
        %dma_wait3A_253 = tpu.memref_squeeze %dma_wait3A_252 : memref<1x1x100xi32, #tpu.memory_space<vmem>> -> memref<100xi32, #tpu.memory_space<vmem>>
        %dma_wait3A_254 = arith.constant 0 : i32
        %dma_wait3A_255 = arith.constant 0 : i32
        %dma_wait3A_256 = tpu.memref_slice %arg2[%dma_wait3A_254, %dma_wait3A_255] : memref<10000x128xf32, #tpu.memory_space<hbm>> -> memref<10000x128xf32, #tpu.memory_space<hbm>>
        tpu.wait_indirect_dma semaphore(%arg11 : memref<!tpu.dma_semaphore, #tpu.memory_space<semaphore_mem>>) src(%dma_wait3A_256 : memref<10000x128xf32, #tpu.memory_space<hbm>>) dst(%dma_wait3A_250 : memref<100x128xf32, #tpu.memory_space<vmem>>)
      } else {
      }
      %eq3A_217 = arith.constant 2 : i32
      %eq3A_218 = arith.cmpi eq, %rem3A_153, %eq3A_217 : i32
      %ge3A_219 = arith.constant 1 : i32
      %ge3A_220 = arith.cmpi sge, %select_n3A, %ge3A_219 : i32
      %add3A_221 = arith.constant 1 : i32
      %add3A_222 = arith.addi %select_n3A, %add3A_221 : i32
      %lt3A = arith.constant 10 : i32
      %lt3A_223 = arith.cmpi slt, %add3A_222, %lt3A : i32
      %and3A_224 = arith.andi %ge3A_220, %lt3A_223 : i1
      %and3A_225 = arith.andi %eq3A_218, %and3A_224 : i1
      %convert_element_type3A_226 = arith.extui %and3A_225 : i1 to i32
      %cond3A_227 = arith.constant 0 : i32
      %cond3A_228 = arith.cmpi ne, %convert_element_type3A_226, %cond3A_227 : i32
      scf.if %cond3A_228 {
        %add3A_244 = arith.constant 1 : i32
        %add3A_245 = arith.addi %select_n3A, %add3A_244 : i32
        %sub3A_246 = arith.constant 1 : i32
        %sub3A_247 = arith.subi %sub3A_246, %rem3A_155 : i32
        %dma_start3A_248 = arith.constant 0 : i32
        %dma_start3A_249 = arith.constant 0 : i32
        %dma_start3A_250 = tpu.memref_slice %arg7[%sub3A_247, %dma_start3A_248, %dma_start3A_249] : memref<2x10x100xi32, #tpu.memory_space<vmem>> -> memref<1x10x100xi32, #tpu.memory_space<vmem>>
        %dma_start3A_251 = tpu.memref_squeeze %dma_start3A_250 : memref<1x10x100xi32, #tpu.memory_space<vmem>> -> memref<10x100xi32, #tpu.memory_space<vmem>>
        %dma_start3A_252 = arith.constant 0 : i32
        %dma_start3A_253 = arith.constant 0 : i32
        %dma_start3A_254 = arith.constant 0 : i32
        %dma_start3A_255 = tpu.memref_slice %arg3[%add3A, %dma_start3A_252, %dma_start3A_253, %dma_start3A_254] : memref<32x10x10x100xi32, #tpu.memory_space<hbm>> -> memref<1x10x10x100xi32, #tpu.memory_space<hbm>>
        %dma_start3A_256 = tpu.memref_squeeze %dma_start3A_255 : memref<1x10x10x100xi32, #tpu.memory_space<hbm>> -> memref<10x10x100xi32, #tpu.memory_space<hbm>>
        %dma_start3A_257 = arith.constant 0 : i32
        %dma_start3A_258 = arith.constant 0 : i32
        %dma_start3A_259 = tpu.memref_slice %dma_start3A_256[%add3A_245, %dma_start3A_257, %dma_start3A_258] : memref<10x10x100xi32, #tpu.memory_space<hbm>> -> memref<1x10x100xi32, #tpu.memory_space<hbm>>
        %dma_start3A_260 = tpu.memref_squeeze %dma_start3A_259 : memref<1x10x100xi32, #tpu.memory_space<hbm>> -> memref<10x100xi32, #tpu.memory_space<hbm>>
        %dma_start3A_261 = arith.constant 0 : i32
        %dma_start3A_262 = arith.constant 0 : i32
        %dma_start3A_263 = tpu.memref_slice %arg7[%sub3A_247, %dma_start3A_261, %dma_start3A_262] : memref<2x10x100xi32, #tpu.memory_space<vmem>> -> memref<1x10x100xi32, #tpu.memory_space<vmem>>
        %dma_start3A_264 = tpu.memref_squeeze %dma_start3A_263 : memref<1x10x100xi32, #tpu.memory_space<vmem>> -> memref<10x100xi32, #tpu.memory_space<vmem>>
        %dma_start3A_265 = arith.constant 0 : i32
        %dma_start3A_266 = arith.constant 0 : i32
        %dma_start3A_267 = arith.constant 0 : i32
        %dma_start3A_268 = tpu.memref_slice %arg3[%add3A, %dma_start3A_265, %dma_start3A_266, %dma_start3A_267] : memref<32x10x10x100xi32, #tpu.memory_space<hbm>> -> memref<1x10x10x100xi32, #tpu.memory_space<hbm>>
        %dma_start3A_269 = tpu.memref_squeeze %dma_start3A_268 : memref<1x10x10x100xi32, #tpu.memory_space<hbm>> -> memref<10x10x100xi32, #tpu.memory_space<hbm>>
        %dma_start3A_270 = arith.constant 0 : i32
        %dma_start3A_271 = arith.constant 0 : i32
        %dma_start3A_272 = tpu.memref_slice %dma_start3A_269[%add3A_245, %dma_start3A_270, %dma_start3A_271] : memref<10x10x100xi32, #tpu.memory_space<hbm>> -> memref<1x10x100xi32, #tpu.memory_space<hbm>>
        %dma_start3A_273 = tpu.memref_squeeze %dma_start3A_272 : memref<1x10x100xi32, #tpu.memory_space<hbm>> -> memref<10x100xi32, #tpu.memory_space<hbm>>
        tpu.enqueue_dma source(%dma_start3A_273 : memref<10x100xi32, #tpu.memory_space<hbm>>) target(%dma_start3A_264 : memref<10x100xi32, #tpu.memory_space<vmem>>) target_semaphore(%arg12 : memref<!tpu.dma_semaphore, #tpu.memory_space<semaphore_mem>>)
        %add3A_274 = arith.constant 1 : i32
        %add3A_275 = arith.addi %select_n3A, %add3A_274 : i32
        %sub3A_276 = arith.constant 1 : i32
        %sub3A_277 = arith.subi %sub3A_276, %rem3A_155 : i32
        %dma_start3A_278 = arith.constant 0 : i32
        %dma_start3A_279 = arith.constant 0 : i32
        %dma_start3A_280 = tpu.memref_slice %arg8[%sub3A_277, %dma_start3A_278, %dma_start3A_279] : memref<2x10x100xi32, #tpu.memory_space<vmem>> -> memref<1x10x100xi32, #tpu.memory_space<vmem>>
        %dma_start3A_281 = tpu.memref_squeeze %dma_start3A_280 : memref<1x10x100xi32, #tpu.memory_space<vmem>> -> memref<10x100xi32, #tpu.memory_space<vmem>>
        %dma_start3A_282 = arith.constant 0 : i32
        %dma_start3A_283 = arith.constant 0 : i32
        %dma_start3A_284 = arith.constant 0 : i32
        %dma_start3A_285 = tpu.memref_slice %arg4[%add3A, %dma_start3A_282, %dma_start3A_283, %dma_start3A_284] : memref<32x10x10x100xi32, #tpu.memory_space<hbm>> -> memref<1x10x10x100xi32, #tpu.memory_space<hbm>>
        %dma_start3A_286 = tpu.memref_squeeze %dma_start3A_285 : memref<1x10x10x100xi32, #tpu.memory_space<hbm>> -> memref<10x10x100xi32, #tpu.memory_space<hbm>>
        %dma_start3A_287 = arith.constant 0 : i32
        %dma_start3A_288 = arith.constant 0 : i32
        %dma_start3A_289 = tpu.memref_slice %dma_start3A_286[%add3A_275, %dma_start3A_287, %dma_start3A_288] : memref<10x10x100xi32, #tpu.memory_space<hbm>> -> memref<1x10x100xi32, #tpu.memory_space<hbm>>
        %dma_start3A_290 = tpu.memref_squeeze %dma_start3A_289 : memref<1x10x100xi32, #tpu.memory_space<hbm>> -> memref<10x100xi32, #tpu.memory_space<hbm>>
        %dma_start3A_291 = arith.constant 0 : i32
        %dma_start3A_292 = arith.constant 0 : i32
        %dma_start3A_293 = tpu.memref_slice %arg8[%sub3A_277, %dma_start3A_291, %dma_start3A_292] : memref<2x10x100xi32, #tpu.memory_space<vmem>> -> memref<1x10x100xi32, #tpu.memory_space<vmem>>
        %dma_start3A_294 = tpu.memref_squeeze %dma_start3A_293 : memref<1x10x100xi32, #tpu.memory_space<vmem>> -> memref<10x100xi32, #tpu.memory_space<vmem>>
        %dma_start3A_295 = arith.constant 0 : i32
        %dma_start3A_296 = arith.constant 0 : i32
        %dma_start3A_297 = arith.constant 0 : i32
        %dma_start3A_298 = tpu.memref_slice %arg4[%add3A, %dma_start3A_295, %dma_start3A_296, %dma_start3A_297] : memref<32x10x10x100xi32, #tpu.memory_space<hbm>> -> memref<1x10x10x100xi32, #tpu.memory_space<hbm>>
        %dma_start3A_299 = tpu.memref_squeeze %dma_start3A_298 : memref<1x10x10x100xi32, #tpu.memory_space<hbm>> -> memref<10x10x100xi32, #tpu.memory_space<hbm>>
        %dma_start3A_300 = arith.constant 0 : i32
        %dma_start3A_301 = arith.constant 0 : i32
        %dma_start3A_302 = tpu.memref_slice %dma_start3A_299[%add3A_275, %dma_start3A_300, %dma_start3A_301] : memref<10x10x100xi32, #tpu.memory_space<hbm>> -> memref<1x10x100xi32, #tpu.memory_space<hbm>>
        %dma_start3A_303 = tpu.memref_squeeze %dma_start3A_302 : memref<1x10x100xi32, #tpu.memory_space<hbm>> -> memref<10x100xi32, #tpu.memory_space<hbm>>
        tpu.enqueue_dma source(%dma_start3A_303 : memref<10x100xi32, #tpu.memory_space<hbm>>) target(%dma_start3A_294 : memref<10x100xi32, #tpu.memory_space<vmem>>) target_semaphore(%arg12 : memref<!tpu.dma_semaphore, #tpu.memory_space<semaphore_mem>>)
      } else {
      }
      %eq3A_229 = arith.constant 8 : i32
      %eq3A_230 = arith.cmpi eq, %rem3A_153, %eq3A_229 : i32
      %add3A_231 = arith.constant 1 : i32
      %add3A_232 = arith.addi %select_n3A, %add3A_231 : i32
      %lt3A_233 = arith.constant 10 : i32
      %lt3A_234 = arith.cmpi slt, %add3A_232, %lt3A_233 : i32
      %and3A_235 = arith.andi %eq3A_230, %lt3A_234 : i1
      %convert_element_type3A_236 = arith.extui %and3A_235 : i1 to i32
      %cond3A_237 = arith.constant 0 : i32
      %cond3A_238 = arith.cmpi ne, %convert_element_type3A_236, %cond3A_237 : i32
      scf.if %cond3A_238 {
        %dma_wait3A_244 = arith.constant 0 : i32
        %dma_wait3A_245 = arith.constant 0 : i32
        %dma_wait3A_246 = arith.constant 0 : i32
        %dma_wait3A_247 = arith.constant 0 : i32
        %dma_wait3A_248 = tpu.memref_slice %arg7[%dma_wait3A_245, %dma_wait3A_246, %dma_wait3A_247] : memref<2x10x100xi32, #tpu.memory_space<vmem>> -> memref<1x10x100xi32, #tpu.memory_space<vmem>>
        %dma_wait3A_249 = tpu.memref_squeeze %dma_wait3A_248 : memref<1x10x100xi32, #tpu.memory_space<vmem>> -> memref<10x100xi32, #tpu.memory_space<vmem>>
        %dma_wait3A_250 = arith.constant 0 : i32
        %dma_wait3A_251 = arith.constant 0 : i32
        %dma_wait3A_252 = arith.constant 0 : i32
        %dma_wait3A_253 = tpu.memref_slice %arg3[%add3A, %dma_wait3A_250, %dma_wait3A_251, %dma_wait3A_252] : memref<32x10x10x100xi32, #tpu.memory_space<hbm>> -> memref<1x10x10x100xi32, #tpu.memory_space<hbm>>
        %dma_wait3A_254 = tpu.memref_squeeze %dma_wait3A_253 : memref<1x10x10x100xi32, #tpu.memory_space<hbm>> -> memref<10x10x100xi32, #tpu.memory_space<hbm>>
        %dma_wait3A_255 = arith.constant 0 : i32
        %dma_wait3A_256 = arith.constant 0 : i32
        %dma_wait3A_257 = tpu.memref_slice %dma_wait3A_254[%dma_wait3A_244, %dma_wait3A_255, %dma_wait3A_256] : memref<10x10x100xi32, #tpu.memory_space<hbm>> -> memref<1x10x100xi32, #tpu.memory_space<hbm>>
        %dma_wait3A_258 = tpu.memref_squeeze %dma_wait3A_257 : memref<1x10x100xi32, #tpu.memory_space<hbm>> -> memref<10x100xi32, #tpu.memory_space<hbm>>
        %dma_wait3A_259 = arith.constant 0 : i32
        %dma_wait3A_260 = arith.constant 0 : i32
        %dma_wait3A_261 = tpu.memref_slice %arg7[%dma_wait3A_245, %dma_wait3A_259, %dma_wait3A_260] : memref<2x10x100xi32, #tpu.memory_space<vmem>> -> memref<1x10x100xi32, #tpu.memory_space<vmem>>
        %dma_wait3A_262 = tpu.memref_squeeze %dma_wait3A_261 : memref<1x10x100xi32, #tpu.memory_space<vmem>> -> memref<10x100xi32, #tpu.memory_space<vmem>>
        %dma_wait3A_263 = arith.constant 0 : i32
        %dma_wait3A_264 = arith.constant 0 : i32
        %dma_wait3A_265 = arith.constant 0 : i32
        %dma_wait3A_266 = tpu.memref_slice %arg3[%add3A, %dma_wait3A_263, %dma_wait3A_264, %dma_wait3A_265] : memref<32x10x10x100xi32, #tpu.memory_space<hbm>> -> memref<1x10x10x100xi32, #tpu.memory_space<hbm>>
        %dma_wait3A_267 = tpu.memref_squeeze %dma_wait3A_266 : memref<1x10x10x100xi32, #tpu.memory_space<hbm>> -> memref<10x10x100xi32, #tpu.memory_space<hbm>>
        %dma_wait3A_268 = arith.constant 0 : i32
        %dma_wait3A_269 = arith.constant 0 : i32
        %dma_wait3A_270 = tpu.memref_slice %dma_wait3A_267[%dma_wait3A_244, %dma_wait3A_268, %dma_wait3A_269] : memref<10x10x100xi32, #tpu.memory_space<hbm>> -> memref<1x10x100xi32, #tpu.memory_space<hbm>>
        %dma_wait3A_271 = tpu.memref_squeeze %dma_wait3A_270 : memref<1x10x100xi32, #tpu.memory_space<hbm>> -> memref<10x100xi32, #tpu.memory_space<hbm>>
        tpu.wait_dma2 semaphore(%arg12 : memref<!tpu.dma_semaphore, #tpu.memory_space<semaphore_mem>>) src(%dma_wait3A_271 : memref<10x100xi32, #tpu.memory_space<hbm>>) dst(%dma_wait3A_262 : memref<10x100xi32, #tpu.memory_space<vmem>>)
        %dma_wait3A_272 = arith.constant 0 : i32
        %dma_wait3A_273 = arith.constant 0 : i32
        %dma_wait3A_274 = arith.constant 0 : i32
        %dma_wait3A_275 = arith.constant 0 : i32
        %dma_wait3A_276 = tpu.memref_slice %arg8[%dma_wait3A_273, %dma_wait3A_274, %dma_wait3A_275] : memref<2x10x100xi32, #tpu.memory_space<vmem>> -> memref<1x10x100xi32, #tpu.memory_space<vmem>>
        %dma_wait3A_277 = tpu.memref_squeeze %dma_wait3A_276 : memref<1x10x100xi32, #tpu.memory_space<vmem>> -> memref<10x100xi32, #tpu.memory_space<vmem>>
        %dma_wait3A_278 = arith.constant 0 : i32
        %dma_wait3A_279 = arith.constant 0 : i32
        %dma_wait3A_280 = arith.constant 0 : i32
        %dma_wait3A_281 = tpu.memref_slice %arg4[%add3A, %dma_wait3A_278, %dma_wait3A_279, %dma_wait3A_280] : memref<32x10x10x100xi32, #tpu.memory_space<hbm>> -> memref<1x10x10x100xi32, #tpu.memory_space<hbm>>
        %dma_wait3A_282 = tpu.memref_squeeze %dma_wait3A_281 : memref<1x10x10x100xi32, #tpu.memory_space<hbm>> -> memref<10x10x100xi32, #tpu.memory_space<hbm>>
        %dma_wait3A_283 = arith.constant 0 : i32
        %dma_wait3A_284 = arith.constant 0 : i32
        %dma_wait3A_285 = tpu.memref_slice %dma_wait3A_282[%dma_wait3A_272, %dma_wait3A_283, %dma_wait3A_284] : memref<10x10x100xi32, #tpu.memory_space<hbm>> -> memref<1x10x100xi32, #tpu.memory_space<hbm>>
        %dma_wait3A_286 = tpu.memref_squeeze %dma_wait3A_285 : memref<1x10x100xi32, #tpu.memory_space<hbm>> -> memref<10x100xi32, #tpu.memory_space<hbm>>
        %dma_wait3A_287 = arith.constant 0 : i32
        %dma_wait3A_288 = arith.constant 0 : i32
        %dma_wait3A_289 = tpu.memref_slice %arg8[%dma_wait3A_273, %dma_wait3A_287, %dma_wait3A_288] : memref<2x10x100xi32, #tpu.memory_space<vmem>> -> memref<1x10x100xi32, #tpu.memory_space<vmem>>
        %dma_wait3A_290 = tpu.memref_squeeze %dma_wait3A_289 : memref<1x10x100xi32, #tpu.memory_space<vmem>> -> memref<10x100xi32, #tpu.memory_space<vmem>>
        %dma_wait3A_291 = arith.constant 0 : i32
        %dma_wait3A_292 = arith.constant 0 : i32
        %dma_wait3A_293 = arith.constant 0 : i32
        %dma_wait3A_294 = tpu.memref_slice %arg4[%add3A, %dma_wait3A_291, %dma_wait3A_292, %dma_wait3A_293] : memref<32x10x10x100xi32, #tpu.memory_space<hbm>> -> memref<1x10x10x100xi32, #tpu.memory_space<hbm>>
        %dma_wait3A_295 = tpu.memref_squeeze %dma_wait3A_294 : memref<1x10x10x100xi32, #tpu.memory_space<hbm>> -> memref<10x10x100xi32, #tpu.memory_space<hbm>>
        %dma_wait3A_296 = arith.constant 0 : i32
        %dma_wait3A_297 = arith.constant 0 : i32
        %dma_wait3A_298 = tpu.memref_slice %dma_wait3A_295[%dma_wait3A_272, %dma_wait3A_296, %dma_wait3A_297] : memref<10x10x100xi32, #tpu.memory_space<hbm>> -> memref<1x10x100xi32, #tpu.memory_space<hbm>>
        %dma_wait3A_299 = tpu.memref_squeeze %dma_wait3A_298 : memref<1x10x100xi32, #tpu.memory_space<hbm>> -> memref<10x100xi32, #tpu.memory_space<hbm>>
        tpu.wait_dma2 semaphore(%arg12 : memref<!tpu.dma_semaphore, #tpu.memory_space<semaphore_mem>>) src(%dma_wait3A_299 : memref<10x100xi32, #tpu.memory_space<hbm>>) dst(%dma_wait3A_290 : memref<10x100xi32, #tpu.memory_space<vmem>>)
      } else {
      }
      %lt3A_239 = arith.constant 100 : i32
      %lt3A_240 = arith.cmpi slt, %add3A_159, %lt3A_239 : i32
      %convert_element_type3A_241 = arith.extui %lt3A_240 : i1 to i32
      %cond3A_242 = arith.constant 0 : i32
      %cond3A_243 = arith.cmpi ne, %convert_element_type3A_241, %cond3A_242 : i32
      scf.if %cond3A_243 {
        %dma_start3A_244 = arith.constant 0 : i32
        %dma_start3A_245 = arith.constant 0 : i32
        %dma_start3A_246 = tpu.memref_slice %arg9[%rem3A_189, %dma_start3A_244, %dma_start3A_245] : memref<3x100x128xf32, #tpu.memory_space<vmem>> -> memref<1x100x128xf32, #tpu.memory_space<vmem>>
        %dma_start3A_247 = tpu.memref_squeeze %dma_start3A_246 : memref<1x100x128xf32, #tpu.memory_space<vmem>> -> memref<100x128xf32, #tpu.memory_space<vmem>>
        %dma_start3A_248 = arith.constant 0 : i32
        %dma_start3A_249 = tpu.memref_slice %arg7[%rem3A_187, %rem3A_185, %dma_start3A_248] : memref<2x10x100xi32, #tpu.memory_space<vmem>> -> memref<1x1x100xi32, #tpu.memory_space<vmem>>
        %dma_start3A_250 = tpu.memref_squeeze %dma_start3A_249 : memref<1x1x100xi32, #tpu.memory_space<vmem>> -> memref<100xi32, #tpu.memory_space<vmem>>
        %dma_start3A_251 = arith.constant 0 : i32
        %dma_start3A_252 = arith.constant 0 : i32
        %dma_start3A_253 = tpu.memref_slice %arg2[%dma_start3A_251, %dma_start3A_252] : memref<10000x128xf32, #tpu.memory_space<hbm>> -> memref<10000x128xf32, #tpu.memory_space<hbm>>
        tpu.enqueue_indirect_dma source(%dma_start3A_253 : memref<10000x128xf32, #tpu.memory_space<hbm>>) target(%dma_start3A_247 : memref<100x128xf32, #tpu.memory_space<vmem>>) offsets(%dma_start3A_250 : memref<100xi32, #tpu.memory_space<vmem>>) semaphore(%arg10 : memref<!tpu.dma_semaphore, #tpu.memory_space<semaphore_mem>>)
      } else {
      }
    }
    %scan3A_111 = arith.constant 100 : i32
    %dma_wait3A_112 = arith.constant 0 : i32
    %dma_wait3A_113 = arith.constant 0 : i32
    %dma_wait3A_114 = arith.constant 0 : i32
    %dma_wait3A_115 = arith.constant 0 : i32
    %dma_wait3A_116 = arith.constant 0 : i32
    %dma_wait3A_117 = tpu.memref_slice %arg9[%dma_wait3A_114, %dma_wait3A_115, %dma_wait3A_116] : memref<3x100x128xf32, #tpu.memory_space<vmem>> -> memref<1x100x128xf32, #tpu.memory_space<vmem>>
    %dma_wait3A_118 = tpu.memref_squeeze %dma_wait3A_117 : memref<1x100x128xf32, #tpu.memory_space<vmem>> -> memref<100x128xf32, #tpu.memory_space<vmem>>
    %dma_wait3A_119 = arith.constant 0 : i32
    %dma_wait3A_120 = tpu.memref_slice %arg7[%dma_wait3A_112, %dma_wait3A_113, %dma_wait3A_119] : memref<2x10x100xi32, #tpu.memory_space<vmem>> -> memref<1x1x100xi32, #tpu.memory_space<vmem>>
    %dma_wait3A_121 = tpu.memref_squeeze %dma_wait3A_120 : memref<1x1x100xi32, #tpu.memory_space<vmem>> -> memref<100xi32, #tpu.memory_space<vmem>>
    %dma_wait3A_122 = arith.constant 0 : i32
    %dma_wait3A_123 = arith.constant 0 : i32
    %dma_wait3A_124 = tpu.memref_slice %arg2[%dma_wait3A_122, %dma_wait3A_123] : memref<10000x128xf32, #tpu.memory_space<hbm>> -> memref<10000x128xf32, #tpu.memory_space<hbm>>
    tpu.wait_indirect_dma semaphore(%arg11 : memref<!tpu.dma_semaphore, #tpu.memory_space<semaphore_mem>>) src(%dma_wait3A_124 : memref<10000x128xf32, #tpu.memory_space<hbm>>) dst(%dma_wait3A_118 : memref<100x128xf32, #tpu.memory_space<vmem>>)
    %barrier3A_125 = arith.constant 0 : index
    tpu.barrier barrier_id(%barrier3A_125)
    %mul3A_126 = arith.constant 624 : i32
    %mul3A_127 = arith.muli %arg1, %mul3A_126 : i32
    %mul3A_128 = arith.constant 624 : i32
    %mul3A_129 = arith.muli %arg1, %mul3A_128 : i32
    "tpu.region"() ({
      %run_scoped3A_135 = tpu.sem_alloc : memref<!tpu.dma_semaphore, #tpu.memory_space<semaphore_mem>>
      %dma_start3A_136 = arith.constant 0 : i32
      %dma_start3A_137 = arith.constant 0 : i32
      %dma_start3A_138 = tpu.memref_slice %arg5[%arg0, %dma_start3A_136, %dma_start3A_137] : memref<2x10000x128xf32, #tpu.memory_space<hbm>> -> memref<1x10000x128xf32, #tpu.memory_space<hbm>>
      %dma_start3A_139 = tpu.memref_squeeze %dma_start3A_138 : memref<1x10000x128xf32, #tpu.memory_space<hbm>> -> memref<10000x128xf32, #tpu.memory_space<hbm>>
      %dma_start3A_140 = arith.constant 0 : i32
      %dma_start3A_141 = tpu.memref_slice %dma_start3A_139[%mul3A_129, %dma_start3A_140] : memref<10000x128xf32, #tpu.memory_space<hbm>> -> memref<624x128xf32, #tpu.memory_space<hbm>>
      %dma_start3A_142 = arith.constant 0 : i32
      %dma_start3A_143 = tpu.memref_slice %arg6[%mul3A_127, %dma_start3A_142] : memref<10000x128xf32, #tpu.memory_space<vmem_shared>> -> memref<624x128xf32, #tpu.memory_space<vmem_shared>>
      tpu.enqueue_dma source(%dma_start3A_143 : memref<624x128xf32, #tpu.memory_space<vmem_shared>>) target(%dma_start3A_141 : memref<624x128xf32, #tpu.memory_space<hbm>>) target_semaphore(%run_scoped3A_135 : memref<!tpu.dma_semaphore, #tpu.memory_space<semaphore_mem>>)
      %dma_wait3A_144 = arith.constant 0 : i32
      %dma_wait3A_145 = arith.constant 0 : i32
      %dma_wait3A_146 = tpu.memref_slice %arg5[%arg0, %dma_wait3A_144, %dma_wait3A_145] : memref<2x10000x128xf32, #tpu.memory_space<hbm>> -> memref<1x10000x128xf32, #tpu.memory_space<hbm>>
      %dma_wait3A_147 = tpu.memref_squeeze %dma_wait3A_146 : memref<1x10000x128xf32, #tpu.memory_space<hbm>> -> memref<10000x128xf32, #tpu.memory_space<hbm>>
      %dma_wait3A_148 = arith.constant 0 : i32
      %dma_wait3A_149 = tpu.memref_slice %dma_wait3A_147[%mul3A_129, %dma_wait3A_148] : memref<10000x128xf32, #tpu.memory_space<hbm>> -> memref<624x128xf32, #tpu.memory_space<hbm>>
      %dma_wait3A_150 = arith.constant 0 : i32
      %dma_wait3A_151 = tpu.memref_slice %arg6[%mul3A_127, %dma_wait3A_150] : memref<10000x128xf32, #tpu.memory_space<vmem_shared>> -> memref<624x128xf32, #tpu.memory_space<vmem_shared>>
      tpu.wait_dma2 semaphore(%run_scoped3A_135 : memref<!tpu.dma_semaphore, #tpu.memory_space<semaphore_mem>>) src(%dma_wait3A_151 : memref<624x128xf32, #tpu.memory_space<vmem_shared>>) dst(%dma_wait3A_149 : memref<624x128xf32, #tpu.memory_space<hbm>>)
      tpu.yield
    }) : () -> ()
    %eq3A_130 = arith.constant 15 : i32
    %eq3A_131 = arith.cmpi eq, %arg1, %eq3A_130 : i32
    %convert_element_type3A_132 = arith.extui %eq3A_131 : i1 to i32
    %cond3A_133 = arith.constant 0 : i32
    %cond3A_134 = arith.cmpi ne, %convert_element_type3A_132, %cond3A_133 : i32
    scf.if %cond3A_134 {
      "tpu.region"() ({
        %run_scoped3A_135 = tpu.sem_alloc : memref<!tpu.dma_semaphore, #tpu.memory_space<semaphore_mem>>
        %dma_start3A_136 = arith.constant 0 : i32
        %dma_start3A_137 = arith.constant 0 : i32
        %dma_start3A_138 = tpu.memref_slice %arg5[%arg0, %dma_start3A_136, %dma_start3A_137] : memref<2x10000x128xf32, #tpu.memory_space<hbm>> -> memref<1x10000x128xf32, #tpu.memory_space<hbm>>
        %dma_start3A_139 = tpu.memref_squeeze %dma_start3A_138 : memref<1x10000x128xf32, #tpu.memory_space<hbm>> -> memref<10000x128xf32, #tpu.memory_space<hbm>>
        %dma_start3A_140 = arith.constant 9984 : i32
        %dma_start3A_141 = arith.constant 0 : i32
        %dma_start3A_142 = tpu.memref_slice %dma_start3A_139[%dma_start3A_140, %dma_start3A_141] : memref<10000x128xf32, #tpu.memory_space<hbm>> -> memref<16x128xf32, #tpu.memory_space<hbm>>
        %dma_start3A_143 = arith.constant 9984 : i32
        %dma_start3A_144 = arith.constant 0 : i32
        %dma_start3A_145 = tpu.memref_slice %arg6[%dma_start3A_143, %dma_start3A_144] : memref<10000x128xf32, #tpu.memory_space<vmem_shared>> -> memref<16x128xf32, #tpu.memory_space<vmem_shared>>
        tpu.enqueue_dma source(%dma_start3A_145 : memref<16x128xf32, #tpu.memory_space<vmem_shared>>) target(%dma_start3A_142 : memref<16x128xf32, #tpu.memory_space<hbm>>) target_semaphore(%run_scoped3A_135 : memref<!tpu.dma_semaphore, #tpu.memory_space<semaphore_mem>>)
        %dma_wait3A_146 = arith.constant 0 : i32
        %dma_wait3A_147 = arith.constant 0 : i32
        %dma_wait3A_148 = tpu.memref_slice %arg5[%arg0, %dma_wait3A_146, %dma_wait3A_147] : memref<2x10000x128xf32, #tpu.memory_space<hbm>> -> memref<1x10000x128xf32, #tpu.memory_space<hbm>>
        %dma_wait3A_149 = tpu.memref_squeeze %dma_wait3A_148 : memref<1x10000x128xf32, #tpu.memory_space<hbm>> -> memref<10000x128xf32, #tpu.memory_space<hbm>>
        %dma_wait3A_150 = arith.constant 9984 : i32
        %dma_wait3A_151 = arith.constant 0 : i32
        %dma_wait3A_152 = tpu.memref_slice %dma_wait3A_149[%dma_wait3A_150, %dma_wait3A_151] : memref<10000x128xf32, #tpu.memory_space<hbm>> -> memref<16x128xf32, #tpu.memory_space<hbm>>
        %dma_wait3A_153 = arith.constant 9984 : i32
        %dma_wait3A_154 = arith.constant 0 : i32
        %dma_wait3A_155 = tpu.memref_slice %arg6[%dma_wait3A_153, %dma_wait3A_154] : memref<10000x128xf32, #tpu.memory_space<vmem_shared>> -> memref<16x128xf32, #tpu.memory_space<vmem_shared>>
        tpu.wait_dma2 semaphore(%run_scoped3A_135 : memref<!tpu.dma_semaphore, #tpu.memory_space<semaphore_mem>>) src(%dma_wait3A_155 : memref<16x128xf32, #tpu.memory_space<vmem_shared>>) dst(%dma_wait3A_152 : memref<16x128xf32, #tpu.memory_space<hbm>>)
        tpu.yield
      }) : () -> ()
    } else {
    }
    return
  }
}

#map = affine_map<(d0, d1) -> (0, 0)>
#map1 = affine_map<(d0, d1) -> (0, 0, 0, 0)>
#map2 = affine_map<(d0, d1) -> (0, 0, 0)>
module attributes {stable_mosaic.version = 14 : i64} {
  func.func @_agg_kernel(%arg0: i32, %arg1: i32, %arg2: memref<10000x128xf32, #tpu.memory_space<hbm>>, %arg3: memref<32x10x10x100xi32, #tpu.memory_space<hbm>>, %arg4: memref<32x10x10x100xi32, #tpu.memory_space<hbm>>, %arg5: memref<2x10000x128xf32, #tpu.memory_space<hbm>>, %arg6: memref<10000x128xf32, #tpu.memory_space<vmem_shared>>, %arg7: memref<2x10x100xi32, #tpu.memory_space<vmem>>, %arg8: memref<2x10x100xi32, #tpu.memory_space<vmem>>, %arg9: memref<3x100x128xf32, #tpu.memory_space<vmem>>, %arg10: memref<!tpu.dma_semaphore, #tpu.memory_space<semaphore_mem>>, %arg11: memref<!tpu.dma_semaphore, #tpu.memory_space<semaphore_mem>>, %arg12: memref<!tpu.dma_semaphore, #tpu.memory_space<semaphore_mem>>, %arg13: memref<!tpu.dma_semaphore, #tpu.memory_space<semaphore_mem>>) attributes {dimension_semantics = [#tpu.dimension_semantics<core_parallel>, #tpu.dimension_semantics<subcore_parallel>], iteration_bounds = array<i64: 2, 16>, scalar_prefetch = 0 : i64, scratch_operands = 8 : i64, tpu.core_type = #tpu.core_type<sc_vector_subcore>, window_params = [{transform_indices = #map}, {transform_indices = #map1}, {transform_indices = #map1}, {transform_indices = #map2}]} {
    %mul3A = arith.constant 16 : i32
    %mul3A_0 = arith.muli %arg0, %mul3A : i32
    %add3A = arith.addi %mul3A_0, %arg1 : i32
    %mul3A_1 = arith.constant 624 : i32
    %mul3A_2 = arith.muli %arg1, %mul3A_1 : i32
    %mul3A_3 = arith.constant 624 : i32
    %mul3A_4 = arith.muli %arg1, %mul3A_3 : i32
    %dma_start3A = arith.constant 0 : i32
    %dma_start3A_5 = tpu.memref_slice %arg6[%mul3A_4, %dma_start3A] : memref<10000x128xf32, #tpu.memory_space<vmem_shared>> -> memref<624x128xf32, #tpu.memory_space<vmem_shared>>
    %dma_start3A_6 = arith.constant 0 : i32
    %dma_start3A_7 = tpu.memref_slice %arg2[%mul3A_2, %dma_start3A_6] : memref<10000x128xf32, #tpu.memory_space<hbm>> -> memref<624x128xf32, #tpu.memory_space<hbm>>
    tpu.enqueue_dma source(%dma_start3A_7 : memref<624x128xf32, #tpu.memory_space<hbm>>) target(%dma_start3A_5 : memref<624x128xf32, #tpu.memory_space<vmem_shared>>) target_semaphore(%arg13 : memref<!tpu.dma_semaphore, #tpu.memory_space<semaphore_mem>>)
    %eq3A = arith.constant 15 : i32
    %eq3A_8 = arith.cmpi eq, %arg1, %eq3A : i32
    %convert_element_type3A = arith.extui %eq3A_8 : i1 to i32
    %cond3A = arith.constant 0 : i32
    %cond3A_9 = arith.cmpi ne, %convert_element_type3A, %cond3A : i32
    scf.if %cond3A_9 {
      %dma_start3A_135 = arith.constant 9984 : i32
      %dma_start3A_136 = arith.constant 0 : i32
      %dma_start3A_137 = tpu.memref_slice %arg6[%dma_start3A_135, %dma_start3A_136] : memref<10000x128xf32, #tpu.memory_space<vmem_shared>> -> memref<16x128xf32, #tpu.memory_space<vmem_shared>>
      %dma_start3A_138 = arith.constant 9984 : i32
      %dma_start3A_139 = arith.constant 0 : i32
      %dma_start3A_140 = tpu.memref_slice %arg2[%dma_start3A_138, %dma_start3A_139] : memref<10000x128xf32, #tpu.memory_space<hbm>> -> memref<16x128xf32, #tpu.memory_space<hbm>>
      tpu.enqueue_dma source(%dma_start3A_140 : memref<16x128xf32, #tpu.memory_space<hbm>>) target(%dma_start3A_137 : memref<16x128xf32, #tpu.memory_space<vmem_shared>>) target_semaphore(%arg13 : memref<!tpu.dma_semaphore, #tpu.memory_space<semaphore_mem>>)
    } else {
    }
    %run_scoped3A = arith.constant 0 : i32
    %run_scoped3A_10 = arith.constant 0 : i32
    "tpu.region"() ({
      %run_scoped3A_135 = tpu.sem_alloc : memref<!tpu.dma_semaphore, #tpu.memory_space<semaphore_mem>>
      %dma_start3A_136 = arith.constant 0 : i32
      %dma_start3A_137 = arith.constant 0 : i32
      %dma_start3A_138 = tpu.memref_slice %arg7[%run_scoped3A_10, %dma_start3A_136, %dma_start3A_137] : memref<2x10x100xi32, #tpu.memory_space<vmem>> -> memref<1x10x100xi32, #tpu.memory_space<vmem>>
      %dma_start3A_139 = tpu.memref_squeeze %dma_start3A_138 : memref<1x10x100xi32, #tpu.memory_space<vmem>> -> memref<10x100xi32, #tpu.memory_space<vmem>>
      %dma_start3A_140 = arith.constant 0 : i32
      %dma_start3A_141 = arith.constant 0 : i32
      %dma_start3A_142 = arith.constant 0 : i32
      %dma_start3A_143 = tpu.memref_slice %arg3[%add3A, %dma_start3A_140, %dma_start3A_141, %dma_start3A_142] : memref<32x10x10x100xi32, #tpu.memory_space<hbm>> -> memref<1x10x10x100xi32, #tpu.memory_space<hbm>>
      %dma_start3A_144 = tpu.memref_squeeze %dma_start3A_143 : memref<1x10x10x100xi32, #tpu.memory_space<hbm>> -> memref<10x10x100xi32, #tpu.memory_space<hbm>>
      %dma_start3A_145 = arith.constant 0 : i32
      %dma_start3A_146 = arith.constant 0 : i32
      %dma_start3A_147 = tpu.memref_slice %dma_start3A_144[%run_scoped3A, %dma_start3A_145, %dma_start3A_146] : memref<10x10x100xi32, #tpu.memory_space<hbm>> -> memref<1x10x100xi32, #tpu.memory_space<hbm>>
      %dma_start3A_148 = tpu.memref_squeeze %dma_start3A_147 : memref<1x10x100xi32, #tpu.memory_space<hbm>> -> memref<10x100xi32, #tpu.memory_space<hbm>>
      %dma_start3A_149 = arith.constant 0 : i32
      %dma_start3A_150 = arith.constant 0 : i32
      %dma_start3A_151 = tpu.memref_slice %arg7[%run_scoped3A_10, %dma_start3A_149, %dma_start3A_150] : memref<2x10x100xi32, #tpu.memory_space<vmem>> -> memref<1x10x100xi32, #tpu.memory_space<vmem>>
      %dma_start3A_152 = tpu.memref_squeeze %dma_start3A_151 : memref<1x10x100xi32, #tpu.memory_space<vmem>> -> memref<10x100xi32, #tpu.memory_space<vmem>>
      %dma_start3A_153 = arith.constant 0 : i32
      %dma_start3A_154 = arith.constant 0 : i32
      %dma_start3A_155 = arith.constant 0 : i32
      %dma_start3A_156 = tpu.memref_slice %arg3[%add3A, %dma_start3A_153, %dma_start3A_154, %dma_start3A_155] : memref<32x10x10x100xi32, #tpu.memory_space<hbm>> -> memref<1x10x10x100xi32, #tpu.memory_space<hbm>>
      %dma_start3A_157 = tpu.memref_squeeze %dma_start3A_156 : memref<1x10x10x100xi32, #tpu.memory_space<hbm>> -> memref<10x10x100xi32, #tpu.memory_space<hbm>>
      %dma_start3A_158 = arith.constant 0 : i32
      %dma_start3A_159 = arith.constant 0 : i32
      %dma_start3A_160 = tpu.memref_slice %dma_start3A_157[%run_scoped3A, %dma_start3A_158, %dma_start3A_159] : memref<10x10x100xi32, #tpu.memory_space<hbm>> -> memref<1x10x100xi32, #tpu.memory_space<hbm>>
      %dma_start3A_161 = tpu.memref_squeeze %dma_start3A_160 : memref<1x10x100xi32, #tpu.memory_space<hbm>> -> memref<10x100xi32, #tpu.memory_space<hbm>>
      tpu.enqueue_dma source(%dma_start3A_161 : memref<10x100xi32, #tpu.memory_space<hbm>>) target(%dma_start3A_152 : memref<10x100xi32, #tpu.memory_space<vmem>>) target_semaphore(%run_scoped3A_135 : memref<!tpu.dma_semaphore, #tpu.memory_space<semaphore_mem>>)
      %dma_wait3A_162 = arith.constant 0 : i32
      %dma_wait3A_163 = arith.constant 0 : i32
      %dma_wait3A_164 = tpu.memref_slice %arg7[%run_scoped3A_10, %dma_wait3A_162, %dma_wait3A_163] : memref<2x10x100xi32, #tpu.memory_space<vmem>> -> memref<1x10x100xi32, #tpu.memory_space<vmem>>
      %dma_wait3A_165 = tpu.memref_squeeze %dma_wait3A_164 : memref<1x10x100xi32, #tpu.memory_space<vmem>> -> memref<10x100xi32, #tpu.memory_space<vmem>>
      %dma_wait3A_166 = arith.constant 0 : i32
      %dma_wait3A_167 = arith.constant 0 : i32
      %dma_wait3A_168 = arith.constant 0 : i32
      %dma_wait3A_169 = tpu.memref_slice %arg3[%add3A, %dma_wait3A_166, %dma_wait3A_167, %dma_wait3A_168] : memref<32x10x10x100xi32, #tpu.memory_space<hbm>> -> memref<1x10x10x100xi32, #tpu.memory_space<hbm>>
      %dma_wait3A_170 = tpu.memref_squeeze %dma_wait3A_169 : memref<1x10x10x100xi32, #tpu.memory_space<hbm>> -> memref<10x10x100xi32, #tpu.memory_space<hbm>>
      %dma_wait3A_171 = arith.constant 0 : i32
      %dma_wait3A_172 = arith.constant 0 : i32
      %dma_wait3A_173 = tpu.memref_slice %dma_wait3A_170[%run_scoped3A, %dma_wait3A_171, %dma_wait3A_172] : memref<10x10x100xi32, #tpu.memory_space<hbm>> -> memref<1x10x100xi32, #tpu.memory_space<hbm>>
      %dma_wait3A_174 = tpu.memref_squeeze %dma_wait3A_173 : memref<1x10x100xi32, #tpu.memory_space<hbm>> -> memref<10x100xi32, #tpu.memory_space<hbm>>
      %dma_wait3A_175 = arith.constant 0 : i32
      %dma_wait3A_176 = arith.constant 0 : i32
      %dma_wait3A_177 = tpu.memref_slice %arg7[%run_scoped3A_10, %dma_wait3A_175, %dma_wait3A_176] : memref<2x10x100xi32, #tpu.memory_space<vmem>> -> memref<1x10x100xi32, #tpu.memory_space<vmem>>
      %dma_wait3A_178 = tpu.memref_squeeze %dma_wait3A_177 : memref<1x10x100xi32, #tpu.memory_space<vmem>> -> memref<10x100xi32, #tpu.memory_space<vmem>>
      %dma_wait3A_179 = arith.constant 0 : i32
      %dma_wait3A_180 = arith.constant 0 : i32
      %dma_wait3A_181 = arith.constant 0 : i32
      %dma_wait3A_182 = tpu.memref_slice %arg3[%add3A, %dma_wait3A_179, %dma_wait3A_180, %dma_wait3A_181] : memref<32x10x10x100xi32, #tpu.memory_space<hbm>> -> memref<1x10x10x100xi32, #tpu.memory_space<hbm>>
      %dma_wait3A_183 = tpu.memref_squeeze %dma_wait3A_182 : memref<1x10x10x100xi32, #tpu.memory_space<hbm>> -> memref<10x10x100xi32, #tpu.memory_space<hbm>>
      %dma_wait3A_184 = arith.constant 0 : i32
      %dma_wait3A_185 = arith.constant 0 : i32
      %dma_wait3A_186 = tpu.memref_slice %dma_wait3A_183[%run_scoped3A, %dma_wait3A_184, %dma_wait3A_185] : memref<10x10x100xi32, #tpu.memory_space<hbm>> -> memref<1x10x100xi32, #tpu.memory_space<hbm>>
      %dma_wait3A_187 = tpu.memref_squeeze %dma_wait3A_186 : memref<1x10x100xi32, #tpu.memory_space<hbm>> -> memref<10x100xi32, #tpu.memory_space<hbm>>
      tpu.wait_dma2 semaphore(%run_scoped3A_135 : memref<!tpu.dma_semaphore, #tpu.memory_space<semaphore_mem>>) src(%dma_wait3A_187 : memref<10x100xi32, #tpu.memory_space<hbm>>) dst(%dma_wait3A_178 : memref<10x100xi32, #tpu.memory_space<vmem>>)
      tpu.yield
    }) : () -> ()
    %run_scoped3A_11 = arith.constant 0 : i32
    %run_scoped3A_12 = arith.constant 0 : i32
    "tpu.region"() ({
      %run_scoped3A_135 = tpu.sem_alloc : memref<!tpu.dma_semaphore, #tpu.memory_space<semaphore_mem>>
      %dma_start3A_136 = arith.constant 0 : i32
      %dma_start3A_137 = arith.constant 0 : i32
      %dma_start3A_138 = tpu.memref_slice %arg8[%run_scoped3A_12, %dma_start3A_136, %dma_start3A_137] : memref<2x10x100xi32, #tpu.memory_space<vmem>> -> memref<1x10x100xi32, #tpu.memory_space<vmem>>
      %dma_start3A_139 = tpu.memref_squeeze %dma_start3A_138 : memref<1x10x100xi32, #tpu.memory_space<vmem>> -> memref<10x100xi32, #tpu.memory_space<vmem>>
      %dma_start3A_140 = arith.constant 0 : i32
      %dma_start3A_141 = arith.constant 0 : i32
      %dma_start3A_142 = arith.constant 0 : i32
      %dma_start3A_143 = tpu.memref_slice %arg4[%add3A, %dma_start3A_140, %dma_start3A_141, %dma_start3A_142] : memref<32x10x10x100xi32, #tpu.memory_space<hbm>> -> memref<1x10x10x100xi32, #tpu.memory_space<hbm>>
      %dma_start3A_144 = tpu.memref_squeeze %dma_start3A_143 : memref<1x10x10x100xi32, #tpu.memory_space<hbm>> -> memref<10x10x100xi32, #tpu.memory_space<hbm>>
      %dma_start3A_145 = arith.constant 0 : i32
      %dma_start3A_146 = arith.constant 0 : i32
      %dma_start3A_147 = tpu.memref_slice %dma_start3A_144[%run_scoped3A_11, %dma_start3A_145, %dma_start3A_146] : memref<10x10x100xi32, #tpu.memory_space<hbm>> -> memref<1x10x100xi32, #tpu.memory_space<hbm>>
      %dma_start3A_148 = tpu.memref_squeeze %dma_start3A_147 : memref<1x10x100xi32, #tpu.memory_space<hbm>> -> memref<10x100xi32, #tpu.memory_space<hbm>>
      %dma_start3A_149 = arith.constant 0 : i32
      %dma_start3A_150 = arith.constant 0 : i32
      %dma_start3A_151 = tpu.memref_slice %arg8[%run_scoped3A_12, %dma_start3A_149, %dma_start3A_150] : memref<2x10x100xi32, #tpu.memory_space<vmem>> -> memref<1x10x100xi32, #tpu.memory_space<vmem>>
      %dma_start3A_152 = tpu.memref_squeeze %dma_start3A_151 : memref<1x10x100xi32, #tpu.memory_space<vmem>> -> memref<10x100xi32, #tpu.memory_space<vmem>>
      %dma_start3A_153 = arith.constant 0 : i32
      %dma_start3A_154 = arith.constant 0 : i32
      %dma_start3A_155 = arith.constant 0 : i32
      %dma_start3A_156 = tpu.memref_slice %arg4[%add3A, %dma_start3A_153, %dma_start3A_154, %dma_start3A_155] : memref<32x10x10x100xi32, #tpu.memory_space<hbm>> -> memref<1x10x10x100xi32, #tpu.memory_space<hbm>>
      %dma_start3A_157 = tpu.memref_squeeze %dma_start3A_156 : memref<1x10x10x100xi32, #tpu.memory_space<hbm>> -> memref<10x10x100xi32, #tpu.memory_space<hbm>>
      %dma_start3A_158 = arith.constant 0 : i32
      %dma_start3A_159 = arith.constant 0 : i32
      %dma_start3A_160 = tpu.memref_slice %dma_start3A_157[%run_scoped3A_11, %dma_start3A_158, %dma_start3A_159] : memref<10x10x100xi32, #tpu.memory_space<hbm>> -> memref<1x10x100xi32, #tpu.memory_space<hbm>>
      %dma_start3A_161 = tpu.memref_squeeze %dma_start3A_160 : memref<1x10x100xi32, #tpu.memory_space<hbm>> -> memref<10x100xi32, #tpu.memory_space<hbm>>
      tpu.enqueue_dma source(%dma_start3A_161 : memref<10x100xi32, #tpu.memory_space<hbm>>) target(%dma_start3A_152 : memref<10x100xi32, #tpu.memory_space<vmem>>) target_semaphore(%run_scoped3A_135 : memref<!tpu.dma_semaphore, #tpu.memory_space<semaphore_mem>>)
      %dma_wait3A_162 = arith.constant 0 : i32
      %dma_wait3A_163 = arith.constant 0 : i32
      %dma_wait3A_164 = tpu.memref_slice %arg8[%run_scoped3A_12, %dma_wait3A_162, %dma_wait3A_163] : memref<2x10x100xi32, #tpu.memory_space<vmem>> -> memref<1x10x100xi32, #tpu.memory_space<vmem>>
      %dma_wait3A_165 = tpu.memref_squeeze %dma_wait3A_164 : memref<1x10x100xi32, #tpu.memory_space<vmem>> -> memref<10x100xi32, #tpu.memory_space<vmem>>
      %dma_wait3A_166 = arith.constant 0 : i32
      %dma_wait3A_167 = arith.constant 0 : i32
      %dma_wait3A_168 = arith.constant 0 : i32
      %dma_wait3A_169 = tpu.memref_slice %arg4[%add3A, %dma_wait3A_166, %dma_wait3A_167, %dma_wait3A_168] : memref<32x10x10x100xi32, #tpu.memory_space<hbm>> -> memref<1x10x10x100xi32, #tpu.memory_space<hbm>>
      %dma_wait3A_170 = tpu.memref_squeeze %dma_wait3A_169 : memref<1x10x10x100xi32, #tpu.memory_space<hbm>> -> memref<10x10x100xi32, #tpu.memory_space<hbm>>
      %dma_wait3A_171 = arith.constant 0 : i32
      %dma_wait3A_172 = arith.constant 0 : i32
      %dma_wait3A_173 = tpu.memref_slice %dma_wait3A_170[%run_scoped3A_11, %dma_wait3A_171, %dma_wait3A_172] : memref<10x10x100xi32, #tpu.memory_space<hbm>> -> memref<1x10x100xi32, #tpu.memory_space<hbm>>
      %dma_wait3A_174 = tpu.memref_squeeze %dma_wait3A_173 : memref<1x10x100xi32, #tpu.memory_space<hbm>> -> memref<10x100xi32, #tpu.memory_space<hbm>>
      %dma_wait3A_175 = arith.constant 0 : i32
      %dma_wait3A_176 = arith.constant 0 : i32
      %dma_wait3A_177 = tpu.memref_slice %arg8[%run_scoped3A_12, %dma_wait3A_175, %dma_wait3A_176] : memref<2x10x100xi32, #tpu.memory_space<vmem>> -> memref<1x10x100xi32, #tpu.memory_space<vmem>>
      %dma_wait3A_178 = tpu.memref_squeeze %dma_wait3A_177 : memref<1x10x100xi32, #tpu.memory_space<vmem>> -> memref<10x100xi32, #tpu.memory_space<vmem>>
      %dma_wait3A_179 = arith.constant 0 : i32
      %dma_wait3A_180 = arith.constant 0 : i32
      %dma_wait3A_181 = arith.constant 0 : i32
      %dma_wait3A_182 = tpu.memref_slice %arg4[%add3A, %dma_wait3A_179, %dma_wait3A_180, %dma_wait3A_181] : memref<32x10x10x100xi32, #tpu.memory_space<hbm>> -> memref<1x10x10x100xi32, #tpu.memory_space<hbm>>
      %dma_wait3A_183 = tpu.memref_squeeze %dma_wait3A_182 : memref<1x10x10x100xi32, #tpu.memory_space<hbm>> -> memref<10x10x100xi32, #tpu.memory_space<hbm>>
      %dma_wait3A_184 = arith.constant 0 : i32
      %dma_wait3A_185 = arith.constant 0 : i32
      %dma_wait3A_186 = tpu.memref_slice %dma_wait3A_183[%run_scoped3A_11, %dma_wait3A_184, %dma_wait3A_185] : memref<10x10x100xi32, #tpu.memory_space<hbm>> -> memref<1x10x100xi32, #tpu.memory_space<hbm>>
      %dma_wait3A_187 = tpu.memref_squeeze %dma_wait3A_186 : memref<1x10x100xi32, #tpu.memory_space<hbm>> -> memref<10x100xi32, #tpu.memory_space<hbm>>
      tpu.wait_dma2 semaphore(%run_scoped3A_135 : memref<!tpu.dma_semaphore, #tpu.memory_space<semaphore_mem>>) src(%dma_wait3A_187 : memref<10x100xi32, #tpu.memory_space<hbm>>) dst(%dma_wait3A_178 : memref<10x100xi32, #tpu.memory_space<vmem>>)
      tpu.yield
    }) : () -> ()
    %dma_start3A_13 = arith.constant 1 : i32
    %dma_start3A_14 = arith.constant 1 : i32
    %dma_start3A_15 = arith.constant 0 : i32
    %dma_start3A_16 = arith.constant 0 : i32
    %dma_start3A_17 = tpu.memref_slice %arg7[%dma_start3A_14, %dma_start3A_15, %dma_start3A_16] : memref<2x10x100xi32, #tpu.memory_space<vmem>> -> memref<1x10x100xi32, #tpu.memory_space<vmem>>
    %dma_start3A_18 = tpu.memref_squeeze %dma_start3A_17 : memref<1x10x100xi32, #tpu.memory_space<vmem>> -> memref<10x100xi32, #tpu.memory_space<vmem>>
    %dma_start3A_19 = arith.constant 0 : i32
    %dma_start3A_20 = arith.constant 0 : i32
    %dma_start3A_21 = arith.constant 0 : i32
    %dma_start3A_22 = tpu.memref_slice %arg3[%add3A, %dma_start3A_19, %dma_start3A_20, %dma_start3A_21] : memref<32x10x10x100xi32, #tpu.memory_space<hbm>> -> memref<1x10x10x100xi32, #tpu.memory_space<hbm>>
    %dma_start3A_23 = tpu.memref_squeeze %dma_start3A_22 : memref<1x10x10x100xi32, #tpu.memory_space<hbm>> -> memref<10x10x100xi32, #tpu.memory_space<hbm>>
    %dma_start3A_24 = arith.constant 0 : i32
    %dma_start3A_25 = arith.constant 0 : i32
    %dma_start3A_26 = tpu.memref_slice %dma_start3A_23[%dma_start3A_13, %dma_start3A_24, %dma_start3A_25] : memref<10x10x100xi32, #tpu.memory_space<hbm>> -> memref<1x10x100xi32, #tpu.memory_space<hbm>>
    %dma_start3A_27 = tpu.memref_squeeze %dma_start3A_26 : memref<1x10x100xi32, #tpu.memory_space<hbm>> -> memref<10x100xi32, #tpu.memory_space<hbm>>
    %dma_start3A_28 = arith.constant 0 : i32
    %dma_start3A_29 = arith.constant 0 : i32
    %dma_start3A_30 = tpu.memref_slice %arg7[%dma_start3A_14, %dma_start3A_28, %dma_start3A_29] : memref<2x10x100xi32, #tpu.memory_space<vmem>> -> memref<1x10x100xi32, #tpu.memory_space<vmem>>
    %dma_start3A_31 = tpu.memref_squeeze %dma_start3A_30 : memref<1x10x100xi32, #tpu.memory_space<vmem>> -> memref<10x100xi32, #tpu.memory_space<vmem>>
    %dma_start3A_32 = arith.constant 0 : i32
    %dma_start3A_33 = arith.constant 0 : i32
    %dma_start3A_34 = arith.constant 0 : i32
    %dma_start3A_35 = tpu.memref_slice %arg3[%add3A, %dma_start3A_32, %dma_start3A_33, %dma_start3A_34] : memref<32x10x10x100xi32, #tpu.memory_space<hbm>> -> memref<1x10x10x100xi32, #tpu.memory_space<hbm>>
    %dma_start3A_36 = tpu.memref_squeeze %dma_start3A_35 : memref<1x10x10x100xi32, #tpu.memory_space<hbm>> -> memref<10x10x100xi32, #tpu.memory_space<hbm>>
    %dma_start3A_37 = arith.constant 0 : i32
    %dma_start3A_38 = arith.constant 0 : i32
    %dma_start3A_39 = tpu.memref_slice %dma_start3A_36[%dma_start3A_13, %dma_start3A_37, %dma_start3A_38] : memref<10x10x100xi32, #tpu.memory_space<hbm>> -> memref<1x10x100xi32, #tpu.memory_space<hbm>>
    %dma_start3A_40 = tpu.memref_squeeze %dma_start3A_39 : memref<1x10x100xi32, #tpu.memory_space<hbm>> -> memref<10x100xi32, #tpu.memory_space<hbm>>
    tpu.enqueue_dma source(%dma_start3A_40 : memref<10x100xi32, #tpu.memory_space<hbm>>) target(%dma_start3A_31 : memref<10x100xi32, #tpu.memory_space<vmem>>) target_semaphore(%arg12 : memref<!tpu.dma_semaphore, #tpu.memory_space<semaphore_mem>>)
    %dma_start3A_41 = arith.constant 1 : i32
    %dma_start3A_42 = arith.constant 1 : i32
    %dma_start3A_43 = arith.constant 0 : i32
    %dma_start3A_44 = arith.constant 0 : i32
    %dma_start3A_45 = tpu.memref_slice %arg8[%dma_start3A_42, %dma_start3A_43, %dma_start3A_44] : memref<2x10x100xi32, #tpu.memory_space<vmem>> -> memref<1x10x100xi32, #tpu.memory_space<vmem>>
    %dma_start3A_46 = tpu.memref_squeeze %dma_start3A_45 : memref<1x10x100xi32, #tpu.memory_space<vmem>> -> memref<10x100xi32, #tpu.memory_space<vmem>>
    %dma_start3A_47 = arith.constant 0 : i32
    %dma_start3A_48 = arith.constant 0 : i32
    %dma_start3A_49 = arith.constant 0 : i32
    %dma_start3A_50 = tpu.memref_slice %arg4[%add3A, %dma_start3A_47, %dma_start3A_48, %dma_start3A_49] : memref<32x10x10x100xi32, #tpu.memory_space<hbm>> -> memref<1x10x10x100xi32, #tpu.memory_space<hbm>>
    %dma_start3A_51 = tpu.memref_squeeze %dma_start3A_50 : memref<1x10x10x100xi32, #tpu.memory_space<hbm>> -> memref<10x10x100xi32, #tpu.memory_space<hbm>>
    %dma_start3A_52 = arith.constant 0 : i32
    %dma_start3A_53 = arith.constant 0 : i32
    %dma_start3A_54 = tpu.memref_slice %dma_start3A_51[%dma_start3A_41, %dma_start3A_52, %dma_start3A_53] : memref<10x10x100xi32, #tpu.memory_space<hbm>> -> memref<1x10x100xi32, #tpu.memory_space<hbm>>
    %dma_start3A_55 = tpu.memref_squeeze %dma_start3A_54 : memref<1x10x100xi32, #tpu.memory_space<hbm>> -> memref<10x100xi32, #tpu.memory_space<hbm>>
    %dma_start3A_56 = arith.constant 0 : i32
    %dma_start3A_57 = arith.constant 0 : i32
    %dma_start3A_58 = tpu.memref_slice %arg8[%dma_start3A_42, %dma_start3A_56, %dma_start3A_57] : memref<2x10x100xi32, #tpu.memory_space<vmem>> -> memref<1x10x100xi32, #tpu.memory_space<vmem>>
    %dma_start3A_59 = tpu.memref_squeeze %dma_start3A_58 : memref<1x10x100xi32, #tpu.memory_space<vmem>> -> memref<10x100xi32, #tpu.memory_space<vmem>>
    %dma_start3A_60 = arith.constant 0 : i32
    %dma_start3A_61 = arith.constant 0 : i32
    %dma_start3A_62 = arith.constant 0 : i32
    %dma_start3A_63 = tpu.memref_slice %arg4[%add3A, %dma_start3A_60, %dma_start3A_61, %dma_start3A_62] : memref<32x10x10x100xi32, #tpu.memory_space<hbm>> -> memref<1x10x10x100xi32, #tpu.memory_space<hbm>>
    %dma_start3A_64 = tpu.memref_squeeze %dma_start3A_63 : memref<1x10x10x100xi32, #tpu.memory_space<hbm>> -> memref<10x10x100xi32, #tpu.memory_space<hbm>>
    %dma_start3A_65 = arith.constant 0 : i32
    %dma_start3A_66 = arith.constant 0 : i32
    %dma_start3A_67 = tpu.memref_slice %dma_start3A_64[%dma_start3A_41, %dma_start3A_65, %dma_start3A_66] : memref<10x10x100xi32, #tpu.memory_space<hbm>> -> memref<1x10x100xi32, #tpu.memory_space<hbm>>
    %dma_start3A_68 = tpu.memref_squeeze %dma_start3A_67 : memref<1x10x100xi32, #tpu.memory_space<hbm>> -> memref<10x100xi32, #tpu.memory_space<hbm>>
    tpu.enqueue_dma source(%dma_start3A_68 : memref<10x100xi32, #tpu.memory_space<hbm>>) target(%dma_start3A_59 : memref<10x100xi32, #tpu.memory_space<vmem>>) target_semaphore(%arg12 : memref<!tpu.dma_semaphore, #tpu.memory_space<semaphore_mem>>)
    %dma_start3A_69 = arith.constant 0 : i32
    %dma_start3A_70 = arith.constant 0 : i32
    %dma_start3A_71 = arith.constant 0 : i32
    %dma_start3A_72 = arith.constant 0 : i32
    %dma_start3A_73 = arith.constant 0 : i32
    %dma_start3A_74 = tpu.memref_slice %arg9[%dma_start3A_71, %dma_start3A_72, %dma_start3A_73] : memref<3x100x128xf32, #tpu.memory_space<vmem>> -> memref<1x100x128xf32, #tpu.memory_space<vmem>>
    %dma_start3A_75 = tpu.memref_squeeze %dma_start3A_74 : memref<1x100x128xf32, #tpu.memory_space<vmem>> -> memref<100x128xf32, #tpu.memory_space<vmem>>
    %dma_start3A_76 = arith.constant 0 : i32
    %dma_start3A_77 = tpu.memref_slice %arg7[%dma_start3A_69, %dma_start3A_70, %dma_start3A_76] : memref<2x10x100xi32, #tpu.memory_space<vmem>> -> memref<1x1x100xi32, #tpu.memory_space<vmem>>
    %dma_start3A_78 = tpu.memref_squeeze %dma_start3A_77 : memref<1x1x100xi32, #tpu.memory_space<vmem>> -> memref<100xi32, #tpu.memory_space<vmem>>
    %dma_start3A_79 = arith.constant 0 : i32
    %dma_start3A_80 = arith.constant 0 : i32
    %dma_start3A_81 = tpu.memref_slice %arg2[%dma_start3A_79, %dma_start3A_80] : memref<10000x128xf32, #tpu.memory_space<hbm>> -> memref<10000x128xf32, #tpu.memory_space<hbm>>
    tpu.enqueue_indirect_dma source(%dma_start3A_81 : memref<10000x128xf32, #tpu.memory_space<hbm>>) target(%dma_start3A_75 : memref<100x128xf32, #tpu.memory_space<vmem>>) offsets(%dma_start3A_78 : memref<100xi32, #tpu.memory_space<vmem>>) semaphore(%arg10 : memref<!tpu.dma_semaphore, #tpu.memory_space<semaphore_mem>>)
    %dma_start3A_82 = arith.constant 0 : i32
    %dma_start3A_83 = arith.constant 1 : i32
    %dma_start3A_84 = arith.constant 1 : i32
    %dma_start3A_85 = arith.constant 0 : i32
    %dma_start3A_86 = arith.constant 0 : i32
    %dma_start3A_87 = tpu.memref_slice %arg9[%dma_start3A_84, %dma_start3A_85, %dma_start3A_86] : memref<3x100x128xf32, #tpu.memory_space<vmem>> -> memref<1x100x128xf32, #tpu.memory_space<vmem>>
    %dma_start3A_88 = tpu.memref_squeeze %dma_start3A_87 : memref<1x100x128xf32, #tpu.memory_space<vmem>> -> memref<100x128xf32, #tpu.memory_space<vmem>>
    %dma_start3A_89 = arith.constant 0 : i32
    %dma_start3A_90 = tpu.memref_slice %arg7[%dma_start3A_82, %dma_start3A_83, %dma_start3A_89] : memref<2x10x100xi32, #tpu.memory_space<vmem>> -> memref<1x1x100xi32, #tpu.memory_space<vmem>>
    %dma_start3A_91 = tpu.memref_squeeze %dma_start3A_90 : memref<1x1x100xi32, #tpu.memory_space<vmem>> -> memref<100xi32, #tpu.memory_space<vmem>>
    %dma_start3A_92 = arith.constant 0 : i32
    %dma_start3A_93 = arith.constant 0 : i32
    %dma_start3A_94 = tpu.memref_slice %arg2[%dma_start3A_92, %dma_start3A_93] : memref<10000x128xf32, #tpu.memory_space<hbm>> -> memref<10000x128xf32, #tpu.memory_space<hbm>>
    tpu.enqueue_indirect_dma source(%dma_start3A_94 : memref<10000x128xf32, #tpu.memory_space<hbm>>) target(%dma_start3A_88 : memref<100x128xf32, #tpu.memory_space<vmem>>) offsets(%dma_start3A_91 : memref<100xi32, #tpu.memory_space<vmem>>) semaphore(%arg10 : memref<!tpu.dma_semaphore, #tpu.memory_space<semaphore_mem>>)
    %mul3A_95 = arith.constant 624 : i32
    %mul3A_96 = arith.muli %arg1, %mul3A_95 : i32
    %mul3A_97 = arith.constant 624 : i32
    %mul3A_98 = arith.muli %arg1, %mul3A_97 : i32
    %dma_wait3A = arith.constant 0 : i32
    %dma_wait3A_99 = tpu.memref_slice %arg6[%mul3A_98, %dma_wait3A] : memref<10000x128xf32, #tpu.memory_space<vmem_shared>> -> memref<624x128xf32, #tpu.memory_space<vmem_shared>>
    %dma_wait3A_100 = arith.constant 0 : i32
    %dma_wait3A_101 = tpu.memref_slice %arg2[%mul3A_96, %dma_wait3A_100] : memref<10000x128xf32, #tpu.memory_space<hbm>> -> memref<624x128xf32, #tpu.memory_space<hbm>>
    tpu.wait_dma2 semaphore(%arg13 : memref<!tpu.dma_semaphore, #tpu.memory_space<semaphore_mem>>) src(%dma_wait3A_101 : memref<624x128xf32, #tpu.memory_space<hbm>>) dst(%dma_wait3A_99 : memref<624x128xf32, #tpu.memory_space<vmem_shared>>)
    %eq3A_102 = arith.constant 15 : i32
    %eq3A_103 = arith.cmpi eq, %arg1, %eq3A_102 : i32
    %convert_element_type3A_104 = arith.extui %eq3A_103 : i1 to i32
    %cond3A_105 = arith.constant 0 : i32
    %cond3A_106 = arith.cmpi ne, %convert_element_type3A_104, %cond3A_105 : i32
    scf.if %cond3A_106 {
      %dma_wait3A_135 = arith.constant 9984 : i32
      %dma_wait3A_136 = arith.constant 0 : i32
      %dma_wait3A_137 = tpu.memref_slice %arg6[%dma_wait3A_135, %dma_wait3A_136] : memref<10000x128xf32, #tpu.memory_space<vmem_shared>> -> memref<16x128xf32, #tpu.memory_space<vmem_shared>>
      %dma_wait3A_138 = arith.constant 9984 : i32
      %dma_wait3A_139 = arith.constant 0 : i32
      %dma_wait3A_140 = tpu.memref_slice %arg2[%dma_wait3A_138, %dma_wait3A_139] : memref<10000x128xf32, #tpu.memory_space<hbm>> -> memref<16x128xf32, #tpu.memory_space<hbm>>
      tpu.wait_dma2 semaphore(%arg13 : memref<!tpu.dma_semaphore, #tpu.memory_space<semaphore_mem>>) src(%dma_wait3A_140 : memref<16x128xf32, #tpu.memory_space<hbm>>) dst(%dma_wait3A_137 : memref<16x128xf32, #tpu.memory_space<vmem_shared>>)
    } else {
    }
    %barrier3A = arith.constant 0 : index
    tpu.barrier barrier_id(%barrier3A)
    %scan3A = arith.constant 0 : i32
    %scan3A_107 = arith.constant 0 : i32
    %scan3A_108 = arith.constant 100 : i32
    %scan3A_109 = arith.addi %scan3A_107, %scan3A_108 : i32
    %scan3A_110 = arith.constant 1 : i32
    scf.for %scan3A_135 = %scan3A_107 to %scan3A_109 step %scan3A_110  : i32 {
      %jit3A = arith.constant 10 : i32
      %div3A = arith.divsi %scan3A_135, %jit3A : i32
      %sign3A = arith.constant 0 : i32
      %sign3A_136 = arith.cmpi sgt, %scan3A_135, %sign3A : i32
      %sign3A_137 = arith.extui %sign3A_136 : i1 to i32
      %sign3A_138 = arith.constant 0 : i32
      %sign3A_139 = arith.cmpi slt, %scan3A_135, %sign3A_138 : i32
      %sign3A_140 = arith.extui %sign3A_139 : i1 to i32
      %sign3A_141 = arith.subi %sign3A_137, %sign3A_140 : i32
      %sign3A_142 = arith.constant 0 : i32
      %sign3A_143 = arith.cmpi sgt, %jit3A, %sign3A_142 : i32
      %sign3A_144 = arith.extui %sign3A_143 : i1 to i32
      %sign3A_145 = arith.constant 0 : i32
      %sign3A_146 = arith.cmpi slt, %jit3A, %sign3A_145 : i32
      %sign3A_147 = arith.extui %sign3A_146 : i1 to i32
      %sign3A_148 = arith.subi %sign3A_144, %sign3A_147 : i32
      %ne3A = arith.cmpi ne, %sign3A_141, %sign3A_148 : i32
      %rem3A = arith.remsi %scan3A_135, %jit3A : i32
      %ne3A_149 = arith.constant 0 : i32
      %ne3A_150 = arith.cmpi ne, %rem3A, %ne3A_149 : i32
      %and3A = arith.andi %ne3A, %ne3A_150 : i1
      %sub3A = arith.constant 1 : i32
      %sub3A_151 = arith.subi %div3A, %sub3A : i32
      %select_n3A = arith.select %and3A, %sub3A_151, %div3A : i32
      %rem3A_152 = arith.constant 10 : i32
      %rem3A_153 = arith.remsi %scan3A_135, %rem3A_152 : i32
      %rem3A_154 = arith.constant 2 : i32
      %rem3A_155 = arith.remsi %select_n3A, %rem3A_154 : i32
      %rem3A_156 = arith.constant 3 : i32
      %rem3A_157 = arith.remsi %scan3A_135, %rem3A_156 : i32
      %add3A_158 = arith.constant 2 : i32
      %add3A_159 = arith.addi %scan3A_135, %add3A_158 : i32
      %jit3A_160 = arith.constant 10 : i32
      %div3A_161 = arith.divsi %add3A_159, %jit3A_160 : i32
      %sign3A_162 = arith.constant 0 : i32
      %sign3A_163 = arith.cmpi sgt, %add3A_159, %sign3A_162 : i32
      %sign3A_164 = arith.extui %sign3A_163 : i1 to i32
      %sign3A_165 = arith.constant 0 : i32
      %sign3A_166 = arith.cmpi slt, %add3A_159, %sign3A_165 : i32
      %sign3A_167 = arith.extui %sign3A_166 : i1 to i32
      %sign3A_168 = arith.subi %sign3A_164, %sign3A_167 : i32
      %sign3A_169 = arith.constant 0 : i32
      %sign3A_170 = arith.cmpi sgt, %jit3A_160, %sign3A_169 : i32
      %sign3A_171 = arith.extui %sign3A_170 : i1 to i32
      %sign3A_172 = arith.constant 0 : i32
      %sign3A_173 = arith.cmpi slt, %jit3A_160, %sign3A_172 : i32
      %sign3A_174 = arith.extui %sign3A_173 : i1 to i32
      %sign3A_175 = arith.subi %sign3A_171, %sign3A_174 : i32
      %ne3A_176 = arith.cmpi ne, %sign3A_168, %sign3A_175 : i32
      %rem3A_177 = arith.remsi %add3A_159, %jit3A_160 : i32
      %ne3A_178 = arith.constant 0 : i32
      %ne3A_179 = arith.cmpi ne, %rem3A_177, %ne3A_178 : i32
      %and3A_180 = arith.andi %ne3A_176, %ne3A_179 : i1
      %sub3A_181 = arith.constant 1 : i32
      %sub3A_182 = arith.subi %div3A_161, %sub3A_181 : i32
      %select_n3A_183 = arith.select %and3A_180, %sub3A_182, %div3A_161 : i32
      %rem3A_184 = arith.constant 10 : i32
      %rem3A_185 = arith.remsi %add3A_159, %rem3A_184 : i32
      %rem3A_186 = arith.constant 2 : i32
      %rem3A_187 = arith.remsi %select_n3A_183, %rem3A_186 : i32
      %rem3A_188 = arith.constant 3 : i32
      %rem3A_189 = arith.remsi %add3A_159, %rem3A_188 : i32
      %dma_wait3A_190 = arith.constant 0 : i32
      %dma_wait3A_191 = arith.constant 0 : i32
      %dma_wait3A_192 = arith.constant 0 : i32
      %dma_wait3A_193 = arith.constant 0 : i32
      %dma_wait3A_194 = arith.constant 0 : i32
      %dma_wait3A_195 = tpu.memref_slice %arg9[%dma_wait3A_192, %dma_wait3A_193, %dma_wait3A_194] : memref<3x100x128xf32, #tpu.memory_space<vmem>> -> memref<1x100x128xf32, #tpu.memory_space<vmem>>
      %dma_wait3A_196 = tpu.memref_squeeze %dma_wait3A_195 : memref<1x100x128xf32, #tpu.memory_space<vmem>> -> memref<100x128xf32, #tpu.memory_space<vmem>>
      %dma_wait3A_197 = arith.constant 0 : i32
      %dma_wait3A_198 = tpu.memref_slice %arg7[%dma_wait3A_190, %dma_wait3A_191, %dma_wait3A_197] : memref<2x10x100xi32, #tpu.memory_space<vmem>> -> memref<1x1x100xi32, #tpu.memory_space<vmem>>
      %dma_wait3A_199 = tpu.memref_squeeze %dma_wait3A_198 : memref<1x1x100xi32, #tpu.memory_space<vmem>> -> memref<100xi32, #tpu.memory_space<vmem>>
      %dma_wait3A_200 = arith.constant 0 : i32
      %dma_wait3A_201 = arith.constant 0 : i32
      %dma_wait3A_202 = tpu.memref_slice %arg2[%dma_wait3A_200, %dma_wait3A_201] : memref<10000x128xf32, #tpu.memory_space<hbm>> -> memref<10000x128xf32, #tpu.memory_space<hbm>>
      tpu.wait_indirect_dma semaphore(%arg10 : memref<!tpu.dma_semaphore, #tpu.memory_space<semaphore_mem>>) src(%dma_wait3A_202 : memref<10000x128xf32, #tpu.memory_space<hbm>>) dst(%dma_wait3A_196 : memref<100x128xf32, #tpu.memory_space<vmem>>)
      %dma_start3A_203 = arith.constant 0 : i32
      %dma_start3A_204 = arith.constant 0 : i32
      %dma_start3A_205 = tpu.memref_slice %arg9[%rem3A_157, %dma_start3A_203, %dma_start3A_204] : memref<3x100x128xf32, #tpu.memory_space<vmem>> -> memref<1x100x128xf32, #tpu.memory_space<vmem>>
      %dma_start3A_206 = tpu.memref_squeeze %dma_start3A_205 : memref<1x100x128xf32, #tpu.memory_space<vmem>> -> memref<100x128xf32, #tpu.memory_space<vmem>>
      %dma_start3A_207 = arith.constant 0 : i32
      %dma_start3A_208 = tpu.memref_slice %arg8[%rem3A_155, %rem3A_153, %dma_start3A_207] : memref<2x10x100xi32, #tpu.memory_space<vmem>> -> memref<1x1x100xi32, #tpu.memory_space<vmem>>
      %dma_start3A_209 = tpu.memref_squeeze %dma_start3A_208 : memref<1x1x100xi32, #tpu.memory_space<vmem>> -> memref<100xi32, #tpu.memory_space<vmem>>
      %dma_start3A_210 = arith.constant 0 : i32
      %dma_start3A_211 = arith.constant 0 : i32
      %dma_start3A_212 = tpu.memref_slice %arg6[%dma_start3A_210, %dma_start3A_211] : memref<10000x128xf32, #tpu.memory_space<vmem_shared>> -> memref<10000x128xf32, #tpu.memory_space<vmem_shared>>
      tpu.enqueue_indirect_dma source(%dma_start3A_206 : memref<100x128xf32, #tpu.memory_space<vmem>>) target(%dma_start3A_212 : memref<10000x128xf32, #tpu.memory_space<vmem_shared>>) offsets(%dma_start3A_209 : memref<100xi32, #tpu.memory_space<vmem>>) semaphore(%arg11 : memref<!tpu.dma_semaphore, #tpu.memory_space<semaphore_mem>>) {add = true}
      %ge3A = arith.constant 1 : i32
      %ge3A_213 = arith.cmpi sge, %scan3A_135, %ge3A : i32
      %convert_element_type3A_214 = arith.extui %ge3A_213 : i1 to i32
      %cond3A_215 = arith.constant 0 : i32
      %cond3A_216 = arith.cmpi ne, %convert_element_type3A_214, %cond3A_215 : i32
      scf.if %cond3A_216 {
        %dma_wait3A_244 = arith.constant 0 : i32
        %dma_wait3A_245 = arith.constant 0 : i32
        %dma_wait3A_246 = arith.constant 0 : i32
        %dma_wait3A_247 = arith.constant 0 : i32
        %dma_wait3A_248 = arith.constant 0 : i32
        %dma_wait3A_249 = tpu.memref_slice %arg9[%dma_wait3A_246, %dma_wait3A_247, %dma_wait3A_248] : memref<3x100x128xf32, #tpu.memory_space<vmem>> -> memref<1x100x128xf32, #tpu.memory_space<vmem>>
        %dma_wait3A_250 = tpu.memref_squeeze %dma_wait3A_249 : memref<1x100x128xf32, #tpu.memory_space<vmem>> -> memref<100x128xf32, #tpu.memory_space<vmem>>
        %dma_wait3A_251 = arith.constant 0 : i32
        %dma_wait3A_252 = tpu.memref_slice %arg7[%dma_wait3A_244, %dma_wait3A_245, %dma_wait3A_251] : memref<2x10x100xi32, #tpu.memory_space<vmem>> -> memref<1x1x100xi32, #tpu.memory_space<vmem>>
        %dma_wait3A_253 = tpu.memref_squeeze %dma_wait3A_252 : memref<1x1x100xi32, #tpu.memory_space<vmem>> -> memref<100xi32, #tpu.memory_space<vmem>>
        %dma_wait3A_254 = arith.constant 0 : i32
        %dma_wait3A_255 = arith.constant 0 : i32
        %dma_wait3A_256 = tpu.memref_slice %arg2[%dma_wait3A_254, %dma_wait3A_255] : memref<10000x128xf32, #tpu.memory_space<hbm>> -> memref<10000x128xf32, #tpu.memory_space<hbm>>
        tpu.wait_indirect_dma semaphore(%arg11 : memref<!tpu.dma_semaphore, #tpu.memory_space<semaphore_mem>>) src(%dma_wait3A_256 : memref<10000x128xf32, #tpu.memory_space<hbm>>) dst(%dma_wait3A_250 : memref<100x128xf32, #tpu.memory_space<vmem>>)
      } else {
      }
      %eq3A_217 = arith.constant 2 : i32
      %eq3A_218 = arith.cmpi eq, %rem3A_153, %eq3A_217 : i32
      %ge3A_219 = arith.constant 1 : i32
      %ge3A_220 = arith.cmpi sge, %select_n3A, %ge3A_219 : i32
      %add3A_221 = arith.constant 1 : i32
      %add3A_222 = arith.addi %select_n3A, %add3A_221 : i32
      %lt3A = arith.constant 10 : i32
      %lt3A_223 = arith.cmpi slt, %add3A_222, %lt3A : i32
      %and3A_224 = arith.andi %ge3A_220, %lt3A_223 : i1
      %and3A_225 = arith.andi %eq3A_218, %and3A_224 : i1
      %convert_element_type3A_226 = arith.extui %and3A_225 : i1 to i32
      %cond3A_227 = arith.constant 0 : i32
      %cond3A_228 = arith.cmpi ne, %convert_element_type3A_226, %cond3A_227 : i32
      scf.if %cond3A_228 {
        %add3A_244 = arith.constant 1 : i32
        %add3A_245 = arith.addi %select_n3A, %add3A_244 : i32
        %sub3A_246 = arith.constant 1 : i32
        %sub3A_247 = arith.subi %sub3A_246, %rem3A_155 : i32
        %dma_start3A_248 = arith.constant 0 : i32
        %dma_start3A_249 = arith.constant 0 : i32
        %dma_start3A_250 = tpu.memref_slice %arg7[%sub3A_247, %dma_start3A_248, %dma_start3A_249] : memref<2x10x100xi32, #tpu.memory_space<vmem>> -> memref<1x10x100xi32, #tpu.memory_space<vmem>>
        %dma_start3A_251 = tpu.memref_squeeze %dma_start3A_250 : memref<1x10x100xi32, #tpu.memory_space<vmem>> -> memref<10x100xi32, #tpu.memory_space<vmem>>
        %dma_start3A_252 = arith.constant 0 : i32
        %dma_start3A_253 = arith.constant 0 : i32
        %dma_start3A_254 = arith.constant 0 : i32
        %dma_start3A_255 = tpu.memref_slice %arg3[%add3A, %dma_start3A_252, %dma_start3A_253, %dma_start3A_254] : memref<32x10x10x100xi32, #tpu.memory_space<hbm>> -> memref<1x10x10x100xi32, #tpu.memory_space<hbm>>
        %dma_start3A_256 = tpu.memref_squeeze %dma_start3A_255 : memref<1x10x10x100xi32, #tpu.memory_space<hbm>> -> memref<10x10x100xi32, #tpu.memory_space<hbm>>
        %dma_start3A_257 = arith.constant 0 : i32
        %dma_start3A_258 = arith.constant 0 : i32
        %dma_start3A_259 = tpu.memref_slice %dma_start3A_256[%add3A_245, %dma_start3A_257, %dma_start3A_258] : memref<10x10x100xi32, #tpu.memory_space<hbm>> -> memref<1x10x100xi32, #tpu.memory_space<hbm>>
        %dma_start3A_260 = tpu.memref_squeeze %dma_start3A_259 : memref<1x10x100xi32, #tpu.memory_space<hbm>> -> memref<10x100xi32, #tpu.memory_space<hbm>>
        %dma_start3A_261 = arith.constant 0 : i32
        %dma_start3A_262 = arith.constant 0 : i32
        %dma_start3A_263 = tpu.memref_slice %arg7[%sub3A_247, %dma_start3A_261, %dma_start3A_262] : memref<2x10x100xi32, #tpu.memory_space<vmem>> -> memref<1x10x100xi32, #tpu.memory_space<vmem>>
        %dma_start3A_264 = tpu.memref_squeeze %dma_start3A_263 : memref<1x10x100xi32, #tpu.memory_space<vmem>> -> memref<10x100xi32, #tpu.memory_space<vmem>>
        %dma_start3A_265 = arith.constant 0 : i32
        %dma_start3A_266 = arith.constant 0 : i32
        %dma_start3A_267 = arith.constant 0 : i32
        %dma_start3A_268 = tpu.memref_slice %arg3[%add3A, %dma_start3A_265, %dma_start3A_266, %dma_start3A_267] : memref<32x10x10x100xi32, #tpu.memory_space<hbm>> -> memref<1x10x10x100xi32, #tpu.memory_space<hbm>>
        %dma_start3A_269 = tpu.memref_squeeze %dma_start3A_268 : memref<1x10x10x100xi32, #tpu.memory_space<hbm>> -> memref<10x10x100xi32, #tpu.memory_space<hbm>>
        %dma_start3A_270 = arith.constant 0 : i32
        %dma_start3A_271 = arith.constant 0 : i32
        %dma_start3A_272 = tpu.memref_slice %dma_start3A_269[%add3A_245, %dma_start3A_270, %dma_start3A_271] : memref<10x10x100xi32, #tpu.memory_space<hbm>> -> memref<1x10x100xi32, #tpu.memory_space<hbm>>
        %dma_start3A_273 = tpu.memref_squeeze %dma_start3A_272 : memref<1x10x100xi32, #tpu.memory_space<hbm>> -> memref<10x100xi32, #tpu.memory_space<hbm>>
        tpu.enqueue_dma source(%dma_start3A_273 : memref<10x100xi32, #tpu.memory_space<hbm>>) target(%dma_start3A_264 : memref<10x100xi32, #tpu.memory_space<vmem>>) target_semaphore(%arg12 : memref<!tpu.dma_semaphore, #tpu.memory_space<semaphore_mem>>)
        %add3A_274 = arith.constant 1 : i32
        %add3A_275 = arith.addi %select_n3A, %add3A_274 : i32
        %sub3A_276 = arith.constant 1 : i32
        %sub3A_277 = arith.subi %sub3A_276, %rem3A_155 : i32
        %dma_start3A_278 = arith.constant 0 : i32
        %dma_start3A_279 = arith.constant 0 : i32
        %dma_start3A_280 = tpu.memref_slice %arg8[%sub3A_277, %dma_start3A_278, %dma_start3A_279] : memref<2x10x100xi32, #tpu.memory_space<vmem>> -> memref<1x10x100xi32, #tpu.memory_space<vmem>>
        %dma_start3A_281 = tpu.memref_squeeze %dma_start3A_280 : memref<1x10x100xi32, #tpu.memory_space<vmem>> -> memref<10x100xi32, #tpu.memory_space<vmem>>
        %dma_start3A_282 = arith.constant 0 : i32
        %dma_start3A_283 = arith.constant 0 : i32
        %dma_start3A_284 = arith.constant 0 : i32
        %dma_start3A_285 = tpu.memref_slice %arg4[%add3A, %dma_start3A_282, %dma_start3A_283, %dma_start3A_284] : memref<32x10x10x100xi32, #tpu.memory_space<hbm>> -> memref<1x10x10x100xi32, #tpu.memory_space<hbm>>
        %dma_start3A_286 = tpu.memref_squeeze %dma_start3A_285 : memref<1x10x10x100xi32, #tpu.memory_space<hbm>> -> memref<10x10x100xi32, #tpu.memory_space<hbm>>
        %dma_start3A_287 = arith.constant 0 : i32
        %dma_start3A_288 = arith.constant 0 : i32
        %dma_start3A_289 = tpu.memref_slice %dma_start3A_286[%add3A_275, %dma_start3A_287, %dma_start3A_288] : memref<10x10x100xi32, #tpu.memory_space<hbm>> -> memref<1x10x100xi32, #tpu.memory_space<hbm>>
        %dma_start3A_290 = tpu.memref_squeeze %dma_start3A_289 : memref<1x10x100xi32, #tpu.memory_space<hbm>> -> memref<10x100xi32, #tpu.memory_space<hbm>>
        %dma_start3A_291 = arith.constant 0 : i32
        %dma_start3A_292 = arith.constant 0 : i32
        %dma_start3A_293 = tpu.memref_slice %arg8[%sub3A_277, %dma_start3A_291, %dma_start3A_292] : memref<2x10x100xi32, #tpu.memory_space<vmem>> -> memref<1x10x100xi32, #tpu.memory_space<vmem>>
        %dma_start3A_294 = tpu.memref_squeeze %dma_start3A_293 : memref<1x10x100xi32, #tpu.memory_space<vmem>> -> memref<10x100xi32, #tpu.memory_space<vmem>>
        %dma_start3A_295 = arith.constant 0 : i32
        %dma_start3A_296 = arith.constant 0 : i32
        %dma_start3A_297 = arith.constant 0 : i32
        %dma_start3A_298 = tpu.memref_slice %arg4[%add3A, %dma_start3A_295, %dma_start3A_296, %dma_start3A_297] : memref<32x10x10x100xi32, #tpu.memory_space<hbm>> -> memref<1x10x10x100xi32, #tpu.memory_space<hbm>>
        %dma_start3A_299 = tpu.memref_squeeze %dma_start3A_298 : memref<1x10x10x100xi32, #tpu.memory_space<hbm>> -> memref<10x10x100xi32, #tpu.memory_space<hbm>>
        %dma_start3A_300 = arith.constant 0 : i32
        %dma_start3A_301 = arith.constant 0 : i32
        %dma_start3A_302 = tpu.memref_slice %dma_start3A_299[%add3A_275, %dma_start3A_300, %dma_start3A_301] : memref<10x10x100xi32, #tpu.memory_space<hbm>> -> memref<1x10x100xi32, #tpu.memory_space<hbm>>
        %dma_start3A_303 = tpu.memref_squeeze %dma_start3A_302 : memref<1x10x100xi32, #tpu.memory_space<hbm>> -> memref<10x100xi32, #tpu.memory_space<hbm>>
        tpu.enqueue_dma source(%dma_start3A_303 : memref<10x100xi32, #tpu.memory_space<hbm>>) target(%dma_start3A_294 : memref<10x100xi32, #tpu.memory_space<vmem>>) target_semaphore(%arg12 : memref<!tpu.dma_semaphore, #tpu.memory_space<semaphore_mem>>)
      } else {
      }
      %eq3A_229 = arith.constant 8 : i32
      %eq3A_230 = arith.cmpi eq, %rem3A_153, %eq3A_229 : i32
      %add3A_231 = arith.constant 1 : i32
      %add3A_232 = arith.addi %select_n3A, %add3A_231 : i32
      %lt3A_233 = arith.constant 10 : i32
      %lt3A_234 = arith.cmpi slt, %add3A_232, %lt3A_233 : i32
      %and3A_235 = arith.andi %eq3A_230, %lt3A_234 : i1
      %convert_element_type3A_236 = arith.extui %and3A_235 : i1 to i32
      %cond3A_237 = arith.constant 0 : i32
      %cond3A_238 = arith.cmpi ne, %convert_element_type3A_236, %cond3A_237 : i32
      scf.if %cond3A_238 {
        %dma_wait3A_244 = arith.constant 0 : i32
        %dma_wait3A_245 = arith.constant 0 : i32
        %dma_wait3A_246 = arith.constant 0 : i32
        %dma_wait3A_247 = arith.constant 0 : i32
        %dma_wait3A_248 = tpu.memref_slice %arg7[%dma_wait3A_245, %dma_wait3A_246, %dma_wait3A_247] : memref<2x10x100xi32, #tpu.memory_space<vmem>> -> memref<1x10x100xi32, #tpu.memory_space<vmem>>
        %dma_wait3A_249 = tpu.memref_squeeze %dma_wait3A_248 : memref<1x10x100xi32, #tpu.memory_space<vmem>> -> memref<10x100xi32, #tpu.memory_space<vmem>>
        %dma_wait3A_250 = arith.constant 0 : i32
        %dma_wait3A_251 = arith.constant 0 : i32
        %dma_wait3A_252 = arith.constant 0 : i32
        %dma_wait3A_253 = tpu.memref_slice %arg3[%add3A, %dma_wait3A_250, %dma_wait3A_251, %dma_wait3A_252] : memref<32x10x10x100xi32, #tpu.memory_space<hbm>> -> memref<1x10x10x100xi32, #tpu.memory_space<hbm>>
        %dma_wait3A_254 = tpu.memref_squeeze %dma_wait3A_253 : memref<1x10x10x100xi32, #tpu.memory_space<hbm>> -> memref<10x10x100xi32, #tpu.memory_space<hbm>>
        %dma_wait3A_255 = arith.constant 0 : i32
        %dma_wait3A_256 = arith.constant 0 : i32
        %dma_wait3A_257 = tpu.memref_slice %dma_wait3A_254[%dma_wait3A_244, %dma_wait3A_255, %dma_wait3A_256] : memref<10x10x100xi32, #tpu.memory_space<hbm>> -> memref<1x10x100xi32, #tpu.memory_space<hbm>>
        %dma_wait3A_258 = tpu.memref_squeeze %dma_wait3A_257 : memref<1x10x100xi32, #tpu.memory_space<hbm>> -> memref<10x100xi32, #tpu.memory_space<hbm>>
        %dma_wait3A_259 = arith.constant 0 : i32
        %dma_wait3A_260 = arith.constant 0 : i32
        %dma_wait3A_261 = tpu.memref_slice %arg7[%dma_wait3A_245, %dma_wait3A_259, %dma_wait3A_260] : memref<2x10x100xi32, #tpu.memory_space<vmem>> -> memref<1x10x100xi32, #tpu.memory_space<vmem>>
        %dma_wait3A_262 = tpu.memref_squeeze %dma_wait3A_261 : memref<1x10x100xi32, #tpu.memory_space<vmem>> -> memref<10x100xi32, #tpu.memory_space<vmem>>
        %dma_wait3A_263 = arith.constant 0 : i32
        %dma_wait3A_264 = arith.constant 0 : i32
        %dma_wait3A_265 = arith.constant 0 : i32
        %dma_wait3A_266 = tpu.memref_slice %arg3[%add3A, %dma_wait3A_263, %dma_wait3A_264, %dma_wait3A_265] : memref<32x10x10x100xi32, #tpu.memory_space<hbm>> -> memref<1x10x10x100xi32, #tpu.memory_space<hbm>>
        %dma_wait3A_267 = tpu.memref_squeeze %dma_wait3A_266 : memref<1x10x10x100xi32, #tpu.memory_space<hbm>> -> memref<10x10x100xi32, #tpu.memory_space<hbm>>
        %dma_wait3A_268 = arith.constant 0 : i32
        %dma_wait3A_269 = arith.constant 0 : i32
        %dma_wait3A_270 = tpu.memref_slice %dma_wait3A_267[%dma_wait3A_244, %dma_wait3A_268, %dma_wait3A_269] : memref<10x10x100xi32, #tpu.memory_space<hbm>> -> memref<1x10x100xi32, #tpu.memory_space<hbm>>
        %dma_wait3A_271 = tpu.memref_squeeze %dma_wait3A_270 : memref<1x10x100xi32, #tpu.memory_space<hbm>> -> memref<10x100xi32, #tpu.memory_space<hbm>>
        tpu.wait_dma2 semaphore(%arg12 : memref<!tpu.dma_semaphore, #tpu.memory_space<semaphore_mem>>) src(%dma_wait3A_271 : memref<10x100xi32, #tpu.memory_space<hbm>>) dst(%dma_wait3A_262 : memref<10x100xi32, #tpu.memory_space<vmem>>)
        %dma_wait3A_272 = arith.constant 0 : i32
        %dma_wait3A_273 = arith.constant 0 : i32
        %dma_wait3A_274 = arith.constant 0 : i32
        %dma_wait3A_275 = arith.constant 0 : i32
        %dma_wait3A_276 = tpu.memref_slice %arg8[%dma_wait3A_273, %dma_wait3A_274, %dma_wait3A_275] : memref<2x10x100xi32, #tpu.memory_space<vmem>> -> memref<1x10x100xi32, #tpu.memory_space<vmem>>
        %dma_wait3A_277 = tpu.memref_squeeze %dma_wait3A_276 : memref<1x10x100xi32, #tpu.memory_space<vmem>> -> memref<10x100xi32, #tpu.memory_space<vmem>>
        %dma_wait3A_278 = arith.constant 0 : i32
        %dma_wait3A_279 = arith.constant 0 : i32
        %dma_wait3A_280 = arith.constant 0 : i32
        %dma_wait3A_281 = tpu.memref_slice %arg4[%add3A, %dma_wait3A_278, %dma_wait3A_279, %dma_wait3A_280] : memref<32x10x10x100xi32, #tpu.memory_space<hbm>> -> memref<1x10x10x100xi32, #tpu.memory_space<hbm>>
        %dma_wait3A_282 = tpu.memref_squeeze %dma_wait3A_281 : memref<1x10x10x100xi32, #tpu.memory_space<hbm>> -> memref<10x10x100xi32, #tpu.memory_space<hbm>>
        %dma_wait3A_283 = arith.constant 0 : i32
        %dma_wait3A_284 = arith.constant 0 : i32
        %dma_wait3A_285 = tpu.memref_slice %dma_wait3A_282[%dma_wait3A_272, %dma_wait3A_283, %dma_wait3A_284] : memref<10x10x100xi32, #tpu.memory_space<hbm>> -> memref<1x10x100xi32, #tpu.memory_space<hbm>>
        %dma_wait3A_286 = tpu.memref_squeeze %dma_wait3A_285 : memref<1x10x100xi32, #tpu.memory_space<hbm>> -> memref<10x100xi32, #tpu.memory_space<hbm>>
        %dma_wait3A_287 = arith.constant 0 : i32
        %dma_wait3A_288 = arith.constant 0 : i32
        %dma_wait3A_289 = tpu.memref_slice %arg8[%dma_wait3A_273, %dma_wait3A_287, %dma_wait3A_288] : memref<2x10x100xi32, #tpu.memory_space<vmem>> -> memref<1x10x100xi32, #tpu.memory_space<vmem>>
        %dma_wait3A_290 = tpu.memref_squeeze %dma_wait3A_289 : memref<1x10x100xi32, #tpu.memory_space<vmem>> -> memref<10x100xi32, #tpu.memory_space<vmem>>
        %dma_wait3A_291 = arith.constant 0 : i32
        %dma_wait3A_292 = arith.constant 0 : i32
        %dma_wait3A_293 = arith.constant 0 : i32
        %dma_wait3A_294 = tpu.memref_slice %arg4[%add3A, %dma_wait3A_291, %dma_wait3A_292, %dma_wait3A_293] : memref<32x10x10x100xi32, #tpu.memory_space<hbm>> -> memref<1x10x10x100xi32, #tpu.memory_space<hbm>>
        %dma_wait3A_295 = tpu.memref_squeeze %dma_wait3A_294 : memref<1x10x10x100xi32, #tpu.memory_space<hbm>> -> memref<10x10x100xi32, #tpu.memory_space<hbm>>
        %dma_wait3A_296 = arith.constant 0 : i32
        %dma_wait3A_297 = arith.constant 0 : i32
        %dma_wait3A_298 = tpu.memref_slice %dma_wait3A_295[%dma_wait3A_272, %dma_wait3A_296, %dma_wait3A_297] : memref<10x10x100xi32, #tpu.memory_space<hbm>> -> memref<1x10x100xi32, #tpu.memory_space<hbm>>
        %dma_wait3A_299 = tpu.memref_squeeze %dma_wait3A_298 : memref<1x10x100xi32, #tpu.memory_space<hbm>> -> memref<10x100xi32, #tpu.memory_space<hbm>>
        tpu.wait_dma2 semaphore(%arg12 : memref<!tpu.dma_semaphore, #tpu.memory_space<semaphore_mem>>) src(%dma_wait3A_299 : memref<10x100xi32, #tpu.memory_space<hbm>>) dst(%dma_wait3A_290 : memref<10x100xi32, #tpu.memory_space<vmem>>)
      } else {
      }
      %lt3A_239 = arith.constant 100 : i32
      %lt3A_240 = arith.cmpi slt, %add3A_159, %lt3A_239 : i32
      %convert_element_type3A_241 = arith.extui %lt3A_240 : i1 to i32
      %cond3A_242 = arith.constant 0 : i32
      %cond3A_243 = arith.cmpi ne, %convert_element_type3A_241, %cond3A_242 : i32
      scf.if %cond3A_243 {
        %dma_start3A_244 = arith.constant 0 : i32
        %dma_start3A_245 = arith.constant 0 : i32
        %dma_start3A_246 = tpu.memref_slice %arg9[%rem3A_189, %dma_start3A_244, %dma_start3A_245] : memref<3x100x128xf32, #tpu.memory_space<vmem>> -> memref<1x100x128xf32, #tpu.memory_space<vmem>>
        %dma_start3A_247 = tpu.memref_squeeze %dma_start3A_246 : memref<1x100x128xf32, #tpu.memory_space<vmem>> -> memref<100x128xf32, #tpu.memory_space<vmem>>
        %dma_start3A_248 = arith.constant 0 : i32
        %dma_start3A_249 = tpu.memref_slice %arg7[%rem3A_187, %rem3A_185, %dma_start3A_248] : memref<2x10x100xi32, #tpu.memory_space<vmem>> -> memref<1x1x100xi32, #tpu.memory_space<vmem>>
        %dma_start3A_250 = tpu.memref_squeeze %dma_start3A_249 : memref<1x1x100xi32, #tpu.memory_space<vmem>> -> memref<100xi32, #tpu.memory_space<vmem>>
        %dma_start3A_251 = arith.constant 0 : i32
        %dma_start3A_252 = arith.constant 0 : i32
        %dma_start3A_253 = tpu.memref_slice %arg2[%dma_start3A_251, %dma_start3A_252] : memref<10000x128xf32, #tpu.memory_space<hbm>> -> memref<10000x128xf32, #tpu.memory_space<hbm>>
        tpu.enqueue_indirect_dma source(%dma_start3A_253 : memref<10000x128xf32, #tpu.memory_space<hbm>>) target(%dma_start3A_247 : memref<100x128xf32, #tpu.memory_space<vmem>>) offsets(%dma_start3A_250 : memref<100xi32, #tpu.memory_space<vmem>>) semaphore(%arg10 : memref<!tpu.dma_semaphore, #tpu.memory_space<semaphore_mem>>)
      } else {
      }
    }
    %scan3A_111 = arith.constant 100 : i32
    %dma_wait3A_112 = arith.constant 0 : i32
    %dma_wait3A_113 = arith.constant 0 : i32
    %dma_wait3A_114 = arith.constant 0 : i32
    %dma_wait3A_115 = arith.constant 0 : i32
    %dma_wait3A_116 = arith.constant 0 : i32
    %dma_wait3A_117 = tpu.memref_slice %arg9[%dma_wait3A_114, %dma_wait3A_115, %dma_wait3A_116] : memref<3x100x128xf32, #tpu.memory_space<vmem>> -> memref<1x100x128xf32, #tpu.memory_space<vmem>>
    %dma_wait3A_118 = tpu.memref_squeeze %dma_wait3A_117 : memref<1x100x128xf32, #tpu.memory_space<vmem>> -> memref<100x128xf32, #tpu.memory_space<vmem>>
    %dma_wait3A_119 = arith.constant 0 : i32
    %dma_wait3A_120 = tpu.memref_slice %arg7[%dma_wait3A_112, %dma_wait3A_113, %dma_wait3A_119] : memref<2x10x100xi32, #tpu.memory_space<vmem>> -> memref<1x1x100xi32, #tpu.memory_space<vmem>>
    %dma_wait3A_121 = tpu.memref_squeeze %dma_wait3A_120 : memref<1x1x100xi32, #tpu.memory_space<vmem>> -> memref<100xi32, #tpu.memory_space<vmem>>
    %dma_wait3A_122 = arith.constant 0 : i32
    %dma_wait3A_123 = arith.constant 0 : i32
    %dma_wait3A_124 = tpu.memref_slice %arg2[%dma_wait3A_122, %dma_wait3A_123] : memref<10000x128xf32, #tpu.memory_space<hbm>> -> memref<10000x128xf32, #tpu.memory_space<hbm>>
    tpu.wait_indirect_dma semaphore(%arg11 : memref<!tpu.dma_semaphore, #tpu.memory_space<semaphore_mem>>) src(%dma_wait3A_124 : memref<10000x128xf32, #tpu.memory_space<hbm>>) dst(%dma_wait3A_118 : memref<100x128xf32, #tpu.memory_space<vmem>>)
    %barrier3A_125 = arith.constant 0 : index
    tpu.barrier barrier_id(%barrier3A_125)
    %mul3A_126 = arith.constant 624 : i32
    %mul3A_127 = arith.muli %arg1, %mul3A_126 : i32
    %mul3A_128 = arith.constant 624 : i32
    %mul3A_129 = arith.muli %arg1, %mul3A_128 : i32
    "tpu.region"() ({
      %run_scoped3A_135 = tpu.sem_alloc : memref<!tpu.dma_semaphore, #tpu.memory_space<semaphore_mem>>
      %dma_start3A_136 = arith.constant 0 : i32
      %dma_start3A_137 = arith.constant 0 : i32
      %dma_start3A_138 = tpu.memref_slice %arg5[%arg0, %dma_start3A_136, %dma_start3A_137] : memref<2x10000x128xf32, #tpu.memory_space<hbm>> -> memref<1x10000x128xf32, #tpu.memory_space<hbm>>
      %dma_start3A_139 = tpu.memref_squeeze %dma_start3A_138 : memref<1x10000x128xf32, #tpu.memory_space<hbm>> -> memref<10000x128xf32, #tpu.memory_space<hbm>>
      %dma_start3A_140 = arith.constant 0 : i32
      %dma_start3A_141 = tpu.memref_slice %dma_start3A_139[%mul3A_129, %dma_start3A_140] : memref<10000x128xf32, #tpu.memory_space<hbm>> -> memref<624x128xf32, #tpu.memory_space<hbm>>
      %dma_start3A_142 = arith.constant 0 : i32
      %dma_start3A_143 = tpu.memref_slice %arg6[%mul3A_127, %dma_start3A_142] : memref<10000x128xf32, #tpu.memory_space<vmem_shared>> -> memref<624x128xf32, #tpu.memory_space<vmem_shared>>
      tpu.enqueue_dma source(%dma_start3A_143 : memref<624x128xf32, #tpu.memory_space<vmem_shared>>) target(%dma_start3A_141 : memref<624x128xf32, #tpu.memory_space<hbm>>) target_semaphore(%run_scoped3A_135 : memref<!tpu.dma_semaphore, #tpu.memory_space<semaphore_mem>>)
      %dma_wait3A_144 = arith.constant 0 : i32
      %dma_wait3A_145 = arith.constant 0 : i32
      %dma_wait3A_146 = tpu.memref_slice %arg5[%arg0, %dma_wait3A_144, %dma_wait3A_145] : memref<2x10000x128xf32, #tpu.memory_space<hbm>> -> memref<1x10000x128xf32, #tpu.memory_space<hbm>>
      %dma_wait3A_147 = tpu.memref_squeeze %dma_wait3A_146 : memref<1x10000x128xf32, #tpu.memory_space<hbm>> -> memref<10000x128xf32, #tpu.memory_space<hbm>>
      %dma_wait3A_148 = arith.constant 0 : i32
      %dma_wait3A_149 = tpu.memref_slice %dma_wait3A_147[%mul3A_129, %dma_wait3A_148] : memref<10000x128xf32, #tpu.memory_space<hbm>> -> memref<624x128xf32, #tpu.memory_space<hbm>>
      %dma_wait3A_150 = arith.constant 0 : i32
      %dma_wait3A_151 = tpu.memref_slice %arg6[%mul3A_127, %dma_wait3A_150] : memref<10000x128xf32, #tpu.memory_space<vmem_shared>> -> memref<624x128xf32, #tpu.memory_space<vmem_shared>>
      tpu.wait_dma2 semaphore(%run_scoped3A_135 : memref<!tpu.dma_semaphore, #tpu.memory_space<semaphore_mem>>) src(%dma_wait3A_151 : memref<624x128xf32, #tpu.memory_space<vmem_shared>>) dst(%dma_wait3A_149 : memref<624x128xf32, #tpu.memory_space<hbm>>)
      tpu.yield
    }) : () -> ()
    %eq3A_130 = arith.constant 15 : i32
    %eq3A_131 = arith.cmpi eq, %arg1, %eq3A_130 : i32
    %convert_element_type3A_132 = arith.extui %eq3A_131 : i1 to i32
    %cond3A_133 = arith.constant 0 : i32
    %cond3A_134 = arith.cmpi ne, %convert_element_type3A_132, %cond3A_133 : i32
    scf.if %cond3A_134 {
      "tpu.region"() ({
        %run_scoped3A_135 = tpu.sem_alloc : memref<!tpu.dma_semaphore, #tpu.memory_space<semaphore_mem>>
        %dma_start3A_136 = arith.constant 0 : i32
        %dma_start3A_137 = arith.constant 0 : i32
        %dma_start3A_138 = tpu.memref_slice %arg5[%arg0, %dma_start3A_136, %dma_start3A_137] : memref<2x10000x128xf32, #tpu.memory_space<hbm>> -> memref<1x10000x128xf32, #tpu.memory_space<hbm>>
        %dma_start3A_139 = tpu.memref_squeeze %dma_start3A_138 : memref<1x10000x128xf32, #tpu.memory_space<hbm>> -> memref<10000x128xf32, #tpu.memory_space<hbm>>
        %dma_start3A_140 = arith.constant 9984 : i32
        %dma_start3A_141 = arith.constant 0 : i32
        %dma_start3A_142 = tpu.memref_slice %dma_start3A_139[%dma_start3A_140, %dma_start3A_141] : memref<10000x128xf32, #tpu.memory_space<hbm>> -> memref<16x128xf32, #tpu.memory_space<hbm>>
        %dma_start3A_143 = arith.constant 9984 : i32
        %dma_start3A_144 = arith.constant 0 : i32
        %dma_start3A_145 = tpu.memref_slice %arg6[%dma_start3A_143, %dma_start3A_144] : memref<10000x128xf32, #tpu.memory_space<vmem_shared>> -> memref<16x128xf32, #tpu.memory_space<vmem_shared>>
        tpu.enqueue_dma source(%dma_start3A_145 : memref<16x128xf32, #tpu.memory_space<vmem_shared>>) target(%dma_start3A_142 : memref<16x128xf32, #tpu.memory_space<hbm>>) target_semaphore(%run_scoped3A_135 : memref<!tpu.dma_semaphore, #tpu.memory_space<semaphore_mem>>)
        %dma_wait3A_146 = arith.constant 0 : i32
        %dma_wait3A_147 = arith.constant 0 : i32
        %dma_wait3A_148 = tpu.memref_slice %arg5[%arg0, %dma_wait3A_146, %dma_wait3A_147] : memref<2x10000x128xf32, #tpu.memory_space<hbm>> -> memref<1x10000x128xf32, #tpu.memory_space<hbm>>
        %dma_wait3A_149 = tpu.memref_squeeze %dma_wait3A_148 : memref<1x10000x128xf32, #tpu.memory_space<hbm>> -> memref<10000x128xf32, #tpu.memory_space<hbm>>
        %dma_wait3A_150 = arith.constant 9984 : i32
        %dma_wait3A_151 = arith.constant 0 : i32
        %dma_wait3A_152 = tpu.memref_slice %dma_wait3A_149[%dma_wait3A_150, %dma_wait3A_151] : memref<10000x128xf32, #tpu.memory_space<hbm>> -> memref<16x128xf32, #tpu.memory_space<hbm>>
        %dma_wait3A_153 = arith.constant 9984 : i32
        %dma_wait3A_154 = arith.constant 0 : i32
        %dma_wait3A_155 = tpu.memref_slice %arg6[%dma_wait3A_153, %dma_wait3A_154] : memref<10000x128xf32, #tpu.memory_space<vmem_shared>> -> memref<16x128xf32, #tpu.memory_space<vmem_shared>>
        tpu.wait_dma2 semaphore(%run_scoped3A_135 : memref<!tpu.dma_semaphore, #tpu.memory_space<semaphore_mem>>) src(%dma_wait3A_155 : memref<16x128xf32, #tpu.memory_space<vmem_shared>>) dst(%dma_wait3A_152 : memref<16x128xf32, #tpu.memory_space<hbm>>)
        tpu.yield
      }) : () -> ()
    } else {
    }
    return
  }
}

module attributes {stable_mosaic.version = 14 : i64} {
  func.func @_t1_body(%arg0: i32, %arg1: memref<2000x1xf32, #tpu.memory_space<vmem>>, %arg2: memref<2000x1xf32, #tpu.memory_space<vmem>>, %arg3: memref<2000x128xf32, #tpu.memory_space<vmem>>, %arg4: memref<128x128xf32, #tpu.memory_space<vmem>>, %arg5: memref<2000x128xf32, #tpu.memory_space<vmem>>) attributes {dimension_semantics = [#tpu.dimension_semantics<arbitrary>], iteration_bounds = array<i64: 5>, scalar_prefetch = 0 : i64, scratch_operands = 0 : i64, tpu.core_type = #tpu.core_type<tc>, window_params = [{transform_indices = @transform_0, window_bounds = array<i64: 2000, 1>}, {transform_indices = @transform_1, window_bounds = array<i64: 2000, 1>}, {transform_indices = @transform_2, window_bounds = array<i64: 2000, 128>}, {pipeline_mode = #tpu.pipeline_mode<synchronous>, transform_indices = @transform_3, window_bounds = array<i64: 128, 128>}, {transform_indices = @transform_4, window_bounds = array<i64: 2000, 128>}]} {
    %get3A = arith.constant 0 : index
    %get3A_0 = arith.constant 0 : index
    %get3A_1 = vector.load %arg1[%get3A, %get3A_0] : memref<2000x1xf32, #tpu.memory_space<vmem>>, vector<2000x1xf32>
    %get3A_2 = arith.constant 0 : index
    %get3A_3 = arith.constant 0 : index
    %get3A_4 = vector.load %arg2[%get3A_2, %get3A_3] : memref<2000x1xf32, #tpu.memory_space<vmem>>, vector<2000x1xf32>
    %add3A = arith.addf %get3A_1, %get3A_4 : vector<2000x1xf32>
    %sub3A = arith.constant 1.000000e+00 : f32
    %sub3A_5 = vector.broadcast %sub3A : f32 to vector<2000x1xf32>
    %sub3A_6 = arith.subf %add3A, %sub3A_5 : vector<2000x1xf32>
    %rsqrt3A = math.rsqrt %sub3A_6 : vector<2000x1xf32>
    %get3A_7 = arith.constant 0 : index
    %get3A_8 = arith.constant 0 : index
    %get3A_9 = vector.load %arg3[%get3A_7, %get3A_8] : memref<2000x128xf32, #tpu.memory_space<vmem>>, vector<2000x128xf32>
    %get3A_10 = arith.constant 0 : index
    %get3A_11 = arith.constant 0 : index
    %get3A_12 = vector.load %arg4[%get3A_10, %get3A_11] : memref<128x128xf32, #tpu.memory_space<vmem>>, vector<128x128xf32>
    %dot_general3A = arith.constant dense<0.000000e+00> : vector<2000x128xf32>
    %dot_general3A_13 = tpu.matmul %get3A_9, %get3A_12, %dot_general3A {dimension_numbers = #tpu.dot_dimension_numbers<[1], [0], [0], [1], [0, 0, 1, 1], [], []>, transpose_lhs_hint = false} : vector<2000x128xf32>, vector<128x128xf32>, vector<2000x128xf32> -> vector<2000x128xf32>
    %mul3A = vector.broadcast %rsqrt3A : vector<2000x1xf32> to vector<2000x128xf32>
    %mul3A_14 = arith.mulf %mul3A, %dot_general3A_13 : vector<2000x128xf32>
    %swap3A = arith.constant 0 : index
    %swap3A_15 = arith.constant 0 : index
    %swap3A_16 = vector.load %arg5[%swap3A, %swap3A_15] : memref<2000x128xf32, #tpu.memory_space<vmem>>, vector<2000x128xf32>
    tpu.vector_store %arg5[%swap3A, %swap3A_15], %mul3A_14 {strides = array<i32>} : memref<2000x128xf32, #tpu.memory_space<vmem>>, vector<2000x128xf32>,
    return
  }
  func.func @transform_0(%arg0: i32) -> (i32, i32) {
    %c0_i32 = arith.constant 0 : i32
    %c0_i32_0 = arith.constant 0 : i32
    return %arg0, %c0_i32 : i32, i32
  }
  func.func @transform_1(%arg0: i32) -> (i32, i32) {
    %c0_i32 = arith.constant 0 : i32
    %c0_i32_0 = arith.constant 0 : i32
    return %arg0, %c0_i32 : i32, i32
  }
  func.func @transform_2(%arg0: i32) -> (i32, i32) {
    %c0_i32 = arith.constant 0 : i32
    %c0_i32_0 = arith.constant 0 : i32
    return %arg0, %c0_i32 : i32, i32
  }
  func.func @transform_3(%arg0: i32) -> (i32, i32) {
    %c0_i32 = arith.constant 0 : i32
    %c0_i32_0 = arith.constant 0 : i32
    %c0_i32_1 = arith.constant 0 : i32
    return %c0_i32, %c0_i32_0 : i32, i32
  }
  func.func @transform_4(%arg0: i32) -> (i32, i32) {
    %c0_i32 = arith.constant 0 : i32
    %c0_i32_0 = arith.constant 0 : i32
    return %arg0, %c0_i32 : i32, i32
  }
}

module attributes {stable_mosaic.version = 14 : i64} {
  func.func @_t2_body(%arg0: i32, %arg1: memref<2000x1xf32, #tpu.memory_space<vmem>>, %arg2: memref<2000x1xf32, #tpu.memory_space<vmem>>, %arg3: memref<2000x128xf32, #tpu.memory_space<vmem>>, %arg4: memref<2000x128xf32, #tpu.memory_space<vmem>>, %arg5: memref<2000x128xf32, #tpu.memory_space<vmem>>, %arg6: memref<1x128xf32, #tpu.memory_space<vmem>>, %arg7: memref<128x128xf32, #tpu.memory_space<vmem>>, %arg8: memref<2000x128xf32, #tpu.memory_space<vmem>>) attributes {dimension_semantics = [#tpu.dimension_semantics<arbitrary>], iteration_bounds = array<i64: 5>, scalar_prefetch = 0 : i64, scratch_operands = 0 : i64, tpu.core_type = #tpu.core_type<tc>, window_params = [{transform_indices = @transform_0, window_bounds = array<i64: 2000, 1>}, {transform_indices = @transform_1, window_bounds = array<i64: 2000, 1>}, {transform_indices = @transform_2, window_bounds = array<i64: 2000, 128>}, {transform_indices = @transform_3, window_bounds = array<i64: 2000, 128>}, {transform_indices = @transform_4, window_bounds = array<i64: 2000, 128>}, {pipeline_mode = #tpu.pipeline_mode<synchronous>, transform_indices = @transform_5, window_bounds = array<i64: 1, 128>}, {pipeline_mode = #tpu.pipeline_mode<synchronous>, transform_indices = @transform_6, window_bounds = array<i64: 128, 128>}, {transform_indices = @transform_7, window_bounds = array<i64: 2000, 128>}]} {
    %get3A = arith.constant 0 : index
    %get3A_0 = arith.constant 0 : index
    %get3A_1 = vector.load %arg1[%get3A, %get3A_0] : memref<2000x1xf32, #tpu.memory_space<vmem>>, vector<2000x1xf32>
    %get3A_2 = arith.constant 0 : index
    %get3A_3 = arith.constant 0 : index
    %get3A_4 = vector.load %arg2[%get3A_2, %get3A_3] : memref<2000x1xf32, #tpu.memory_space<vmem>>, vector<2000x1xf32>
    %add3A = arith.addf %get3A_1, %get3A_4 : vector<2000x1xf32>
    %sub3A = arith.constant 1.000000e+00 : f32
    %sub3A_5 = vector.broadcast %sub3A : f32 to vector<2000x1xf32>
    %sub3A_6 = arith.subf %add3A, %sub3A_5 : vector<2000x1xf32>
    %rsqrt3A = math.rsqrt %sub3A_6 : vector<2000x1xf32>
    %get3A_7 = arith.constant 0 : index
    %get3A_8 = arith.constant 0 : index
    %get3A_9 = vector.load %arg3[%get3A_7, %get3A_8] : memref<2000x128xf32, #tpu.memory_space<vmem>>, vector<2000x128xf32>
    %get3A_10 = arith.constant 0 : index
    %get3A_11 = arith.constant 0 : index
    %get3A_12 = vector.load %arg4[%get3A_10, %get3A_11] : memref<2000x128xf32, #tpu.memory_space<vmem>>, vector<2000x128xf32>
    %add3A_13 = arith.addf %get3A_9, %get3A_12 : vector<2000x128xf32>
    %get3A_14 = arith.constant 0 : index
    %get3A_15 = arith.constant 0 : index
    %get3A_16 = vector.load %arg5[%get3A_14, %get3A_15] : memref<2000x128xf32, #tpu.memory_space<vmem>>, vector<2000x128xf32>
    %sub3A_17 = arith.subf %add3A_13, %get3A_16 : vector<2000x128xf32>
    %mul3A = vector.broadcast %rsqrt3A : vector<2000x1xf32> to vector<2000x128xf32>
    %mul3A_18 = arith.mulf %mul3A, %sub3A_17 : vector<2000x128xf32>
    %get3A_19 = arith.constant 0 : index
    %get3A_20 = arith.constant 0 : index
    %get3A_21 = vector.load %arg6[%get3A_19, %get3A_20] : memref<1x128xf32, #tpu.memory_space<vmem>>, vector<1x128xf32>
    %add3A_22 = vector.broadcast %get3A_21 : vector<1x128xf32> to vector<2000x128xf32>
    %add3A_23 = arith.addf %mul3A_18, %add3A_22 : vector<2000x128xf32>
    %max3A = arith.constant 0.000000e+00 : f32
    %max3A_24 = vector.broadcast %max3A : f32 to vector<2000x128xf32>
    %max3A_25 = arith.maximumf %add3A_23, %max3A_24 : vector<2000x128xf32>
    %get3A_26 = arith.constant 0 : index
    %get3A_27 = arith.constant 0 : index
    %get3A_28 = vector.load %arg7[%get3A_26, %get3A_27] : memref<128x128xf32, #tpu.memory_space<vmem>>, vector<128x128xf32>
    %dot_general3A = arith.constant dense<0.000000e+00> : vector<2000x128xf32>
    %dot_general3A_29 = tpu.matmul %max3A_25, %get3A_28, %dot_general3A {dimension_numbers = #tpu.dot_dimension_numbers<[1], [0], [0], [1], [0, 0, 1, 1], [], []>, transpose_lhs_hint = false} : vector<2000x128xf32>, vector<128x128xf32>, vector<2000x128xf32> -> vector<2000x128xf32>
    %mul3A_30 = vector.broadcast %rsqrt3A : vector<2000x1xf32> to vector<2000x128xf32>
    %mul3A_31 = arith.mulf %mul3A_30, %dot_general3A_29 : vector<2000x128xf32>
    %swap3A = arith.constant 0 : index
    %swap3A_32 = arith.constant 0 : index
    %swap3A_33 = vector.load %arg8[%swap3A, %swap3A_32] : memref<2000x128xf32, #tpu.memory_space<vmem>>, vector<2000x128xf32>
    tpu.vector_store %arg8[%swap3A, %swap3A_32], %mul3A_31 {strides = array<i32>} : memref<2000x128xf32, #tpu.memory_space<vmem>>, vector<2000x128xf32>,
    return
  }
  func.func @transform_0(%arg0: i32) -> (i32, i32) {
    %c0_i32 = arith.constant 0 : i32
    %c0_i32_0 = arith.constant 0 : i32
    return %arg0, %c0_i32 : i32, i32
  }
  func.func @transform_1(%arg0: i32) -> (i32, i32) {
    %c0_i32 = arith.constant 0 : i32
    %c0_i32_0 = arith.constant 0 : i32
    return %arg0, %c0_i32 : i32, i32
  }
  func.func @transform_2(%arg0: i32) -> (i32, i32) {
    %c0_i32 = arith.constant 0 : i32
    %c0_i32_0 = arith.constant 0 : i32
    return %arg0, %c0_i32 : i32, i32
  }
  func.func @transform_3(%arg0: i32) -> (i32, i32) {
    %c0_i32 = arith.constant 0 : i32
    %c0_i32_0 = arith.constant 0 : i32
    return %arg0, %c0_i32 : i32, i32
  }
  func.func @transform_4(%arg0: i32) -> (i32, i32) {
    %c0_i32 = arith.constant 0 : i32
    %c0_i32_0 = arith.constant 0 : i32
    return %arg0, %c0_i32 : i32, i32
  }
  func.func @transform_5(%arg0: i32) -> (i32, i32) {
    %c0_i32 = arith.constant 0 : i32
    %c0_i32_0 = arith.constant 0 : i32
    %c0_i32_1 = arith.constant 0 : i32
    return %c0_i32, %c0_i32_0 : i32, i32
  }
  func.func @transform_6(%arg0: i32) -> (i32, i32) {
    %c0_i32 = arith.constant 0 : i32
    %c0_i32_0 = arith.constant 0 : i32
    %c0_i32_1 = arith.constant 0 : i32
    return %c0_i32, %c0_i32_0 : i32, i32
  }
  func.func @transform_7(%arg0: i32) -> (i32, i32) {
    %c0_i32 = arith.constant 0 : i32
    %c0_i32_0 = arith.constant 0 : i32
    return %arg0, %c0_i32 : i32, i32
  }
}

module attributes {stable_mosaic.version = 14 : i64} {
  func.func @_t3_body(%arg0: i32, %arg1: memref<2000x1xf32, #tpu.memory_space<vmem>>, %arg2: memref<2000x1xf32, #tpu.memory_space<vmem>>, %arg3: memref<2000x128xf32, #tpu.memory_space<vmem>>, %arg4: memref<2000x128xf32, #tpu.memory_space<vmem>>, %arg5: memref<2000x128xf32, #tpu.memory_space<vmem>>, %arg6: memref<1x128xf32, #tpu.memory_space<vmem>>, %arg7: memref<2000x128xf32, #tpu.memory_space<vmem>>) attributes {dimension_semantics = [#tpu.dimension_semantics<arbitrary>], iteration_bounds = array<i64: 5>, scalar_prefetch = 0 : i64, scratch_operands = 0 : i64, tpu.core_type = #tpu.core_type<tc>, window_params = [{transform_indices = @transform_0, window_bounds = array<i64: 2000, 1>}, {transform_indices = @transform_1, window_bounds = array<i64: 2000, 1>}, {transform_indices = @transform_2, window_bounds = array<i64: 2000, 128>}, {transform_indices = @transform_3, window_bounds = array<i64: 2000, 128>}, {transform_indices = @transform_4, window_bounds = array<i64: 2000, 128>}, {pipeline_mode = #tpu.pipeline_mode<synchronous>, transform_indices = @transform_5, window_bounds = array<i64: 1, 128>}, {transform_indices = @transform_6, window_bounds = array<i64: 2000, 128>}]} {
    %get3A = arith.constant 0 : index
    %get3A_0 = arith.constant 0 : index
    %get3A_1 = vector.load %arg1[%get3A, %get3A_0] : memref<2000x1xf32, #tpu.memory_space<vmem>>, vector<2000x1xf32>
    %get3A_2 = arith.constant 0 : index
    %get3A_3 = arith.constant 0 : index
    %get3A_4 = vector.load %arg2[%get3A_2, %get3A_3] : memref<2000x1xf32, #tpu.memory_space<vmem>>, vector<2000x1xf32>
    %add3A = arith.addf %get3A_1, %get3A_4 : vector<2000x1xf32>
    %sub3A = arith.constant 1.000000e+00 : f32
    %sub3A_5 = vector.broadcast %sub3A : f32 to vector<2000x1xf32>
    %sub3A_6 = arith.subf %add3A, %sub3A_5 : vector<2000x1xf32>
    %rsqrt3A = math.rsqrt %sub3A_6 : vector<2000x1xf32>
    %get3A_7 = arith.constant 0 : index
    %get3A_8 = arith.constant 0 : index
    %get3A_9 = vector.load %arg3[%get3A_7, %get3A_8] : memref<2000x128xf32, #tpu.memory_space<vmem>>, vector<2000x128xf32>
    %get3A_10 = arith.constant 0 : index
    %get3A_11 = arith.constant 0 : index
    %get3A_12 = vector.load %arg4[%get3A_10, %get3A_11] : memref<2000x128xf32, #tpu.memory_space<vmem>>, vector<2000x128xf32>
    %add3A_13 = arith.addf %get3A_9, %get3A_12 : vector<2000x128xf32>
    %get3A_14 = arith.constant 0 : index
    %get3A_15 = arith.constant 0 : index
    %get3A_16 = vector.load %arg5[%get3A_14, %get3A_15] : memref<2000x128xf32, #tpu.memory_space<vmem>>, vector<2000x128xf32>
    %sub3A_17 = arith.subf %add3A_13, %get3A_16 : vector<2000x128xf32>
    %mul3A = vector.broadcast %rsqrt3A : vector<2000x1xf32> to vector<2000x128xf32>
    %mul3A_18 = arith.mulf %mul3A, %sub3A_17 : vector<2000x128xf32>
    %get3A_19 = arith.constant 0 : index
    %get3A_20 = arith.constant 0 : index
    %get3A_21 = vector.load %arg6[%get3A_19, %get3A_20] : memref<1x128xf32, #tpu.memory_space<vmem>>, vector<1x128xf32>
    %add3A_22 = vector.broadcast %get3A_21 : vector<1x128xf32> to vector<2000x128xf32>
    %add3A_23 = arith.addf %mul3A_18, %add3A_22 : vector<2000x128xf32>
    %max3A = arith.constant 0.000000e+00 : f32
    %max3A_24 = vector.broadcast %max3A : f32 to vector<2000x128xf32>
    %max3A_25 = arith.maximumf %add3A_23, %max3A_24 : vector<2000x128xf32>
    %swap3A = arith.constant 0 : index
    %swap3A_26 = arith.constant 0 : index
    %swap3A_27 = vector.load %arg7[%swap3A, %swap3A_26] : memref<2000x128xf32, #tpu.memory_space<vmem>>, vector<2000x128xf32>
    tpu.vector_store %arg7[%swap3A, %swap3A_26], %max3A_25 {strides = array<i32>} : memref<2000x128xf32, #tpu.memory_space<vmem>>, vector<2000x128xf32>,
    return
  }
  func.func @transform_0(%arg0: i32) -> (i32, i32) {
    %c0_i32 = arith.constant 0 : i32
    %c0_i32_0 = arith.constant 0 : i32
    return %arg0, %c0_i32 : i32, i32
  }
  func.func @transform_1(%arg0: i32) -> (i32, i32) {
    %c0_i32 = arith.constant 0 : i32
    %c0_i32_0 = arith.constant 0 : i32
    return %arg0, %c0_i32 : i32, i32
  }
  func.func @transform_2(%arg0: i32) -> (i32, i32) {
    %c0_i32 = arith.constant 0 : i32
    %c0_i32_0 = arith.constant 0 : i32
    return %arg0, %c0_i32 : i32, i32
  }
  func.func @transform_3(%arg0: i32) -> (i32, i32) {
    %c0_i32 = arith.constant 0 : i32
    %c0_i32_0 = arith.constant 0 : i32
    return %arg0, %c0_i32 : i32, i32
  }
  func.func @transform_4(%arg0: i32) -> (i32, i32) {
    %c0_i32 = arith.constant 0 : i32
    %c0_i32_0 = arith.constant 0 : i32
    return %arg0, %c0_i32 : i32, i32
  }
  func.func @transform_5(%arg0: i32) -> (i32, i32) {
    %c0_i32 = arith.constant 0 : i32
    %c0_i32_0 = arith.constant 0 : i32
    %c0_i32_1 = arith.constant 0 : i32
    return %c0_i32, %c0_i32_0 : i32, i32
  }
  func.func @transform_6(%arg0: i32) -> (i32, i32) {
    %c0_i32 = arith.constant 0 : i32
    %c0_i32_0 = arith.constant 0 : i32
    return %arg0, %c0_i32 : i32, i32
  }
}

</mosaic_0001>

<sc_bundles>
// kernel: kernel.11.cloned.1.call-start
scs
__scs_entry_jumppad:
0x0: {  	(pc) =	sbr.rel $0x88, $3  }
0x1: {  	(tag) =	ssettag $0x0;
	lr =	simm.s32 $0x1  }
0x2: {  	[smem:$0x3F9B] =	sst lr;
	_ =	strace $0xD0000000  }
0x3: {  	_ = 	snop  }
0x4: {  	_ = 	snop  }
0x5: {  	_ = 	snop  }
0x6: {  	_ = 	snop  }
0x7: {  	_ = 	snop  }
__scs_overlays_trampoline_lowered:
0x8: {  	[smem:$0x3FAA] =	sst s0  }
0x9: {  	[smem:$0x3FAB] =	sst s1  }
0xa: {  	[smem:$0x3FAC] =	sst s2  }
0xb: {  	[smem:$0x3FAD] =	sst s3  }
0xc: {  	[smem:$0x3FAE] =	sst s4  }
0xd: {  	[smem:$0x3FAF] =	sst s5  }
0xe: {  	[smem:$0x3FB0] =	sst s6  }
0xf: {  	[smem:$0x3FB1] =	sst s7  }
0x10: {  	[smem:$0x3FB2] =	sst s8  }
0x11: {  	[smem:$0x3FB3] =	sst s9;
	s0 =	simm.s32 @!p0 $0x0  }
0x12: {  	s1 =	sld [smem:$0x3F99];
	s0 =	simm.s32 @p0 $0x1  }
0x13: {  	[smem:$0x3FB4] =	sst s0;
	s0 =	simm.s32 @!p1 $0x0  }
0x14: {  	s2 =	sld [smem:$0x3F98];
	s0 =	simm.s32 @p1 $0x1  }
0x15: {  	[smem:$0x3FB5] =	sst s0;
	s0 =	simm.s32 @!p2 $0x0  }
0x16: {  	s3 =	sld [smem:$0x3FDB];
	s0 =	simm.s32 @p2 $0x1  }
0x17: {  	s4 =	simm.s32 $0x1BF5;
	[smem:$0x3FB7] =	sst s0  }
0x18: {  	s0 =	sld [smem:$0x3F9A];
	_ =	swait.ge [sflag:s4], $0x0  }
0x19: {  	s7 =	sld [smem:$0x3F9B]  }
0x1a: {  	s8 =	sadd.s32 $0xFFFFE003, lr  }
0x1b: {  	s9 =	sadd.s32 $0xFFFFFEF7, lr;
	s5 =	simm.s32 $0xFFFFFFFF;
	p2 =	slt.u32 s8, $0xFFFFF086  }
0x1c: {  	p1 =	slt.u32 s9, $0xF7A;
	s5 =	simm.s32 @!p2 $0x0  }
0x1d: {  	s5 =	simm.s32 @p1 $0x1;
	p0 =	seq.s32 s7, s2  }
0x1e: {  	s7 =	smul.u32 @!p0 $0xF7A, s2;
	p2 =	seq.s32 @!p0 s5, $0x0  }
0x1f: {  	s9 =	smul.u32 $0xF7A, s1;
	s8 =	simm.s32 @!p0 $0x1BF5;
	p2 =	por !p2, p0  }
0x20: {  	[sflag:s8] =	ssyncset.s32 @!p0 $0xFFFFF086;
	s6 =	sadd.s32 @!p0 s3, s7;
	s7 =	simm.s32 @!p0 $0x108  }
0x21: {  	s3 =	sadd.s32 s3, s9;
	s6 =	sadd.s32 @!p0 $0x88, s6;
	s7 =	simm.s32 @p2 $0x1082  }
0x22: {  	[simem:s7], [sflag:s8] =	dma.local @!p0 [hbm:s6], $0xF7A  }
0x23: {  	s9 =	sor.u32 $0xD0000000, s2;
	s6 =	simm.s32 $0x108;
	_ =	swait.ge @!p0 [sflag:s8], $0x0  }
0x24: {  	s3 =	sadd.s32 $0x88, s3;
	s6 =	simm.s32 @!p1 $0x1082;
	[sflag:s4] =	ssyncset.s32 $0xFFFFF086  }
0x25: {  	[simem:s6], [sflag:s4] =	dma.local [hbm:s3], $0xF7A  }
0x26: {  	[smem:$0x3F9B] =	sst s1;
	(tag) =	ssettag s2;
	_ =	strace s9  }
0x27: {  	s1 =	sld [smem:$0x3FAB]  }
0x28: {  	s2 =	sld [smem:$0x3FAC]  }
0x29: {  	s4 =	sld [smem:$0x3FAE]  }
0x2a: {  	p0 =	seq.s32 s5, $0x0;
	s5 =	sld [smem:$0x3FAF]  }
0x2b: {  	s6 =	sld [smem:$0x3FB0]  }
0x2c: {  	s7 =	sld [smem:$0x3FB1]  }
0x2d: {  	s3 =	simm.s32 $0x108;
	s8 =	sld [smem:$0x3FB2]  }
0x2e: {  	s3 =	simm.s32 @!p0 $0x1082;
	s9 =	sld [smem:$0x3FB3]  }
0x2f: {  	lr =	sadd.s32 s0, s3;
	s0 =	sld [smem:$0x3FAA]  }
0x30: {  	s3 =	sld [smem:$0x3FAD]  }
0x31: {  	[smem:$0x3FB6] =	sst s10  }
0x32: {  	s10 =	sld [smem:$0x3FB4];
	_ =	sdelay $0x3  }
0x33: {  	p0 =	seq.s32 s10, $0x1;
	s10 =	sld [smem:$0x3FB6];
	_ =	sdelay $0x3  }
0x34: {  	[smem:$0x3FB6] =	sst s10  }
0x35: {  	s10 =	sld [smem:$0x3FB5];
	_ =	sdelay $0x3  }
0x36: {  	p1 =	seq.s32 s10, $0x1;
	s10 =	sld [smem:$0x3FB6];
	_ =	sdelay $0x3  }
0x37: {  	[smem:$0x3FB6] =	sst s10  }
0x38: {  	s10 =	sld [smem:$0x3FB7]  }
0x39: {  	_ = 	snop;
	(pc) =	sbr.ind lr, $3  }
0x3a: {  	_ = 	snop  }
0x3b: {  	_ = 	snop  }
0x3c: {  	p2 =	seq.s32 s10, $0x1;
	s10 =	sld [smem:$0x3FB6]  }
0x3d: {  	_ =	shalt  }
0x3e: {  	_ =	shalt  }
0x3f: {  	_ =	shalt  }
0x40: {  	_ =	shalt  }
0x41: {  	_ =	shalt  }
0x42: {  	_ =	shalt  }
0x43: {  	_ =	shalt  }
0x44: {  	_ =	shalt  }
0x45: {  	_ =	shalt  }
0x46: {  	_ =	shalt  }
0x47: {  	_ =	shalt  }
0x48: {  	_ =	shalt  }
0x49: {  	_ =	shalt  }
0x4a: {  	_ =	shalt  }
0x4b: {  	_ =	shalt  }
0x4c: {  	_ =	shalt  }
0x4d: {  	_ =	shalt  }
0x4e: {  	_ =	shalt  }
0x4f: {  	_ =	shalt  }
0x50: {  	_ =	shalt  }
0x51: {  	_ =	shalt  }
0x52: {  	_ =	shalt  }
0x53: {  	_ =	shalt  }
0x54: {  	_ =	shalt  }
0x55: {  	_ =	shalt  }
0x56: {  	_ =	shalt  }
0x57: {  	_ =	shalt  }
0x58: {  	_ =	shalt  }
0x59: {  	_ =	shalt  }
0x5a: {  	_ =	shalt  }
0x5b: {  	_ =	shalt  }
0x5c: {  	_ =	shalt  }
0x5d: {  	_ =	shalt  }
0x5e: {  	_ =	shalt  }
0x5f: {  	_ =	shalt  }
0x60: {  	_ =	shalt  }
0x61: {  	_ =	shalt  }
0x62: {  	_ =	shalt  }
0x63: {  	_ =	shalt  }
0x64: {  	_ =	shalt  }
0x65: {  	_ =	shalt  }
0x66: {  	_ =	shalt  }
0x67: {  	_ =	shalt  }
0x68: {  	_ =	shalt  }
0x69: {  	_ =	shalt  }
0x6a: {  	_ =	shalt  }
0x6b: {  	_ =	shalt  }
0x6c: {  	_ =	shalt  }
0x6d: {  	_ =	shalt  }
0x6e: {  	_ =	shalt  }
0x6f: {  	_ =	shalt  }
0x70: {  	_ =	shalt  }
0x71: {  	_ =	shalt  }
0x72: {  	_ =	shalt  }
0x73: {  	_ =	shalt  }
0x74: {  	_ =	shalt  }
0x75: {  	_ =	shalt  }
0x76: {  	_ =	shalt  }
0x77: {  	_ =	shalt  }
0x78: {  	_ =	shalt  }
0x79: {  	_ =	shalt  }
0x7a: {  	_ =	shalt  }
0x7b: {  	_ =	shalt  }
0x7c: {  	_ =	shalt  }
0x7d: {  	_ =	shalt  }
0x7e: {  	_ =	shalt  }
0x7f: {  	_ =	shalt  }
0x80: {  	_ =	shalt  }
0x81: {  	_ =	shalt  }
0x82: {  	_ =	shalt  }
0x83: {  	_ =	shalt  }
0x84: {  	_ =	shalt  }
0x85: {  	_ =	shalt  }
0x86: {  	_ =	shalt  }
0x87: {  	_ =	shalt  }
.Lfunc_end0:
.L_simem_size_0:
called_computation.1_lowered:
.L_overlay_start_0:
0x88: {  	s2 =	sld [smem:$0x3FD9]  }
0x89: {  	s3 =	sld [smem:$0x3FFE];
	_ =	sdelay $0x1  }
0x8a: {  	s1 =	srdreg.scid  }
0x8b: {  	s0 =	sand.u32 $0x1, s1  }
0x8c: {  	s17 =	sshll.u32 s0, $0xA;
	s2 =	sadd.s32 s3, s2  }
0x8d: {  	s2 =	sadd.s32 s2, s17  }
0x8e: {  	[smem:$0x3FC2] =	sst s2  }
0x8f: {  	_ = 	snop  }
0x90: {  	s2 =	sld [smem:$0x3FD0];
	(tm) =	ssettm $0x1  }
0x91: {  	s18 =	sld [smem:$0x3FFB];
	_ =	sdelay $0x3  }
0x92: {  	_ =	strace s18  }
0x93: {  	s3 =	sld [smem:$0x3FFC];
	_ =	sdelay $0x3  }
0x94: {  	_ =	strace s3  }
0x95: {  	s3 =	sld [smem:$0x3FFD];
	_ =	sdelay $0x3  }
0x96: {  	_ =	strace s3  }
0x97: {  	_ =	strace $0x8FFFFFFF  }
0x98: {  	s19 =	sld [smem:$0x3FDB];
	_ =	sdelay $0x1  }
0x99: {  	s4 =	simm.s32 $_scs_section_size  }
0x9a: {  	s5 =	simm.s32 $_size__tile_overlayer_lowered;
	s6 =	simm.s32 $_tile_overlayer_lowered  }
0x9b: {  	s22 =	simm.s32 $0x1BFF;
	s21 =	sshll.u32 s6, $0x1;
	s3 =	sadd.s32 s4, s19  }
0x9c: {  	s7 =	simm.s32 $0x0;
	s20 =	sshll.u32 s5, $0x1;
	s5 =	sadd.s32 s21, s3  }
0x9d: {  	[timem:s7], [sflag:s22] =	dma.local [hbm:s5], s20  }
0x9e: {  	_ =	swait.ge [sflag:s22], s20  }
0x9f: {  	s4 =	ssub.s32 $0x0, s20;
	[sflag:s22] =	ssyncset.done $0x0  }
0xa0: {  	[sflag:s22] =	ssyncadd.s32 s4;
	_ =	sdelay $0x1  }
0xa1: {  	s23 =	simm.s32 $0x1B8B  }
0xa2: {  	_ =	swait.ge [sflag:s23], $0x1  }
0xa3: {  	[sflag:s23] =	ssyncset.done $0x0  }
0xa4: {  	s25 =	simm.s32 $0x1B8E;
	s24 =	sld [smem:$0x3FFE];
	[sflag:s23] =	ssyncadd.s32 $0xFFFFFFFF  }
0xa5: {  	s26 =	simm.s32 $execute0_lowered;
	[smem:$0x3FD2] =	sst s25  }
0xa6: {  	s5 =	sshll.u32 s26, $0x1;
	_ =	strace $0x80000049;
	[dreg:$0x1] =	wrdreg $0xFFFFFFFF  }
0xa7: {  	s28 =	simm.s32 $_size_execute0_lowered;
	s3 =	sadd.s32 s3, s5;
	[dreg:$0x0] =	wrdreg $0x0  }
0xa8: {  	s5 =	sshll.u32 s28, $0x1;
	[dreg:$0x2] =	wrdreg s3  }
0xa9: {  	[dreg:$0x3] =	wrdreg s5  }
0xaa: {  	[dreg:$0x4] =	wrdreg $0xC0  }
0xab: {  	_ =	task [dreg:s7], $0x5FFFF  }
0xac: {  	[dreg:$0x1] =	wrdreg $0xFFFFFFFF  }
0xad: {  	[dreg:$0x0] =	wrdreg $0x60  }
0xae: {  	[dreg:$0x2] =	wrdreg s2  }
0xaf: {  	[dreg:$0x3] =	wrdreg s24  }
0xb0: {  	[dreg:$0x4] =	wrdreg $0x0  }
0xb1: {  	[dreg:$0x5] =	wrdreg $0x9  }
0xb2: {  	_ =	task.clear_ibuf [dreg:s7], $0x6FFFF;
	_ =	strace $0x90000049  }
0xb3: {  	s29 =	simm.s32 $0x9;
	_ =	strace $0x8000004B  }
0xb4: {  	_ =	swait.ge [sflag:s29], $0x1  }
0xb5: {  	[sflag:s29] =	ssyncadd.s32 $0xFFFFFFFF  }
0xb6: {  	_ =	strace $0x9000004B  }
0xb7: {  	_ =	sfence  }
0xb8: {  	s30 =	sld [smem:$0x0];
	_ =	sdelay $0x2  }
0xb9: {  	s31 =	sshll.u32 s1, $0xD;
	s1 =	sshrl.u32 s1, $0x2  }
0xba: {  	s3 =	sand.u32 $0x4000, s31;
	s1 =	sadd.s32 s1, s30  }
0xbb: {  	s0 =	sor.u32 s3, s0;
	s1 =	sshll.u32 s1, $0x11  }
0xbc: {  	s0 =	sor.u32 s1, s0  }
0xbd: {  	s0 =	sadd.s32 $0x8F2B, s0  }
0xbe: {  	[sflag:s0] =	ssyncadd.remote.s32 $0x1  }
0xbf: {  	_ =	sfence.sel $0xFFFF  }
0xc0: {  	[dreg:$0x0] =	wrdreg $0xFFFFFFFF;
	(pc) =	sbr.abs _section_cstart, $3  }
0xc1: {  	[dreg:$0x1] =	wrdreg $0xFFFFFFFF  }
0xc2: {  	_ =	task.clear_ibuf [dreg:s7], $0x2FFFF;
	_ =	strace $0x9FFFFFFF  }
0xc3: {  	(tm) =	ssettm $0x7FFFFFFF  }
tec
execute0_lowered:
.L_overlay_start_1:
0x0: {  	(tag) =	ssettag $0x1  }
0x1: {  	s1 =	rddreg [dreg:$0x0]  }
0x2: {  	s0 =	srdreg.scid;
	s2 =	rddreg [dreg:$0x1]  }
0x3: {  	s16 =	stileid.u32;
	s3 =	rddreg [dreg:$0x2];
	s17 =	simm.s32 $0x5  }
0x4: {  	s23 =	simm.s32 $0x64;
	s28 =	simm.s32 $0x4;
	s29 =	simm.s32 $0x1  }
0x5: {  	s30 =	simm.s32 $0x2;
	s31 =	simm.s32 $0x3;
	s0 =	sand.u32 $0x1, s0  }
0x6: {  	s7 =	smul.u32 $0x4E000, s16;
	s15 =	sadd.s32 $0x138000, s3;
	s9 =	sadd.s32 $0x27000, s1  }
0x7: {  	p0 =	sne.s32 s16, $0xF;
	s4 =	sshll.u32 s0, $0x4;
	s6 =	smul.u32 $0x27100, s0  }
0x8: {  	s0 =	ssub.s32 $0x2, s0;
	s15 =	sshrl.u32 @!p0 s15, $0x3;
	s5 =	sor.u32 s16, s4  }
0x9: {  	s4 =	simm.s32 $0x0;
	s26 =	sshrl.u32 s0, $0x1;
	s7 =	sshrl.u32 s7, $0x2  }
0xa: {  	s5 =	smul.u32 $0xA00, s5;
	[smem:$0x7FF] =	sst s4;
	s0 =	ssub.s32 s0, s26  }
0xb: {  	s14 =	sadd.s32 s7, s3;
	_ =	strace $0x8000004A;
	s13 =	smax.u32 s0, $0x1  }
.Ltmp0:
0xc: {  	s14 =	sshrl.u32 s14, $0x3;
	s11 =	sadd.s32 s5, s2;
	(pc) =	sbr.rel .LBB2_1-.Ltmp0, $4  }
0xd: {  	s2 =	sadd.s32 s6, s2;
	s5 =	smul.u32 $0x2700, s16;
	s6 =	sshll.u32 s16, $0x6  }
0xe: {  	s16 =	simm.s32 $0x13880;
	s8 =	sor.u32 $0x1C04, s6;
	s10 =	sadd.s32 $0x16E00, s11  }
0xf: {  	s11 =	sadd.s32 $0x2E00, s11;
	s12 =	sadd.s32 $0x2AE00, s2;
	s2 =	simm.s32 $0x0  }
0x10: {  	s7 =	sadd.s32 s1, s5;
	s19 =	sadd.s32 $0x100, s10;
	s21 =	sadd.s32 $0x100, s11  }
.LBB2_10:
0x11: {  	_ =	swait.ge [sflag:s30], $0x3200  }
0x12: {  	[sflag:s30] =	ssyncset.done $0x0  }
0x13: {  	[sflag:s30] =	ssyncadd.s32 $0xFFFFCE00  }
0x14: {  	s0 =	sadd.s32 s5, s12;
	s18 =	sor.u32 $0x1C05, s6;
	[bflag:$0x0] =	sbarrier.arrive $0xFFFF  }
0x15: {  	[hbm:s0], [sflag:s18] =	dma.local [spmem:s14], $0x2700  }
0x16: {  	_ =	swait.ge [sflag:s17], $0x2700  }
0x17: {  	s2 =	sadd.s32 $0x1, s2;
	[sflag:s17] =	ssyncset.done $0x0  }
0x18: {  	p1 =	sne.s32 s2, s13;
	s0 =	sadd.s32 @!p0 $0x27000, s12;
	[sflag:s17] =	ssyncadd.s32 $0xFFFFD900  }
0x19: {  	[hbm:s0], [sflag:s18] =	dma.local @!p0 [spmem:s15], $0x100  }
.Ltmp1:
0x1a: {  	_ = 	snop;
	(pc) =	sbr.rel @!p1 .LBB2_11-.Ltmp1, $4  }
0x1b: {  	s0 =	simm.s32 @!p0 $0x5  }
0x1c: {  	_ =	swait.ge @!p0 [sflag:s0], $0x100  }
0x1d: {  	[sflag:s0] =	ssyncset.done @!p0 $0x0  }
0x1e: {  	[sflag:s0] =	ssyncadd.s32 @!p0 $0xFFFFFF00  }
.LBB2_1:
0x1f: {  	[spmem:s14], [sflag:s8] =	dma.local [hbm:s7], $0x2700  }
0x20: {  	[spmem:s15], [sflag:s8] =	dma.local @!p0 [hbm:s9], $0x100  }
0x21: {  	[tilespmem:s16], [sflag:$0x5] =	stream.linear.gather [hbm4b:s10+s4], $0x500, $0x38;
	[tilespmem:$0x1F480] =	vst v63  }
0x22: {  	_ =	swait.ge [sflag:s17], $0x500  }
0x23: {  	[sflag:s17] =	ssyncset.done $0x0  }
0x24: {  	s0 =	simm.s32 $0x14880;
	[sflag:s17] =	ssyncadd.s32 $0xFFFFFB00  }
0x25: {  	[tilespmem:s0], [sflag:$0x5] =	stream.linear.gather [hbm4b:s11+s4], $0x500, $0x38;
	[tilespmem:$0x1F480] =	vst v63  }
0x26: {  	_ =	swait.ge [sflag:s17], $0x500  }
0x27: {  	[sflag:s17] =	ssyncset.done $0x0  }
0x28: {  	s22 =	simm.s32 $0x14080;
	[sflag:s17] =	ssyncadd.s32 $0xFFFFFB00  }
0x29: {  	[tilespmem:s22], [sflag:$0x3] =	stream.linear.gather [hbm4b:s19+s4], $0x500, $0x38;
	[tilespmem:$0x1F480] =	vst v63  }
0x2a: {  	s24 =	simm.s32 $0x15080  }
0x2b: {  	[tilespmem:s24], [sflag:$0x3] =	stream.linear.gather [hbm4b:s21+s4], $0x500, $0x38;
	[tilespmem:$0x1F480] =	vst v63  }
0x2c: {  	s25 =	simm.s32 $0x15880  }
0x2d: {  	[tilespmem:s25], [sflag:$0x1] =	stream.indirect.gather [hbm4b:s1+s23], $0x80, s16, s23, $0xb8;
	[tilespmem:$0x1F480] =	vst v63  }
0x2e: {  	s26 =	simm.s32 $0x13900;
	s18 =	simm.s32 $0x18C80  }
0x2f: {  	[tilespmem:s18], [sflag:$0x1] =	stream.indirect.gather [hbm4b:s1+s23], $0x80, s26, s23, $0xb8;
	[tilespmem:$0x1F480] =	vst v63  }
0x30: {  	_ =	swait.ge [sflag:s28], $0x2700  }
0x31: {  	[sflag:s28] =	ssyncset.done $0x0  }
0x32: {  	s0 =	simm.s32 @!p0 $0x4;
	[sflag:s28] =	ssyncadd.s32 $0xFFFFD900  }
.Ltmp2:
0x33: {  	_ =	swait.ge @!p0 [sflag:s0], $0x100;
	(pc) =	sbr.rel .LBB2_2-.Ltmp2, $4  }
0x34: {  	[sflag:s0] =	ssyncset.done @!p0 $0x0  }
0x35: {  	[sflag:s0] =	ssyncadd.s32 @!p0 $0xFFFFFF00  }
0x36: {  	[bflag:$0x0] =	sbarrier.arrive $0xFFFF  }
0x37: {  	s0 =	simm.s32 $0x0  }
.LBB2_6:
0x38: {  	p1 =	sgt.u32 s0, $0x59  }
0x39: {  	s18 =	sand.u32 @!p1 $0xFF, s20  }
0x3a: {  	p2 =	sne.s32 @!p1 s18, $0x8  }
0x3b: {  	p1 =	por p1, p2  }
.Ltmp3:
0x3c: {  	_ = 	snop;
	(pc) =	sbr.rel @p1 .LBB2_5-.Ltmp3, $1  }
0x3d: {  	_ =	sdelay $0x3  }
0x3e: {  	_ =	swait.ge [sflag:s31], $0x500  }
0x3f: {  	[sflag:s31] =	ssyncset.done $0x0  }
0x40: {  	[sflag:s31] =	ssyncadd.s32 $0xFFFFFB00  }
0x41: {  	_ =	swait.ge [sflag:s31], $0x500  }
0x42: {  	[sflag:s31] =	ssyncset.done $0x0  }
0x43: {  	[sflag:s31] =	ssyncadd.s32 $0xFFFFFB00  }
.LBB2_8:
0x44: {  	s18 =	sadd.s32 $0x2, s0  }
0x45: {  	s20 =	sand.u32 $0xFF, s18  }
0x46: {  	s22 =	smul.u32 $0xAB, s20  }
0x47: {  	s20 =	smul.u32 $0xCD, s20  }
0x48: {  	s22 =	sshrl.u32 s22, $0x9  }
0x49: {  	s20 =	sshrl.u32 s20, $0xB;
	s22 =	smul.u32 $0x3, s22  }
0x4a: {  	s24 =	smul.u32 $0xA, s20  }
0x4b: {  	s22 =	ssub.s32 s18, s22  }
0x4c: {  	s18 =	ssub.s32 s18, s24;
	s22 =	sand.u32 $0xFF, s22  }
0x4d: {  	s20 =	sshll.u32 s20, $0xB;
	s18 =	sand.u32 $0xFF, s18;
	s22 =	smul.u32 $0xD000, s22  }
0x4e: {  	s20 =	sand.u32 $0x800, s20;
	s18 =	sshll.u32 s18, $0x7  }
0x4f: {  	s18 =	sadd.s32 s18, s20;
	s22 =	sshrl.u32 s22, $0x2  }
0x50: {  	s18 =	sadd.s32 $0x13880, s18;
	s26 =	sadd.s32 $0x15880, s22  }
0x51: {  	[tilespmem:s26], [sflag:$0x1] =	stream.indirect.gather [hbm4b:s1+s23], $0x80, s18, s23, $0xb8;
	[tilespmem:$0x1F480] =	vst v63  }
.LBB2_9:
0x52: {  	s0 =	sadd.s32 $0x1, s0  }
0x53: {  	p1 =	sne.s32 s0, $0x64  }
.Ltmp4:
0x54: {  	_ = 	snop;
	(pc) =	sbr.rel @!p1 .LBB2_10-.Ltmp4, $1  }
0x55: {  	_ =	sdelay $0x3  }
.LBB2_2:
0x56: {  	s18 =	sand.u32 $0xFF, s0  }
0x57: {  	s20 =	smul.u32 $0xAB, s18;
	_ =	sdelay $0x1  }
0x58: {  	s18 =	smul.u32 $0xCD, s18;
	s20 =	sshrl.u32 s20, $0x9  }
0x59: {  	s20 =	smul.u32 $0x3, s20  }
0x5a: {  	s18 =	sshrl.u32 s18, $0xB  }
0x5b: {  	s22 =	smul.u32 $0xA, s18;
	s24 =	ssub.s32 s0, s20  }
0x5c: {  	s26 =	sand.u32 $0xFF, s24  }
0x5d: {  	p1 =	seq.s32 s0, $0x0;
	s20 =	ssub.s32 s0, s22;
	s26 =	smul.u32 $0xD000, s26  }
.Ltmp5:
0x5e: {  	s25 =	sand.u32 $0x1, s18;
	s24 =	sand.u32 $0xFF, s20;
	(pc) =	sbr.rel @p1 .LBB2_8-.Ltmp5, $4  }
0x5f: {  	_ =	swait.ge [sflag:s29], $0x3200;
	s22 =	sshll.u32 s25, $0xB;
	s25 =	sshll.u32 s24, $0x7  }
0x60: {  	[sflag:s29] =	ssyncset.done $0x0;
	s25 =	sor.u32 s25, s22;
	s26 =	sshrl.u32 s26, $0x2  }
0x61: {  	[sflag:s29] =	ssyncadd.s32 $0xFFFFCE00;
	s25 =	sadd.s32 $0x14880, s25;
	s26 =	sadd.s32 $0x15880, s26  }
0x62: {  	[spmem:s3] =	stream.indirect.scatter.add.f32 [tilespmem:s26], [sflag:$0x2], $0x80, s25, s23, $0xb8;
	[tilespmem:$0x1F480] =	vst v63  }
0x63: {  	p1 =	sne.s32 s24, $0x2;
	s24 =	sadd.s32 $0xFFFFFFFF, s18  }
0x64: {  	p2 =	sgt.u32 @!p1 s24, $0x7  }
0x65: {  	p1 =	por p1, p2  }
.Ltmp6:
0x66: {  	_ = 	snop;
	(pc) =	sbr.rel @p1 .LBB2_6-.Ltmp6, $4  }
0x67: {  	_ = 	snop  }
0x68: {  	_ =	swait.ge [sflag:s30], $0x3200  }
0x69: {  	[sflag:s30] =	ssyncset.done $0x0  }
0x6a: {  	[sflag:s30] =	ssyncadd.s32 $0xFFFFCE00  }
0x6b: {  	s18 =	sshll.u32 s18, $0x8  }
0x6c: {  	s18 =	sadd.s32 $0x100, s18  }
0x6d: {  	s20 =	ssub.s32 $0x14080, s22;
	s24 =	sadd.s32 s10, s18  }
0x6e: {  	[tilespmem:s20], [sflag:$0x3] =	stream.linear.gather [hbm4b:s24+s4], $0x500, $0x38;
	[tilespmem:$0x1F480] =	vst v63  }
0x6f: {  	s26 =	ssub.s32 $0x15080, s22;
	s18 =	sadd.s32 s11, s18  }
0x70: {  	[tilespmem:s26], [sflag:$0x3] =	stream.linear.gather [hbm4b:s18+s4], $0x500, $0x38;
	[tilespmem:$0x1F480] =	vst v63  }
.LBB2_5:
0x71: {  	p1 =	sgt.u32 s0, $0x61  }
.Ltmp7:
0x72: {  	_ = 	snop;
	(pc) =	sbr.rel @p1 .LBB2_9-.Ltmp7, $4  }
.Ltmp8:
0x73: {  	_ = 	snop;
	(pc) =	sbr.rel @!p1 .LBB2_8-.Ltmp8, $4  }
0x74: {  	_ = 	snop  }
0x75: {  	_ = 	snop  }
0x76: {  	_ = 	snop  }
0x77: {  	_ = 	snop  }
.LBB2_11:
0x78: {  	_ =	sfence.sel $0x180000  }
0x79: {  	[bflag:$0x0] =	sbarrier.arrive $0xFFFF  }
0x7a: {  	_ =	strace $0x9000004A  }
0x7b: {  	s0 =	stileid.u32;
	[bflag:$0x2] =	sbarrier.arrive $0xFFFF  }
0x7c: {  	p0 =	sne.s32 s0, $0x0;
	s0 =	rddreg [dreg:$0x3]  }
0x7d: {  	s0 =	sadd.s32 @!p0 $0x100000, s0  }
0x7e: {  	[sflag:s0] =	ssyncadd.tile.s32 @!p0 $0x1;
	_ =	shalt  }
.Lfunc_end2:
_tile_overlayer_lowered:
.L_overlay_start_2:
0x7f: {  	(tag) =	ssettag $0x2  }
0x80: {  	s0 =	rddreg [dreg:$0x0];
	s2 =	stileid.u32  }
0x81: {  	s1 =	rddreg [dreg:$0x1];
	p0 =	sne.s32 s2, $0x0  }
0x82: {  	s3 =	rddreg [dreg:$0x2];
	[bflag:$0x3] =	sbarrier.arrive $0xFFFF;
	s2 =	simm.s32 @!p0 $0x1C05  }
0x83: {  	[timem:s3], [sflag:s2] =	dma.local @!p0 [hbm:s0], s1  }
0x84: {  	s0 =	simm.s32 @!p0 $0x5  }
0x85: {  	_ =	swait.ge @!p0 [sflag:s0], s1  }
0x86: {  	s1 =	ssub.s32 @!p0 $0x0, s1;
	[sflag:s0] =	ssyncset.done @!p0 $0x0  }
0x87: {  	[sflag:s0] =	ssyncadd.s32 @!p0 s1  }
0x88: {  	[bflag:$0x3] =	sbarrier.arrive $0xFFFF  }
0x89: {  	_ =	shalt  }

// kernel: kernel.14.cloned.1.call-start
scs
__scs_entry_jumppad:
0x0: {  	(pc) =	sbr.rel $0x88, $3  }
0x1: {  	(tag) =	ssettag $0x0;
	lr =	simm.s32 $0x1  }
0x2: {  	[smem:$0x3F9B] =	sst lr;
	_ =	strace $0xD0000000  }
0x3: {  	_ = 	snop  }
0x4: {  	_ = 	snop  }
0x5: {  	_ = 	snop  }
0x6: {  	_ = 	snop  }
0x7: {  	_ = 	snop  }
__scs_overlays_trampoline_lowered:
0x8: {  	[smem:$0x3FAA] =	sst s0  }
0x9: {  	[smem:$0x3FAB] =	sst s1  }
0xa: {  	[smem:$0x3FAC] =	sst s2  }
0xb: {  	[smem:$0x3FAD] =	sst s3  }
0xc: {  	[smem:$0x3FAE] =	sst s4  }
0xd: {  	[smem:$0x3FAF] =	sst s5  }
0xe: {  	[smem:$0x3FB0] =	sst s6  }
0xf: {  	[smem:$0x3FB1] =	sst s7  }
0x10: {  	[smem:$0x3FB2] =	sst s8  }
0x11: {  	[smem:$0x3FB3] =	sst s9;
	s0 =	simm.s32 @!p0 $0x0  }
0x12: {  	s1 =	sld [smem:$0x3F99];
	s0 =	simm.s32 @p0 $0x1  }
0x13: {  	[smem:$0x3FB4] =	sst s0;
	s0 =	simm.s32 @!p1 $0x0  }
0x14: {  	s2 =	sld [smem:$0x3F98];
	s0 =	simm.s32 @p1 $0x1  }
0x15: {  	[smem:$0x3FB5] =	sst s0;
	s0 =	simm.s32 @!p2 $0x0  }
0x16: {  	s3 =	sld [smem:$0x3FDB];
	s0 =	simm.s32 @p2 $0x1  }
0x17: {  	s4 =	simm.s32 $0x1BF5;
	[smem:$0x3FB7] =	sst s0  }
0x18: {  	s0 =	sld [smem:$0x3F9A];
	_ =	swait.ge [sflag:s4], $0x0  }
0x19: {  	s7 =	sld [smem:$0x3F9B]  }
0x1a: {  	s8 =	sadd.s32 $0xFFFFE003, lr  }
0x1b: {  	s9 =	sadd.s32 $0xFFFFFEF7, lr;
	s5 =	simm.s32 $0xFFFFFFFF;
	p2 =	slt.u32 s8, $0xFFFFF086  }
0x1c: {  	p1 =	slt.u32 s9, $0xF7A;
	s5 =	simm.s32 @!p2 $0x0  }
0x1d: {  	s5 =	simm.s32 @p1 $0x1;
	p0 =	seq.s32 s7, s2  }
0x1e: {  	s7 =	smul.u32 @!p0 $0xF7A, s2;
	p2 =	seq.s32 @!p0 s5, $0x0  }
0x1f: {  	s9 =	smul.u32 $0xF7A, s1;
	s8 =	simm.s32 @!p0 $0x1BF5;
	p2 =	por !p2, p0  }
0x20: {  	[sflag:s8] =	ssyncset.s32 @!p0 $0xFFFFF086;
	s6 =	sadd.s32 @!p0 s3, s7;
	s7 =	simm.s32 @!p0 $0x108  }
0x21: {  	s3 =	sadd.s32 s3, s9;
	s6 =	sadd.s32 @!p0 $0x88, s6;
	s7 =	simm.s32 @p2 $0x1082  }
0x22: {  	[simem:s7], [sflag:s8] =	dma.local @!p0 [hbm:s6], $0xF7A  }
0x23: {  	s9 =	sor.u32 $0xD0000000, s2;
	s6 =	simm.s32 $0x108;
	_ =	swait.ge @!p0 [sflag:s8], $0x0  }
0x24: {  	s3 =	sadd.s32 $0x88, s3;
	s6 =	simm.s32 @!p1 $0x1082;
	[sflag:s4] =	ssyncset.s32 $0xFFFFF086  }
0x25: {  	[simem:s6], [sflag:s4] =	dma.local [hbm:s3], $0xF7A  }
0x26: {  	[smem:$0x3F9B] =	sst s1;
	(tag) =	ssettag s2;
	_ =	strace s9  }
0x27: {  	s1 =	sld [smem:$0x3FAB]  }
0x28: {  	s2 =	sld [smem:$0x3FAC]  }
0x29: {  	s4 =	sld [smem:$0x3FAE]  }
0x2a: {  	p0 =	seq.s32 s5, $0x0;
	s5 =	sld [smem:$0x3FAF]  }
0x2b: {  	s6 =	sld [smem:$0x3FB0]  }
0x2c: {  	s7 =	sld [smem:$0x3FB1]  }
0x2d: {  	s3 =	simm.s32 $0x108;
	s8 =	sld [smem:$0x3FB2]  }
0x2e: {  	s3 =	simm.s32 @!p0 $0x1082;
	s9 =	sld [smem:$0x3FB3]  }
0x2f: {  	lr =	sadd.s32 s0, s3;
	s0 =	sld [smem:$0x3FAA]  }
0x30: {  	s3 =	sld [smem:$0x3FAD]  }
0x31: {  	[smem:$0x3FB6] =	sst s10  }
0x32: {  	s10 =	sld [smem:$0x3FB4];
	_ =	sdelay $0x3  }
0x33: {  	p0 =	seq.s32 s10, $0x1;
	s10 =	sld [smem:$0x3FB6];
	_ =	sdelay $0x3  }
0x34: {  	[smem:$0x3FB6] =	sst s10  }
0x35: {  	s10 =	sld [smem:$0x3FB5];
	_ =	sdelay $0x3  }
0x36: {  	p1 =	seq.s32 s10, $0x1;
	s10 =	sld [smem:$0x3FB6];
	_ =	sdelay $0x3  }
0x37: {  	[smem:$0x3FB6] =	sst s10  }
0x38: {  	s10 =	sld [smem:$0x3FB7]  }
0x39: {  	_ = 	snop;
	(pc) =	sbr.ind lr, $3  }
0x3a: {  	_ = 	snop  }
0x3b: {  	_ = 	snop  }
0x3c: {  	p2 =	seq.s32 s10, $0x1;
	s10 =	sld [smem:$0x3FB6]  }
0x3d: {  	_ =	shalt  }
0x3e: {  	_ =	shalt  }
0x3f: {  	_ =	shalt  }
0x40: {  	_ =	shalt  }
0x41: {  	_ =	shalt  }
0x42: {  	_ =	shalt  }
0x43: {  	_ =	shalt  }
0x44: {  	_ =	shalt  }
0x45: {  	_ =	shalt  }
0x46: {  	_ =	shalt  }
0x47: {  	_ =	shalt  }
0x48: {  	_ =	shalt  }
0x49: {  	_ =	shalt  }
0x4a: {  	_ =	shalt  }
0x4b: {  	_ =	shalt  }
0x4c: {  	_ =	shalt  }
0x4d: {  	_ =	shalt  }
0x4e: {  	_ =	shalt  }
0x4f: {  	_ =	shalt  }
0x50: {  	_ =	shalt  }
0x51: {  	_ =	shalt  }
0x52: {  	_ =	shalt  }
0x53: {  	_ =	shalt  }
0x54: {  	_ =	shalt  }
0x55: {  	_ =	shalt  }
0x56: {  	_ =	shalt  }
0x57: {  	_ =	shalt  }
0x58: {  	_ =	shalt  }
0x59: {  	_ =	shalt  }
0x5a: {  	_ =	shalt  }
0x5b: {  	_ =	shalt  }
0x5c: {  	_ =	shalt  }
0x5d: {  	_ =	shalt  }
0x5e: {  	_ =	shalt  }
0x5f: {  	_ =	shalt  }
0x60: {  	_ =	shalt  }
0x61: {  	_ =	shalt  }
0x62: {  	_ =	shalt  }
0x63: {  	_ =	shalt  }
0x64: {  	_ =	shalt  }
0x65: {  	_ =	shalt  }
0x66: {  	_ =	shalt  }
0x67: {  	_ =	shalt  }
0x68: {  	_ =	shalt  }
0x69: {  	_ =	shalt  }
0x6a: {  	_ =	shalt  }
0x6b: {  	_ =	shalt  }
0x6c: {  	_ =	shalt  }
0x6d: {  	_ =	shalt  }
0x6e: {  	_ =	shalt  }
0x6f: {  	_ =	shalt  }
0x70: {  	_ =	shalt  }
0x71: {  	_ =	shalt  }
0x72: {  	_ =	shalt  }
0x73: {  	_ =	shalt  }
0x74: {  	_ =	shalt  }
0x75: {  	_ =	shalt  }
0x76: {  	_ =	shalt  }
0x77: {  	_ =	shalt  }
0x78: {  	_ =	shalt  }
0x79: {  	_ =	shalt  }
0x7a: {  	_ =	shalt  }
0x7b: {  	_ =	shalt  }
0x7c: {  	_ =	shalt  }
0x7d: {  	_ =	shalt  }
0x7e: {  	_ =	shalt  }
0x7f: {  	_ =	shalt  }
0x80: {  	_ =	shalt  }
0x81: {  	_ =	shalt  }
0x82: {  	_ =	shalt  }
0x83: {  	_ =	shalt  }
0x84: {  	_ =	shalt  }
0x85: {  	_ =	shalt  }
0x86: {  	_ =	shalt  }
0x87: {  	_ =	shalt  }
.Lfunc_end0:
.L_simem_size_0:
called_computation.2_lowered:
.L_overlay_start_0:
0x88: {  	s2 =	sld [smem:$0x3FD9]  }
0x89: {  	s3 =	sld [smem:$0x3FFE];
	_ =	sdelay $0x1  }
0x8a: {  	s1 =	srdreg.scid  }
0x8b: {  	s0 =	sand.u32 $0x1, s1  }
0x8c: {  	s16 =	sshll.u32 s0, $0xA;
	s2 =	sadd.s32 s3, s2  }
0x8d: {  	s2 =	sadd.s32 s2, s16  }
0x8e: {  	[smem:$0x3FC2] =	sst s2  }
0x8f: {  	_ = 	snop  }
0x90: {  	(tm) =	ssettm $0x1  }
0x91: {  	s17 =	sld [smem:$0x3FFB];
	_ =	sdelay $0x3  }
0x92: {  	_ =	strace s17  }
0x93: {  	s2 =	sld [smem:$0x3FFC];
	_ =	sdelay $0x3  }
0x94: {  	_ =	strace s2  }
0x95: {  	s2 =	sld [smem:$0x3FFD];
	_ =	sdelay $0x3  }
0x96: {  	_ =	strace s2  }
0x97: {  	_ =	strace $0x8FFFFFFF  }
0x98: {  	s18 =	sld [smem:$0x3FDB];
	_ =	sdelay $0x1  }
0x99: {  	s19 =	simm.s32 $_scs_section_size  }
0x9a: {  	s4 =	simm.s32 $_size__tile_overlayer_lowered;
	s5 =	simm.s32 $_tile_overlayer_lowered  }
0x9b: {  	s22 =	simm.s32 $0x1BFF;
	s21 =	sshll.u32 s5, $0x1;
	s2 =	sadd.s32 s19, s18  }
0x9c: {  	s6 =	simm.s32 $0x0;
	s20 =	sshll.u32 s4, $0x1;
	s4 =	sadd.s32 s21, s2  }
0x9d: {  	[timem:s6], [sflag:s22] =	dma.local [hbm:s4], s20  }
0x9e: {  	_ =	swait.ge [sflag:s22], s20  }
0x9f: {  	s3 =	ssub.s32 $0x0, s20;
	[sflag:s22] =	ssyncset.done $0x0  }
0xa0: {  	[sflag:s22] =	ssyncadd.s32 s3;
	_ =	sdelay $0x1  }
0xa1: {  	s23 =	simm.s32 $0x1B8B  }
0xa2: {  	_ =	swait.ge [sflag:s23], $0x1  }
0xa3: {  	[sflag:s23] =	ssyncset.done $0x0  }
0xa4: {  	s25 =	simm.s32 $0x1B8E;
	s24 =	sld [smem:$0x3FFE];
	[sflag:s23] =	ssyncadd.s32 $0xFFFFFFFF  }
0xa5: {  	s26 =	simm.s32 $execute0_lowered;
	[smem:$0x3FD2] =	sst s25  }
0xa6: {  	s4 =	sshll.u32 s26, $0x1;
	_ =	strace $0x8000004C;
	[dreg:$0x1] =	wrdreg $0xFFFFFFFF  }
0xa7: {  	s28 =	simm.s32 $_size_execute0_lowered;
	s2 =	sadd.s32 s2, s4;
	[dreg:$0x0] =	wrdreg $0x0  }
0xa8: {  	s4 =	sshll.u32 s28, $0x1;
	[dreg:$0x2] =	wrdreg s2  }
0xa9: {  	[dreg:$0x3] =	wrdreg s4  }
0xaa: {  	[dreg:$0x4] =	wrdreg $0xC0  }
0xab: {  	_ =	task [dreg:s6], $0x5FFFF  }
0xac: {  	[dreg:$0x1] =	wrdreg $0xFFFFFFFF  }
0xad: {  	[dreg:$0x0] =	wrdreg $0x60  }
0xae: {  	[dreg:$0x2] =	wrdreg s24  }
0xaf: {  	[dreg:$0x3] =	wrdreg $0x0  }
0xb0: {  	[dreg:$0x4] =	wrdreg $0x9  }
0xb1: {  	_ =	task.clear_ibuf [dreg:s6], $0x5FFFF;
	_ =	strace $0x9000004C  }
0xb2: {  	s29 =	simm.s32 $0x9;
	_ =	strace $0x8000004E  }
0xb3: {  	_ =	swait.ge [sflag:s29], $0x1  }
0xb4: {  	[sflag:s29] =	ssyncadd.s32 $0xFFFFFFFF  }
0xb5: {  	_ =	strace $0x9000004E  }
0xb6: {  	_ =	sfence  }
0xb7: {  	s30 =	sld [smem:$0x0];
	_ =	sdelay $0x2  }
0xb8: {  	s31 =	sshll.u32 s1, $0xD;
	s1 =	sshrl.u32 s1, $0x2  }
0xb9: {  	s3 =	sand.u32 $0x4000, s31;
	s1 =	sadd.s32 s1, s30  }
0xba: {  	s0 =	sor.u32 s3, s0;
	s1 =	sshll.u32 s1, $0x11  }
0xbb: {  	s0 =	sor.u32 s1, s0  }
0xbc: {  	s0 =	sadd.s32 $0x8F2B, s0  }
0xbd: {  	[sflag:s0] =	ssyncadd.remote.s32 $0x1  }
0xbe: {  	_ =	sfence.sel $0xFFFF  }
0xbf: {  	[dreg:$0x0] =	wrdreg $0xFFFFFFFF;
	(pc) =	sbr.abs _section_cstart, $3  }
0xc0: {  	[dreg:$0x1] =	wrdreg $0xFFFFFFFF  }
0xc1: {  	_ =	task.clear_ibuf [dreg:s6], $0x2FFFF;
	_ =	strace $0x9FFFFFFF  }
0xc2: {  	(tm) =	ssettm $0x7FFFFFFF  }
0xc3: {  	_ =	shalt  }
tec
execute0_lowered:
.L_overlay_start_1:
0x0: {  	(tag) =	ssettag $0x1  }
0x1: {  	s0 =	srdreg.scid  }
0x2: {  	s1 =	rddreg [dreg:$0x0];
	s16 =	stileid.u32  }
0x3: {  	s2 =	rddreg [dreg:$0x1];
	s17 =	simm.s32 $0x5;
	s23 =	simm.s32 $0x64  }
0x4: {  	s28 =	simm.s32 $0x4;
	s29 =	simm.s32 $0x1;
	s30 =	simm.s32 $0x2  }
0x5: {  	s31 =	simm.s32 $0x3;
	s0 =	sand.u32 $0x1, s0;
	s7 =	smul.u32 $0x4E000, s16  }
0x6: {  	s15 =	sadd.s32 $0x138000, s2;
	s9 =	sadd.s32 $0x51E00, s1;
	p0 =	sne.s32 s16, $0xF  }
0x7: {  	s3 =	sshll.u32 s0, $0x4;
	s6 =	smul.u32 $0x27100, s0;
	s0 =	ssub.s32 $0x2, s0  }
0x8: {  	s15 =	sshrl.u32 @!p0 s15, $0x3;
	s4 =	sor.u32 s16, s3;
	s3 =	simm.s32 $0x0  }
0x9: {  	s26 =	sshrl.u32 s0, $0x1;
	s7 =	sshrl.u32 s7, $0x2;
	s5 =	smul.u32 $0xA00, s4  }
0xa: {  	[smem:$0x7FF] =	sst s3;
	s4 =	sadd.s32 $0x2AE00, s1;
	s12 =	sadd.s32 s6, s1  }
0xb: {  	s0 =	ssub.s32 s0, s26;
	s14 =	sadd.s32 s7, s2;
	s6 =	sshll.u32 s16, $0x6  }
.Ltmp0:
0xc: {  	_ =	strace $0x8000004D;
	s8 =	sor.u32 $0x1C04, s6;
	(pc) =	sbr.rel .LBB2_1-.Ltmp0, $4  }
0xd: {  	s12 =	sadd.s32 $0x52000, s12;
	s13 =	smax.u32 s0, $0x1;
	s14 =	sshrl.u32 s14, $0x3  }
0xe: {  	s11 =	sadd.s32 s5, s1;
	s5 =	smul.u32 $0x2700, s16;
	s16 =	simm.s32 $0x13880  }
0xf: {  	s1 =	simm.s32 $0x0;
	s10 =	sadd.s32 $0x16E00, s11;
	s11 =	sadd.s32 $0x2E00, s11  }
0x10: {  	s7 =	sadd.s32 s4, s5;
	s19 =	sadd.s32 $0x100, s10;
	s21 =	sadd.s32 $0x100, s11  }
.LBB2_10:
0x11: {  	_ =	swait.ge [sflag:s30], $0x3200  }
0x12: {  	[sflag:s30] =	ssyncset.done $0x0  }
0x13: {  	[sflag:s30] =	ssyncadd.s32 $0xFFFFCE00  }
0x14: {  	s0 =	sadd.s32 s5, s12;
	s18 =	sor.u32 $0x1C05, s6;
	[bflag:$0x0] =	sbarrier.arrive $0xFFFF  }
0x15: {  	[hbm:s0], [sflag:s18] =	dma.local [spmem:s14], $0x2700  }
0x16: {  	_ =	swait.ge [sflag:s17], $0x2700  }
0x17: {  	s1 =	sadd.s32 $0x1, s1;
	[sflag:s17] =	ssyncset.done $0x0  }
0x18: {  	p1 =	sne.s32 s1, s13;
	s0 =	sadd.s32 @!p0 $0x27000, s12;
	[sflag:s17] =	ssyncadd.s32 $0xFFFFD900  }
0x19: {  	[hbm:s0], [sflag:s18] =	dma.local @!p0 [spmem:s15], $0x100  }
.Ltmp1:
0x1a: {  	_ = 	snop;
	(pc) =	sbr.rel @!p1 .LBB2_11-.Ltmp1, $4  }
0x1b: {  	s0 =	simm.s32 @!p0 $0x5  }
0x1c: {  	_ =	swait.ge @!p0 [sflag:s0], $0x100  }
0x1d: {  	[sflag:s0] =	ssyncset.done @!p0 $0x0  }
0x1e: {  	[sflag:s0] =	ssyncadd.s32 @!p0 $0xFFFFFF00  }
.LBB2_1:
0x1f: {  	[spmem:s14], [sflag:s8] =	dma.local [hbm:s7], $0x2700  }
0x20: {  	[spmem:s15], [sflag:s8] =	dma.local @!p0 [hbm:s9], $0x100  }
0x21: {  	[tilespmem:s16], [sflag:$0x5] =	stream.linear.gather [hbm4b:s10+s3], $0x500, $0x38;
	[tilespmem:$0x1F480] =	vst v63  }
0x22: {  	_ =	swait.ge [sflag:s17], $0x500  }
0x23: {  	[sflag:s17] =	ssyncset.done $0x0  }
0x24: {  	s0 =	simm.s32 $0x14880;
	[sflag:s17] =	ssyncadd.s32 $0xFFFFFB00  }
0x25: {  	[tilespmem:s0], [sflag:$0x5] =	stream.linear.gather [hbm4b:s11+s3], $0x500, $0x38;
	[tilespmem:$0x1F480] =	vst v63  }
0x26: {  	_ =	swait.ge [sflag:s17], $0x500  }
0x27: {  	[sflag:s17] =	ssyncset.done $0x0  }
0x28: {  	s22 =	simm.s32 $0x14080;
	[sflag:s17] =	ssyncadd.s32 $0xFFFFFB00  }
0x29: {  	[tilespmem:s22], [sflag:$0x3] =	stream.linear.gather [hbm4b:s19+s3], $0x500, $0x38;
	[tilespmem:$0x1F480] =	vst v63  }
0x2a: {  	s24 =	simm.s32 $0x15080  }
0x2b: {  	[tilespmem:s24], [sflag:$0x3] =	stream.linear.gather [hbm4b:s21+s3], $0x500, $0x38;
	[tilespmem:$0x1F480] =	vst v63  }
0x2c: {  	s25 =	simm.s32 $0x15880  }
0x2d: {  	[tilespmem:s25], [sflag:$0x1] =	stream.indirect.gather [hbm4b:s4+s23], $0x80, s16, s23, $0xb8;
	[tilespmem:$0x1F480] =	vst v63  }
0x2e: {  	s26 =	simm.s32 $0x13900;
	s18 =	simm.s32 $0x18C80  }
0x2f: {  	[tilespmem:s18], [sflag:$0x1] =	stream.indirect.gather [hbm4b:s4+s23], $0x80, s26, s23, $0xb8;
	[tilespmem:$0x1F480] =	vst v63  }
0x30: {  	_ =	swait.ge [sflag:s28], $0x2700  }
0x31: {  	[sflag:s28] =	ssyncset.done $0x0  }
0x32: {  	s0 =	simm.s32 @!p0 $0x4;
	[sflag:s28] =	ssyncadd.s32 $0xFFFFD900  }
.Ltmp2:
0x33: {  	_ =	swait.ge @!p0 [sflag:s0], $0x100;
	(pc) =	sbr.rel .LBB2_2-.Ltmp2, $4  }
0x34: {  	[sflag:s0] =	ssyncset.done @!p0 $0x0  }
0x35: {  	[sflag:s0] =	ssyncadd.s32 @!p0 $0xFFFFFF00  }
0x36: {  	[bflag:$0x0] =	sbarrier.arrive $0xFFFF  }
0x37: {  	s0 =	simm.s32 $0x0  }
.LBB2_6:
0x38: {  	p1 =	sgt.u32 s0, $0x59  }
0x39: {  	s18 =	sand.u32 @!p1 $0xFF, s20  }
0x3a: {  	p2 =	sne.s32 @!p1 s18, $0x8  }
0x3b: {  	p1 =	por p1, p2  }
.Ltmp3:
0x3c: {  	_ = 	snop;
	(pc) =	sbr.rel @p1 .LBB2_5-.Ltmp3, $1  }
0x3d: {  	_ =	sdelay $0x3  }
0x3e: {  	_ =	swait.ge [sflag:s31], $0x500  }
0x3f: {  	[sflag:s31] =	ssyncset.done $0x0  }
0x40: {  	[sflag:s31] =	ssyncadd.s32 $0xFFFFFB00  }
0x41: {  	_ =	swait.ge [sflag:s31], $0x500  }
0x42: {  	[sflag:s31] =	ssyncset.done $0x0  }
0x43: {  	[sflag:s31] =	ssyncadd.s32 $0xFFFFFB00  }
.LBB2_8:
0x44: {  	s18 =	sadd.s32 $0x2, s0  }
0x45: {  	s20 =	sand.u32 $0xFF, s18  }
0x46: {  	s22 =	smul.u32 $0xAB, s20  }
0x47: {  	s20 =	smul.u32 $0xCD, s20  }
0x48: {  	s22 =	sshrl.u32 s22, $0x9  }
0x49: {  	s20 =	sshrl.u32 s20, $0xB;
	s22 =	smul.u32 $0x3, s22  }
0x4a: {  	s24 =	smul.u32 $0xA, s20  }
0x4b: {  	s22 =	ssub.s32 s18, s22  }
0x4c: {  	s18 =	ssub.s32 s18, s24;
	s22 =	sand.u32 $0xFF, s22  }
0x4d: {  	s20 =	sshll.u32 s20, $0xB;
	s18 =	sand.u32 $0xFF, s18;
	s22 =	smul.u32 $0xD000, s22  }
0x4e: {  	s20 =	sand.u32 $0x800, s20;
	s18 =	sshll.u32 s18, $0x7  }
0x4f: {  	s18 =	sadd.s32 s18, s20;
	s22 =	sshrl.u32 s22, $0x2  }
0x50: {  	s18 =	sadd.s32 $0x13880, s18;
	s26 =	sadd.s32 $0x15880, s22  }
0x51: {  	[tilespmem:s26], [sflag:$0x1] =	stream.indirect.gather [hbm4b:s4+s23], $0x80, s18, s23, $0xb8;
	[tilespmem:$0x1F480] =	vst v63  }
.LBB2_9:
0x52: {  	s0 =	sadd.s32 $0x1, s0  }
0x53: {  	p1 =	sne.s32 s0, $0x64  }
.Ltmp4:
0x54: {  	_ = 	snop;
	(pc) =	sbr.rel @!p1 .LBB2_10-.Ltmp4, $1  }
0x55: {  	_ =	sdelay $0x3  }
.LBB2_2:
0x56: {  	s18 =	sand.u32 $0xFF, s0  }
0x57: {  	s20 =	smul.u32 $0xAB, s18;
	_ =	sdelay $0x1  }
0x58: {  	s18 =	smul.u32 $0xCD, s18;
	s20 =	sshrl.u32 s20, $0x9  }
0x59: {  	s20 =	smul.u32 $0x3, s20  }
0x5a: {  	s18 =	sshrl.u32 s18, $0xB  }
0x5b: {  	s22 =	smul.u32 $0xA, s18;
	s24 =	ssub.s32 s0, s20  }
0x5c: {  	s26 =	sand.u32 $0xFF, s24  }
0x5d: {  	p1 =	seq.s32 s0, $0x0;
	s20 =	ssub.s32 s0, s22;
	s26 =	smul.u32 $0xD000, s26  }
.Ltmp5:
0x5e: {  	s25 =	sand.u32 $0x1, s18;
	s24 =	sand.u32 $0xFF, s20;
	(pc) =	sbr.rel @p1 .LBB2_8-.Ltmp5, $4  }
0x5f: {  	_ =	swait.ge [sflag:s29], $0x3200;
	s22 =	sshll.u32 s25, $0xB;
	s25 =	sshll.u32 s24, $0x7  }
0x60: {  	[sflag:s29] =	ssyncset.done $0x0;
	s25 =	sor.u32 s25, s22;
	s26 =	sshrl.u32 s26, $0x2  }
0x61: {  	[sflag:s29] =	ssyncadd.s32 $0xFFFFCE00;
	s25 =	sadd.s32 $0x14880, s25;
	s26 =	sadd.s32 $0x15880, s26  }
0x62: {  	[spmem:s2] =	stream.indirect.scatter.add.f32 [tilespmem:s26], [sflag:$0x2], $0x80, s25, s23, $0xb8;
	[tilespmem:$0x1F480] =	vst v63  }
0x63: {  	p1 =	sne.s32 s24, $0x2;
	s24 =	sadd.s32 $0xFFFFFFFF, s18  }
0x64: {  	p2 =	sgt.u32 @!p1 s24, $0x7  }
0x65: {  	p1 =	por p1, p2  }
.Ltmp6:
0x66: {  	_ = 	snop;
	(pc) =	sbr.rel @p1 .LBB2_6-.Ltmp6, $4  }
0x67: {  	_ = 	snop  }
0x68: {  	_ =	swait.ge [sflag:s30], $0x3200  }
0x69: {  	[sflag:s30] =	ssyncset.done $0x0  }
0x6a: {  	[sflag:s30] =	ssyncadd.s32 $0xFFFFCE00  }
0x6b: {  	s18 =	sshll.u32 s18, $0x8  }
0x6c: {  	s18 =	sadd.s32 $0x100, s18  }
0x6d: {  	s20 =	ssub.s32 $0x14080, s22;
	s24 =	sadd.s32 s10, s18  }
0x6e: {  	[tilespmem:s20], [sflag:$0x3] =	stream.linear.gather [hbm4b:s24+s3], $0x500, $0x38;
	[tilespmem:$0x1F480] =	vst v63  }
0x6f: {  	s26 =	ssub.s32 $0x15080, s22;
	s18 =	sadd.s32 s11, s18  }
0x70: {  	[tilespmem:s26], [sflag:$0x3] =	stream.linear.gather [hbm4b:s18+s3], $0x500, $0x38;
	[tilespmem:$0x1F480] =	vst v63  }
.LBB2_5:
0x71: {  	p1 =	sgt.u32 s0, $0x61  }
.Ltmp7:
0x72: {  	_ = 	snop;
	(pc) =	sbr.rel @p1 .LBB2_9-.Ltmp7, $4  }
.Ltmp8:
0x73: {  	_ = 	snop;
	(pc) =	sbr.rel @!p1 .LBB2_8-.Ltmp8, $4  }
0x74: {  	_ = 	snop  }
0x75: {  	_ = 	snop  }
0x76: {  	_ = 	snop  }
0x77: {  	_ = 	snop  }
.LBB2_11:
0x78: {  	_ =	sfence.sel $0x180000  }
0x79: {  	[bflag:$0x0] =	sbarrier.arrive $0xFFFF  }
0x7a: {  	_ =	strace $0x9000004D  }
0x7b: {  	s0 =	stileid.u32;
	[bflag:$0x2] =	sbarrier.arrive $0xFFFF  }
0x7c: {  	p0 =	sne.s32 s0, $0x0;
	s0 =	rddreg [dreg:$0x2]  }
0x7d: {  	s0 =	sadd.s32 @!p0 $0x100000, s0  }
0x7e: {  	[sflag:s0] =	ssyncadd.tile.s32 @!p0 $0x1;
	_ =	shalt  }
.Lfunc_end2:
_tile_overlayer_lowered:
.L_overlay_start_2:
0x7f: {  	(tag) =	ssettag $0x2  }
0x80: {  	s0 =	rddreg [dreg:$0x0];
	s2 =	stileid.u32  }
0x81: {  	s1 =	rddreg [dreg:$0x1];
	p0 =	sne.s32 s2, $0x0  }
0x82: {  	s3 =	rddreg [dreg:$0x2];
	[bflag:$0x3] =	sbarrier.arrive $0xFFFF;
	s2 =	simm.s32 @!p0 $0x1C05  }
0x83: {  	[timem:s3], [sflag:s2] =	dma.local @!p0 [hbm:s0], s1  }
0x84: {  	s0 =	simm.s32 @!p0 $0x5  }
0x85: {  	_ =	swait.ge @!p0 [sflag:s0], s1  }
0x86: {  	s1 =	ssub.s32 @!p0 $0x0, s1;
	[sflag:s0] =	ssyncset.done @!p0 $0x0  }
0x87: {  	[sflag:s0] =	ssyncadd.s32 @!p0 s1  }
0x88: {  	[bflag:$0x3] =	sbarrier.arrive $0xFFFF  }
0x89: {  	_ =	shalt  }

// kernel: kernel.8.cloned.1.call-start
scs
__scs_entry_jumppad:
0x0: {  	(pc) =	sbr.rel $0x88, $3  }
0x1: {  	(tag) =	ssettag $0x0;
	lr =	simm.s32 $0x1  }
0x2: {  	[smem:$0x3F9B] =	sst lr;
	_ =	strace $0xD0000000  }
0x3: {  	_ = 	snop  }
0x4: {  	_ = 	snop  }
0x5: {  	_ = 	snop  }
0x6: {  	_ = 	snop  }
0x7: {  	_ = 	snop  }
__scs_overlays_trampoline_lowered:
0x8: {  	[smem:$0x3FAA] =	sst s0  }
0x9: {  	[smem:$0x3FAB] =	sst s1  }
0xa: {  	[smem:$0x3FAC] =	sst s2  }
0xb: {  	[smem:$0x3FAD] =	sst s3  }
0xc: {  	[smem:$0x3FAE] =	sst s4  }
0xd: {  	[smem:$0x3FAF] =	sst s5  }
0xe: {  	[smem:$0x3FB0] =	sst s6  }
0xf: {  	[smem:$0x3FB1] =	sst s7  }
0x10: {  	[smem:$0x3FB2] =	sst s8  }
0x11: {  	[smem:$0x3FB3] =	sst s9;
	s0 =	simm.s32 @!p0 $0x0  }
0x12: {  	s1 =	sld [smem:$0x3F99];
	s0 =	simm.s32 @p0 $0x1  }
0x13: {  	[smem:$0x3FB4] =	sst s0;
	s0 =	simm.s32 @!p1 $0x0  }
0x14: {  	s2 =	sld [smem:$0x3F98];
	s0 =	simm.s32 @p1 $0x1  }
0x15: {  	[smem:$0x3FB5] =	sst s0;
	s0 =	simm.s32 @!p2 $0x0  }
0x16: {  	s3 =	sld [smem:$0x3FDB];
	s0 =	simm.s32 @p2 $0x1  }
0x17: {  	s4 =	simm.s32 $0x1BF5;
	[smem:$0x3FB7] =	sst s0  }
0x18: {  	s0 =	sld [smem:$0x3F9A];
	_ =	swait.ge [sflag:s4], $0x0  }
0x19: {  	s7 =	sld [smem:$0x3F9B]  }
0x1a: {  	s8 =	sadd.s32 $0xFFFFE003, lr  }
0x1b: {  	s9 =	sadd.s32 $0xFFFFFEF7, lr;
	s5 =	simm.s32 $0xFFFFFFFF;
	p2 =	slt.u32 s8, $0xFFFFF086  }
0x1c: {  	p1 =	slt.u32 s9, $0xF7A;
	s5 =	simm.s32 @!p2 $0x0  }
0x1d: {  	s5 =	simm.s32 @p1 $0x1;
	p0 =	seq.s32 s7, s2  }
0x1e: {  	s7 =	smul.u32 @!p0 $0xF7A, s2;
	p2 =	seq.s32 @!p0 s5, $0x0  }
0x1f: {  	s9 =	smul.u32 $0xF7A, s1;
	s8 =	simm.s32 @!p0 $0x1BF5;
	p2 =	por !p2, p0  }
0x20: {  	[sflag:s8] =	ssyncset.s32 @!p0 $0xFFFFF086;
	s6 =	sadd.s32 @!p0 s3, s7;
	s7 =	simm.s32 @!p0 $0x108  }
0x21: {  	s3 =	sadd.s32 s3, s9;
	s6 =	sadd.s32 @!p0 $0x88, s6;
	s7 =	simm.s32 @p2 $0x1082  }
0x22: {  	[simem:s7], [sflag:s8] =	dma.local @!p0 [hbm:s6], $0xF7A  }
0x23: {  	s9 =	sor.u32 $0xD0000000, s2;
	s6 =	simm.s32 $0x108;
	_ =	swait.ge @!p0 [sflag:s8], $0x0  }
0x24: {  	s3 =	sadd.s32 $0x88, s3;
	s6 =	simm.s32 @!p1 $0x1082;
	[sflag:s4] =	ssyncset.s32 $0xFFFFF086  }
0x25: {  	[simem:s6], [sflag:s4] =	dma.local [hbm:s3], $0xF7A  }
0x26: {  	[smem:$0x3F9B] =	sst s1;
	(tag) =	ssettag s2;
	_ =	strace s9  }
0x27: {  	s1 =	sld [smem:$0x3FAB]  }
0x28: {  	s2 =	sld [smem:$0x3FAC]  }
0x29: {  	s4 =	sld [smem:$0x3FAE]  }
0x2a: {  	p0 =	seq.s32 s5, $0x0;
	s5 =	sld [smem:$0x3FAF]  }
0x2b: {  	s6 =	sld [smem:$0x3FB0]  }
0x2c: {  	s7 =	sld [smem:$0x3FB1]  }
0x2d: {  	s3 =	simm.s32 $0x108;
	s8 =	sld [smem:$0x3FB2]  }
0x2e: {  	s3 =	simm.s32 @!p0 $0x1082;
	s9 =	sld [smem:$0x3FB3]  }
0x2f: {  	lr =	sadd.s32 s0, s3;
	s0 =	sld [smem:$0x3FAA]  }
0x30: {  	s3 =	sld [smem:$0x3FAD]  }
0x31: {  	[smem:$0x3FB6] =	sst s10  }
0x32: {  	s10 =	sld [smem:$0x3FB4];
	_ =	sdelay $0x3  }
0x33: {  	p0 =	seq.s32 s10, $0x1;
	s10 =	sld [smem:$0x3FB6];
	_ =	sdelay $0x3  }
0x34: {  	[smem:$0x3FB6] =	sst s10  }
0x35: {  	s10 =	sld [smem:$0x3FB5];
	_ =	sdelay $0x3  }
0x36: {  	p1 =	seq.s32 s10, $0x1;
	s10 =	sld [smem:$0x3FB6];
	_ =	sdelay $0x3  }
0x37: {  	[smem:$0x3FB6] =	sst s10  }
0x38: {  	s10 =	sld [smem:$0x3FB7]  }
0x39: {  	_ = 	snop;
	(pc) =	sbr.ind lr, $3  }
0x3a: {  	_ = 	snop  }
0x3b: {  	_ = 	snop  }
0x3c: {  	p2 =	seq.s32 s10, $0x1;
	s10 =	sld [smem:$0x3FB6]  }
0x3d: {  	_ =	shalt  }
0x3e: {  	_ =	shalt  }
0x3f: {  	_ =	shalt  }
0x40: {  	_ =	shalt  }
0x41: {  	_ =	shalt  }
0x42: {  	_ =	shalt  }
0x43: {  	_ =	shalt  }
0x44: {  	_ =	shalt  }
0x45: {  	_ =	shalt  }
0x46: {  	_ =	shalt  }
0x47: {  	_ =	shalt  }
0x48: {  	_ =	shalt  }
0x49: {  	_ =	shalt  }
0x4a: {  	_ =	shalt  }
0x4b: {  	_ =	shalt  }
0x4c: {  	_ =	shalt  }
0x4d: {  	_ =	shalt  }
0x4e: {  	_ =	shalt  }
0x4f: {  	_ =	shalt  }
0x50: {  	_ =	shalt  }
0x51: {  	_ =	shalt  }
0x52: {  	_ =	shalt  }
0x53: {  	_ =	shalt  }
0x54: {  	_ =	shalt  }
0x55: {  	_ =	shalt  }
0x56: {  	_ =	shalt  }
0x57: {  	_ =	shalt  }
0x58: {  	_ =	shalt  }
0x59: {  	_ =	shalt  }
0x5a: {  	_ =	shalt  }
0x5b: {  	_ =	shalt  }
0x5c: {  	_ =	shalt  }
0x5d: {  	_ =	shalt  }
0x5e: {  	_ =	shalt  }
0x5f: {  	_ =	shalt  }
0x60: {  	_ =	shalt  }
0x61: {  	_ =	shalt  }
0x62: {  	_ =	shalt  }
0x63: {  	_ =	shalt  }
0x64: {  	_ =	shalt  }
0x65: {  	_ =	shalt  }
0x66: {  	_ =	shalt  }
0x67: {  	_ =	shalt  }
0x68: {  	_ =	shalt  }
0x69: {  	_ =	shalt  }
0x6a: {  	_ =	shalt  }
0x6b: {  	_ =	shalt  }
0x6c: {  	_ =	shalt  }
0x6d: {  	_ =	shalt  }
0x6e: {  	_ =	shalt  }
0x6f: {  	_ =	shalt  }
0x70: {  	_ =	shalt  }
0x71: {  	_ =	shalt  }
0x72: {  	_ =	shalt  }
0x73: {  	_ =	shalt  }
0x74: {  	_ =	shalt  }
0x75: {  	_ =	shalt  }
0x76: {  	_ =	shalt  }
0x77: {  	_ =	shalt  }
0x78: {  	_ =	shalt  }
0x79: {  	_ =	shalt  }
0x7a: {  	_ =	shalt  }
0x7b: {  	_ =	shalt  }
0x7c: {  	_ =	shalt  }
0x7d: {  	_ =	shalt  }
0x7e: {  	_ =	shalt  }
0x7f: {  	_ =	shalt  }
0x80: {  	_ =	shalt  }
0x81: {  	_ =	shalt  }
0x82: {  	_ =	shalt  }
0x83: {  	_ =	shalt  }
0x84: {  	_ =	shalt  }
0x85: {  	_ =	shalt  }
0x86: {  	_ =	shalt  }
0x87: {  	_ =	shalt  }
.Lfunc_end0:
.L_simem_size_0:
called_computation_lowered:
.L_overlay_start_0:
0x88: {  	s2 =	sld [smem:$0x3FD9]  }
0x89: {  	s3 =	sld [smem:$0x3FFE];
	_ =	sdelay $0x1  }
0x8a: {  	s1 =	srdreg.scid  }
0x8b: {  	s0 =	sand.u32 $0x1, s1  }
0x8c: {  	s17 =	sshll.u32 s0, $0xA;
	s2 =	sadd.s32 s3, s2  }
0x8d: {  	s2 =	sadd.s32 s2, s17  }
0x8e: {  	[smem:$0x3FC2] =	sst s2  }
0x8f: {  	_ = 	snop  }
0x90: {  	s2 =	sld [smem:$0x3FD0];
	(tm) =	ssettm $0x1  }
0x91: {  	s18 =	sld [smem:$0x3FFB];
	_ =	sdelay $0x3  }
0x92: {  	_ =	strace s18  }
0x93: {  	s3 =	sld [smem:$0x3FFC];
	_ =	sdelay $0x3  }
0x94: {  	_ =	strace s3  }
0x95: {  	s3 =	sld [smem:$0x3FFD];
	_ =	sdelay $0x3  }
0x96: {  	_ =	strace s3  }
0x97: {  	_ =	strace $0x8FFFFFFF  }
0x98: {  	s19 =	sld [smem:$0x3FDB];
	_ =	sdelay $0x1  }
0x99: {  	s4 =	simm.s32 $_scs_section_size  }
0x9a: {  	s5 =	simm.s32 $_size__tile_overlayer_lowered;
	s6 =	simm.s32 $_tile_overlayer_lowered  }
0x9b: {  	s22 =	simm.s32 $0x1BFF;
	s21 =	sshll.u32 s6, $0x1;
	s3 =	sadd.s32 s4, s19  }
0x9c: {  	s7 =	simm.s32 $0x0;
	s20 =	sshll.u32 s5, $0x1;
	s5 =	sadd.s32 s21, s3  }
0x9d: {  	[timem:s7], [sflag:s22] =	dma.local [hbm:s5], s20  }
0x9e: {  	_ =	swait.ge [sflag:s22], s20  }
0x9f: {  	s4 =	ssub.s32 $0x0, s20;
	[sflag:s22] =	ssyncset.done $0x0  }
0xa0: {  	[sflag:s22] =	ssyncadd.s32 s4;
	_ =	sdelay $0x1  }
0xa1: {  	s23 =	simm.s32 $0x1B8B  }
0xa2: {  	_ =	swait.ge [sflag:s23], $0x1  }
0xa3: {  	[sflag:s23] =	ssyncset.done $0x0  }
0xa4: {  	s25 =	simm.s32 $0x1B8E;
	s24 =	sld [smem:$0x3FFE];
	[sflag:s23] =	ssyncadd.s32 $0xFFFFFFFF  }
0xa5: {  	s26 =	simm.s32 $execute0_lowered;
	[smem:$0x3FD2] =	sst s25  }
0xa6: {  	s5 =	sshll.u32 s26, $0x1;
	_ =	strace $0x80000046;
	[dreg:$0x1] =	wrdreg $0xFFFFFFFF  }
0xa7: {  	s28 =	simm.s32 $_size_execute0_lowered;
	s3 =	sadd.s32 s3, s5;
	[dreg:$0x0] =	wrdreg $0x0  }
0xa8: {  	s5 =	sshll.u32 s28, $0x1;
	[dreg:$0x2] =	wrdreg s3  }
0xa9: {  	[dreg:$0x3] =	wrdreg s5  }
0xaa: {  	[dreg:$0x4] =	wrdreg $0xC0  }
0xab: {  	_ =	task [dreg:s7], $0x5FFFF  }
0xac: {  	[dreg:$0x1] =	wrdreg $0xFFFFFFFF  }
0xad: {  	[dreg:$0x0] =	wrdreg $0x60  }
0xae: {  	[dreg:$0x2] =	wrdreg s24  }
0xaf: {  	[dreg:$0x3] =	wrdreg s2  }
0xb0: {  	[dreg:$0x4] =	wrdreg $0x0  }
0xb1: {  	[dreg:$0x5] =	wrdreg $0x9  }
0xb2: {  	_ =	task.clear_ibuf [dreg:s7], $0x6FFFF;
	_ =	strace $0x90000046  }
0xb3: {  	s29 =	simm.s32 $0x9;
	_ =	strace $0x80000048  }
0xb4: {  	_ =	swait.ge [sflag:s29], $0x1  }
0xb5: {  	[sflag:s29] =	ssyncadd.s32 $0xFFFFFFFF  }
0xb6: {  	_ =	strace $0x90000048  }
0xb7: {  	_ =	sfence  }
0xb8: {  	s30 =	sld [smem:$0x0];
	_ =	sdelay $0x2  }
0xb9: {  	s31 =	sshll.u32 s1, $0xD;
	s1 =	sshrl.u32 s1, $0x2  }
0xba: {  	s3 =	sand.u32 $0x4000, s31;
	s1 =	sadd.s32 s1, s30  }
0xbb: {  	s0 =	sor.u32 s3, s0;
	s1 =	sshll.u32 s1, $0x11  }
0xbc: {  	s0 =	sor.u32 s1, s0  }
0xbd: {  	s0 =	sadd.s32 $0x8F2B, s0  }
0xbe: {  	[sflag:s0] =	ssyncadd.remote.s32 $0x1  }
0xbf: {  	_ =	sfence.sel $0xFFFF  }
0xc0: {  	[dreg:$0x0] =	wrdreg $0xFFFFFFFF;
	(pc) =	sbr.abs _section_cstart, $3  }
0xc1: {  	[dreg:$0x1] =	wrdreg $0xFFFFFFFF  }
0xc2: {  	_ =	task.clear_ibuf [dreg:s7], $0x2FFFF;
	_ =	strace $0x9FFFFFFF  }
0xc3: {  	(tm) =	ssettm $0x7FFFFFFF  }
tec
execute0_lowered:
.L_overlay_start_1:
0x0: {  	(tag) =	ssettag $0x1  }
0x1: {  	s4 =	rddreg [dreg:$0x0]  }
0x2: {  	s5 =	rddreg [dreg:$0x1]  }
0x3: {  	s0 =	srdreg.scid;
	s1 =	rddreg [dreg:$0x2]  }
0x4: {  	s7 =	stileid.u32;
	s2 =	simm.s32 $0x0;
	s11 =	simm.s32 $0x1  }
0x5: {  	s12 =	simm.s32 $0x0;
	s3 =	sand.u32 $0x1, s0;
	s0 =	rddreg [dreg:$0x3]  }
0x6: {  	[smem:$0x7FF] =	sst s2;
	p0 =	sne.s32 s7, $0x0;
	s6 =	sshll.u32 s3, $0x4  }
0x7: {  	s9 =	ssub.s32 $0x2, s3;
	_ =	strace $0x80000047;
	s8 =	sor.u32 s7, s6  }
0x8: {  	s3 =	sadd.s32 $0x1E00, s4;
	s10 =	sshrl.u32 s9, $0x1;
	s8 =	smul.u32 $0x680, s8  }
0x9: {  	s6 =	sadd.s32 s6, s4;
	s7 =	sshrl.u32 @!p0 s1, $0x3;
	s9 =	ssub.s32 s9, s10  }
0xa: {  	s10 =	simm.s32 $0x64;
	s4 =	sadd.s32 s5, s8;
	s5 =	sadd.s32 $0x2400, s6  }
0xb: {  	s6 =	smax.u32 s9, $0x1;
	s8 =	simm.s32 $0x2;
	s9 =	simm.s32 $0x3678  }
.LBB2_1:
0xc: {  	s13 =	simm.s32 @!p0 $0x1C02  }
0xd: {  	[spmem:s7], [sflag:s13] =	dma.local @!p0 [hbm:s3], $0x4F0  }
0xe: {  	s13 =	simm.s32 @!p0 $0x2  }
0xf: {  	_ =	swait.ge @!p0 [sflag:s13], $0x4F0  }
0x10: {  	[sflag:s13] =	ssyncset.done @!p0 $0x0  }
0x11: {  	[sflag:s13] =	ssyncadd.s32 @!p0 $0xFFFFFB10;
	s13 =	simm.s32 $0x278  }
0x12: {  	[tilespmem:s13], [sflag:$0x2] =	stream.linear.gather [hbm4b:s4+s2], $0x3200, $0x38;
	[tilespmem:$0x36F8] =	vst v63  }
0x13: {  	_ =	swait.ge [sflag:s8], $0x3200  }
0x14: {  	[sflag:s8] =	ssyncset.done $0x0  }
0x15: {  	[sflag:s8] =	ssyncadd.s32 $0xFFFFCE00  }
0x16: {  	[tilespmem:s9], [sflag:$0x2] =	stream.linear.gather [hbm4b:s3+s2], $0x64, $0x38;
	[tilespmem:$0x36F8] =	vst v63  }
0x17: {  	_ =	swait.ge [sflag:s8], $0x64  }
0x18: {  	[sflag:s8] =	ssyncset.done $0x0  }
0x19: {  	p1 =	por $0x1, $0x1;
	[sflag:s8] =	ssyncadd.s32 $0xFFFFFF9C  }
0x1a: {  	s15 =	simm.s32 @!p1 $0x1;
	[bflag:$0x0] =	sbarrier.arrive $0xFFFF  }
0x1b: {  	_ =	swait.ge @!p1 [sflag:s15], $0x64  }
0x1c: {  	[sflag:s15] =	ssyncset.done @!p1 $0x0  }
0x1d: {  	s14 =	simm.s32 $0x1;
	[sflag:s15] =	ssyncadd.s32 @!p1 $0xFFFFFF9C;
	s15 =	simm.s32 $0x2F8  }
.LBB2_2:
0x1e: {  	[spmem:s1] =	stream.indirect.scatter.add.f32 [tilespmem:s9], [sflag:$0x1], $0x1, s13, s10, $0xb8;
	[tilespmem:$0x36F8] =	vst v63  }
0x1f: {  	p1 =	slt.u32 s14, $0x8;
	s14 =	sadd.s32 $0x1, s14  }
0x20: {  	p2 =	sne.s32 s14, $0x64  }
.Ltmp0:
0x21: {  	(pc) =	sbr.rel @p2 .LBB2_2-.Ltmp0, $4  }
0x22: {  	s13 =	smov.u32 s15;
	s16 =	simm.s32 @!p1 $0x1  }
0x23: {  	_ =	swait.ge @!p1 [sflag:s16], $0x64  }
0x24: {  	[sflag:s16] =	ssyncset.done @!p1 $0x0  }
0x25: {  	s15 =	sadd.s32 $0x80, s15;
	[sflag:s16] =	ssyncadd.s32 @!p1 $0xFFFFFF9C  }
0x26: {  	[spmem:s1] =	stream.indirect.scatter.add.f32 [tilespmem:s9], [sflag:$0x1], $0x1, s13, s10, $0xb8;
	[tilespmem:$0x36F8] =	vst v63  }
0x27: {  	_ =	swait.ge [sflag:s11], $0x64  }
0x28: {  	[sflag:s11] =	ssyncset.done $0x0  }
0x29: {  	[sflag:s11] =	ssyncadd.s32 $0xFFFFFF9C  }
0x2a: {  	_ =	swait.ge [sflag:s11], $0x64  }
0x2b: {  	[sflag:s11] =	ssyncset.done $0x0  }
0x2c: {  	[sflag:s11] =	ssyncadd.s32 $0xFFFFFF9C  }
0x2d: {  	_ =	swait.ge [sflag:s11], $0x64  }
0x2e: {  	[sflag:s11] =	ssyncset.done $0x0  }
0x2f: {  	[sflag:s11] =	ssyncadd.s32 $0xFFFFFF9C  }
0x30: {  	_ =	swait.ge [sflag:s11], $0x64  }
0x31: {  	[sflag:s11] =	ssyncset.done $0x0  }
0x32: {  	[sflag:s11] =	ssyncadd.s32 $0xFFFFFF9C  }
0x33: {  	_ =	swait.ge [sflag:s11], $0x64  }
0x34: {  	[sflag:s11] =	ssyncset.done $0x0  }
0x35: {  	[sflag:s11] =	ssyncadd.s32 $0xFFFFFF9C  }
0x36: {  	_ =	swait.ge [sflag:s11], $0x64  }
0x37: {  	[sflag:s11] =	ssyncset.done $0x0  }
0x38: {  	[sflag:s11] =	ssyncadd.s32 $0xFFFFFF9C  }
0x39: {  	_ =	swait.ge [sflag:s11], $0x64  }
0x3a: {  	[sflag:s11] =	ssyncset.done $0x0  }
0x3b: {  	[sflag:s11] =	ssyncadd.s32 $0xFFFFFF9C  }
0x3c: {  	_ =	swait.ge [sflag:s11], $0x64  }
0x3d: {  	s13 =	simm.s32 @!p0 $0x1;
	s14 =	simm.s32 @!p0 $0x20;
	[sflag:s11] =	ssyncset.done $0x0  }
0x3e: {  	s15 =	simm.s32 @!p0 $0x10;
	s12 =	sadd.s32 $0x1, s12;
	[sflag:s11] =	ssyncadd.s32 $0xFFFFFF9C  }
0x3f: {  	s16 =	simm.s32 @!p0 $0x1C02;
	p1 =	sne.s32 s12, s6;
	[bflag:$0x0] =	sbarrier.arrive $0xFFFF  }
0x40: {  	[hbm:s5@s14], [sflag:s16] =	dma.strided @!p0 [spmem:s7@s15], $0x4F0, s13, $0x10   }
.Ltmp1:
0x41: {  	_ = 	snop;
	(pc) =	sbr.rel @p1 .LBB2_1-.Ltmp1, $4  }
0x42: {  	s13 =	simm.s32 @!p0 $0x2  }
0x43: {  	_ =	swait.ge @!p0 [sflag:s13], $0x4F0  }
0x44: {  	[sflag:s13] =	ssyncset.done @!p0 $0x0  }
0x45: {  	[sflag:s13] =	ssyncadd.s32 @!p0 $0xFFFFFB10  }
0x46: {  	_ =	sfence.sel $0x180000  }
0x47: {  	[bflag:$0x0] =	sbarrier.arrive $0xFFFF  }
0x48: {  	_ =	strace $0x90000047  }
0x49: {  	s0 =	sadd.s32 @!p0 $0x100000, s0;
	[bflag:$0x2] =	sbarrier.arrive $0xFFFF  }
0x4a: {  	[sflag:s0] =	ssyncadd.tile.s32 @!p0 $0x1;
	_ =	shalt  }
.Lfunc_end2:
_tile_overlayer_lowered:
.L_overlay_start_2:
0x4b: {  	(tag) =	ssettag $0x2  }
0x4c: {  	s0 =	rddreg [dreg:$0x0];
	s2 =	stileid.u32  }
0x4d: {  	s1 =	rddreg [dreg:$0x1];
	p0 =	sne.s32 s2, $0x0  }
0x4e: {  	s3 =	rddreg [dreg:$0x2];
	[bflag:$0x3] =	sbarrier.arrive $0xFFFF;
	s2 =	simm.s32 @!p0 $0x1C02  }
0x4f: {  	[timem:s3], [sflag:s2] =	dma.local @!p0 [hbm:s0], s1  }
0x50: {  	s0 =	simm.s32 @!p0 $0x2  }
0x51: {  	_ =	swait.ge @!p0 [sflag:s0], s1  }
0x52: {  	s1 =	ssub.s32 @!p0 $0x0, s1;
	[sflag:s0] =	ssyncset.done @!p0 $0x0  }
0x53: {  	[sflag:s0] =	ssyncadd.s32 @!p0 s1  }
0x54: {  	[bflag:$0x3] =	sbarrier.arrive $0xFFFF  }
0x55: {  	_ =	shalt  }

</sc_bundles>
